<compile_context>
chip_gen: v7x
topology: tpu7x:2x2x1
jax: 0.10.2.dev20260603
libtpu: 0.0.44.dev20260713+nightly
codegen_flags: <defaults>
</compile_context>

<pallas_src>
import jax
import jax.numpy as jnp
from jax import lax
from jax.experimental import pallas as pl
from jax.experimental.pallas import tpu as pltpu
from jax.experimental.pallas import tpu_sc as plsc

_N = 10000
_E = 320000
_NSUB = 16
_NCORE = 2
_NW = _NSUB * _NCORE
_CHUNK = 128
_CHUNKS = 80
_BLKC = 8
_NBLK = _CHUNKS // _BLKC
_BLK = _BLKC * _CHUNK
_EPAD = _NW * _CHUNKS * _CHUNK
_NACC = 10112
_RPT = _NACC // _NSUB


def _make_edge_scatter(width):
  mesh = plsc.VectorSubcoreMesh(core_axis_name="c", subcore_axis_name="s")

  def body(table_hbm, src_hbm, dst_hbm, zeros_hbm, out_hbm,
           src_v, dst_v, rows0, rows1, sg0, sg1, table_sh, acc_sh):
    c = lax.axis_index("c")
    s = lax.axis_index("s")
    wid = c * _NSUB + s
    pltpu.sync_copy(src_hbm.at[wid], src_v)
    pltpu.sync_copy(dst_hbm.at[wid], dst_v)
    sl = pl.ds(s * _RPT, _RPT)
    pltpu.sync_copy(table_hbm.at[sl], table_sh.at[sl])
    pltpu.sync_copy(zeros_hbm, acc_sh.at[sl])
    plsc.subcore_barrier()

    def gather(j, buf, sem):
      pltpu.async_copy(table_sh.at[src_v.at[j]], buf, sem)

    def gather_wait(buf, sem):
      pltpu.make_async_copy(table_sh.at[src_v.at[0]], buf, sem).wait()

    gather(0, rows0, sg0)

    def pair(t, carry):
      j0 = 2 * t
      gather(j0 + 1, rows1, sg1)
      gather_wait(rows0, sg0)
      pltpu.sync_copy(rows0, acc_sh.at[dst_v.at[j0]], add=True)

      @pl.when(t < _NBLK // 2 - 1)
      def _():
        gather(j0 + 2, rows0, sg0)

      gather_wait(rows1, sg1)
      pltpu.sync_copy(rows1, acc_sh.at[dst_v.at[j0 + 1]], add=True)
      return carry

    lax.fori_loop(0, _NBLK // 2, pair, 0)
    plsc.subcore_barrier()
    pltpu.sync_copy(acc_sh.at[sl], out_hbm.at[c, sl])

  return pl.kernel(
      body,
      out_type=jax.ShapeDtypeStruct((_NCORE, _NACC, width), jnp.float32),
      mesh=mesh,
      compiler_params=pltpu.CompilerParams(use_tc_tiling_on_sc=False),
      scratch_types=[
          pltpu.VMEM((_NBLK, _BLK), jnp.int32),
          pltpu.VMEM((_NBLK, _BLK), jnp.int32),
          pltpu.VMEM((_BLK, width), jnp.float32),
          pltpu.VMEM((_BLK, width), jnp.float32),
          pltpu.SemaphoreType.DMA,
          pltpu.SemaphoreType.DMA,
          pltpu.VMEM_SHARED((_NACC, width), jnp.float32),
          pltpu.VMEM_SHARED((_NACC, width), jnp.float32),
      ],
  )


_DEGW = 8


def _make_degree():
  mesh = plsc.VectorSubcoreMesh(core_axis_name="c", subcore_axis_name="s")

  def body(ones_hbm, dst_hbm, zeros_hbm, out_hbm, dst_v, rows_v, acc_sh, sem):
    c = lax.axis_index("c")
    s = lax.axis_index("s")
    wid = c * _NSUB + s
    pltpu.sync_copy(dst_hbm.at[wid], dst_v)
    pltpu.sync_copy(ones_hbm, rows_v)
    sl = pl.ds(s * _RPT, _RPT)
    pltpu.sync_copy(zeros_hbm, acc_sh.at[sl])
    plsc.subcore_barrier()

    def step(j, carry):
      pltpu.async_copy(rows_v, acc_sh.at[dst_v.at[j]], sem, add=True)
      return carry

    lax.fori_loop(0, _NBLK, step, 0)

    def drain(j, carry):
      pltpu.make_async_copy(rows_v, acc_sh.at[dst_v.at[0]], sem).wait()
      return carry

    lax.fori_loop(0, _NBLK, drain, 0)
    plsc.subcore_barrier()
    pltpu.sync_copy(acc_sh.at[sl], out_hbm.at[c, sl])

  return pl.kernel(
      body,
      out_type=jax.ShapeDtypeStruct((_NCORE, _NACC, _DEGW), jnp.float32),
      mesh=mesh,
      compiler_params=pltpu.CompilerParams(use_tc_tiling_on_sc=False),
      scratch_types=[
          pltpu.VMEM((_NBLK, _BLK), jnp.int32),
          pltpu.VMEM((_BLK, _DEGW), jnp.float32),
          pltpu.VMEM_SHARED((_NACC, _DEGW), jnp.float32),
          pltpu.SemaphoreType.DMA,
      ],
  )


def _dinv_of(degp_ref):
  deg = degp_ref[0, 0:_N, 0:1] + degp_ref[1, 0:_N, 0:1] + 1.0
  return lax.rsqrt(deg)


def _tc_first_body(x_ref, glove_ref, w1_ref, degp_ref, g1_ref):
  dinv = _dinv_of(degp_ref)
  w1p = jnp.dot(glove_ref[...], w1_ref[...], preferred_element_type=jnp.float32)
  g1_ref[0:_N, :] = dinv * jnp.dot(x_ref[...], w1p,
                                   preferred_element_type=jnp.float32)


def _tc_mid_body(sp_ref, g_ref, degp_ref, b_ref, w_ref, out_ref):
  dinv = _dinv_of(degp_ref)
  ssum = sp_ref[0, 0:_N, :] + sp_ref[1, 0:_N, :]
  h = jnp.maximum(dinv * (ssum + g_ref[0:_N, :]) + b_ref[...], 0.0)
  out_ref[0:_N, :] = dinv * jnp.dot(h, w_ref[...],
                                    preferred_element_type=jnp.float32)


def _tc_final_body(sp_ref, g_ref, degp_ref, b_ref, out_ref):
  dinv = _dinv_of(degp_ref)
  ssum = sp_ref[0, 0:_N, :] + sp_ref[1, 0:_N, :]
  o = dinv * (ssum + g_ref[0:_N, :]) + b_ref[...]
  m = jnp.max(o, axis=1, keepdims=True)
  lse = m + jnp.log(jnp.sum(jnp.exp(o - m), axis=1, keepdims=True))
  out_ref[...] = o - lse


_degree = _make_degree()
_scatter32 = _make_edge_scatter(32)
_scatter16 = _make_edge_scatter(16)

_tc_first = pl.pallas_call(
    _tc_first_body,
    out_shape=jax.ShapeDtypeStruct((_NACC, 32), jnp.float32))


def _tc_mid(width):
  return pl.pallas_call(
      _tc_mid_body,
      out_shape=jax.ShapeDtypeStruct((_NACC, width), jnp.float32))


_tc_final = pl.pallas_call(
    _tc_final_body,
    out_shape=jax.ShapeDtypeStruct((_N, 16), jnp.float32))


def kernel(x, edge_index, glove, W1, b1, W2, b2, W3, b3):
  pad = _EPAD - _E
  src_flat = jnp.concatenate([edge_index[0], jnp.zeros((pad,), jnp.int32)])
  sink = _N + jnp.arange(pad, dtype=jnp.int32) % (_NACC - _N)
  dst_flat = jnp.concatenate([edge_index[1], sink])
  srcp = src_flat.reshape(_NW, _NBLK, _BLK)
  dstp = dst_flat.reshape(_NW, _NBLK, _BLK)
  ones = jnp.ones((_BLK, _DEGW), jnp.float32)
  z8 = jnp.zeros((_RPT, _DEGW), jnp.float32)
  z32 = jnp.zeros((_RPT, 32), jnp.float32)
  z16 = jnp.zeros((_RPT, 16), jnp.float32)

  degp = _degree(ones, dstp, z8)
  g1 = _tc_first(x, glove, W1, degp)
  s1 = _scatter32(g1, srcp, dstp, z32)
  g2 = _tc_mid(32)(s1, g1, degp, b1.reshape(1, -1), W2)
  s2 = _scatter32(g2, srcp, dstp, z32)
  g3 = _tc_mid(16)(s2, g2, degp, b2.reshape(1, -1), W3)
  s3 = _scatter16(g3, srcp, dstp, z16)
  return _tc_final(s3, g3, degp, b3.reshape(1, -1))

# --- scband reference (transcript-rebuilt; emitter-appended) ---
"""Pipeline reference for scband-model-8400956030986 (READ-ONLY COPY).

The authoritative reference and input builder live on the scoring server;
editing this copy changes nothing except your own understanding.
"""

import jax, jax.numpy as jnp
import numpy as np

N = 10000
E = 320000
D = 128
H = 32
C = 16


def setup_inputs(seed: int = 0) -> dict:
    key = jax.random.key(seed)
    ks = jax.random.split(key, 8)
    x = jax.random.normal(ks[0], (N, D), dtype=jnp.float32)
    edge_index = jax.random.randint(ks[1], (2, E), 0, N, dtype=jnp.int32)
    glove = jnp.eye(D, dtype=jnp.float32)
    def lin(k, fan_in, fan_out):
        return jax.random.normal(k, (fan_in, fan_out), dtype=jnp.float32) * (1.0 / np.sqrt(fan_in))
    W1 = lin(ks[2], D, H)
    b1 = jnp.zeros((H,), jnp.float32)
    W2 = lin(ks[3], H, H)
    b2 = jnp.zeros((H,), jnp.float32)
    W3 = lin(ks[4], H, C)
    b3 = jnp.zeros((C,), jnp.float32)
    return {"x": x, "edge_index": edge_index, "glove": glove,
            "W1": W1, "b1": b1, "W2": W2, "b2": b2, "W3": W3, "b3": b3}


def gcn_conv(x, edge_index, W, b):
    # GCNConv with self-loops and symmetric normalization (edge_weight=None -> all ones)
    n = x.shape[0]
    loops = jnp.arange(n, dtype=edge_index.dtype)
    src = jnp.concatenate([edge_index[0], loops])
    dst = jnp.concatenate([edge_index[1], loops])
    deg = jnp.zeros((n,), jnp.float32).at[dst].add(1.0)
    dinv = jax.lax.rsqrt(jnp.maximum(deg, 1.0))
    h = x @ W
    coef = (dinv[src] * dinv[dst])[:, None]
    out = jnp.zeros((n, W.shape[1]), jnp.float32).at[dst].add(h[src] * coef)
    return out + b


def reference(x, edge_index, glove, W1, b1, W2, b2, W3, b3):
    # x = x @ glove_matrix (identity for non-TWITTER datasets)
    h = x @ glove
    # hidden layers: relu(GCN) ; dropout is identity in eval mode
    h = jax.nn.relu(gcn_conv(h, edge_index, W1, b1))
    h = jax.nn.relu(gcn_conv(h, edge_index, W2, b2))
    # final layer + log_softmax
    h = gcn_conv(h, edge_index, W3, b3)
    return jax.nn.log_softmax(h, axis=1)

if __name__ == "__main__":
    import jax
    _d = setup_inputs()
    print(jax.jit(kernel)(*tuple(_d.values())))

</pallas_src>

<mosaic_0001>
#map = affine_map<(d0, d1) -> (0, 0)>
#map1 = affine_map<(d0, d1) -> (0, 0, 0)>
module attributes {stable_mosaic.version = 14 : i64} {
  func.func @body(%arg0: i32, %arg1: i32, %arg2: memref<1024x8xf32, #tpu.memory_space<hbm>>, %arg3: memref<32x10x1024xi32, #tpu.memory_space<hbm>>, %arg4: memref<632x8xf32, #tpu.memory_space<hbm>>, %arg5: memref<2x10112x8xf32, #tpu.memory_space<hbm>>, %arg6: memref<10x1024xi32, #tpu.memory_space<vmem>>, %arg7: memref<1024x8xf32, #tpu.memory_space<vmem>>, %arg8: memref<10112x8xf32, #tpu.memory_space<vmem_shared>>, %arg9: memref<!tpu.dma_semaphore, #tpu.memory_space<semaphore_mem>>) attributes {dimension_semantics = [#tpu.dimension_semantics<core_parallel>, #tpu.dimension_semantics<subcore_parallel>], iteration_bounds = array<i64: 2, 16>, scalar_prefetch = 0 : i64, scratch_operands = 4 : i64, tpu.core_type = #tpu.core_type<sc_vector_subcore>, window_params = [{transform_indices = #map}, {transform_indices = #map1}, {transform_indices = #map}, {transform_indices = #map1}]} {
    %mul3A = arith.constant 16 : i32
    %mul3A_0 = arith.muli %arg0, %mul3A : i32
    %add3A = arith.addi %mul3A_0, %arg1 : i32
    "tpu.region"() ({
      %run_scoped3A = tpu.sem_alloc : memref<!tpu.dma_semaphore, #tpu.memory_space<semaphore_mem>>
      %dma_start3A = arith.constant 0 : i32
      %dma_start3A_15 = arith.constant 0 : i32
      %dma_start3A_16 = tpu.memref_slice %arg3[%add3A, %dma_start3A, %dma_start3A_15] : memref<32x10x1024xi32, #tpu.memory_space<hbm>> -> memref<1x10x1024xi32, #tpu.memory_space<hbm>>
      %dma_start3A_17 = tpu.memref_squeeze %dma_start3A_16 : memref<1x10x1024xi32, #tpu.memory_space<hbm>> -> memref<10x1024xi32, #tpu.memory_space<hbm>>
      %dma_start3A_18 = arith.constant 0 : i32
      %dma_start3A_19 = arith.constant 0 : i32
      %dma_start3A_20 = tpu.memref_slice %arg3[%add3A, %dma_start3A_18, %dma_start3A_19] : memref<32x10x1024xi32, #tpu.memory_space<hbm>> -> memref<1x10x1024xi32, #tpu.memory_space<hbm>>
      %dma_start3A_21 = tpu.memref_squeeze %dma_start3A_20 : memref<1x10x1024xi32, #tpu.memory_space<hbm>> -> memref<10x1024xi32, #tpu.memory_space<hbm>>
      tpu.enqueue_dma source(%dma_start3A_21 : memref<10x1024xi32, #tpu.memory_space<hbm>>) target(%arg6 : memref<10x1024xi32, #tpu.memory_space<vmem>>) target_semaphore(%run_scoped3A : memref<!tpu.dma_semaphore, #tpu.memory_space<semaphore_mem>>)
      %dma_wait3A = arith.constant 0 : i32
      %dma_wait3A_22 = arith.constant 0 : i32
      %dma_wait3A_23 = tpu.memref_slice %arg3[%add3A, %dma_wait3A, %dma_wait3A_22] : memref<32x10x1024xi32, #tpu.memory_space<hbm>> -> memref<1x10x1024xi32, #tpu.memory_space<hbm>>
      %dma_wait3A_24 = tpu.memref_squeeze %dma_wait3A_23 : memref<1x10x1024xi32, #tpu.memory_space<hbm>> -> memref<10x1024xi32, #tpu.memory_space<hbm>>
      %dma_wait3A_25 = arith.constant 0 : i32
      %dma_wait3A_26 = arith.constant 0 : i32
      %dma_wait3A_27 = tpu.memref_slice %arg3[%add3A, %dma_wait3A_25, %dma_wait3A_26] : memref<32x10x1024xi32, #tpu.memory_space<hbm>> -> memref<1x10x1024xi32, #tpu.memory_space<hbm>>
      %dma_wait3A_28 = tpu.memref_squeeze %dma_wait3A_27 : memref<1x10x1024xi32, #tpu.memory_space<hbm>> -> memref<10x1024xi32, #tpu.memory_space<hbm>>
      tpu.wait_dma2 semaphore(%run_scoped3A : memref<!tpu.dma_semaphore, #tpu.memory_space<semaphore_mem>>) src(%dma_wait3A_28 : memref<10x1024xi32, #tpu.memory_space<hbm>>) dst(%arg6 : memref<10x1024xi32, #tpu.memory_space<vmem>>)
      tpu.yield
    }) : () -> ()
    "tpu.region"() ({
      %run_scoped3A = tpu.sem_alloc : memref<!tpu.dma_semaphore, #tpu.memory_space<semaphore_mem>>
      tpu.enqueue_dma source(%arg2 : memref<1024x8xf32, #tpu.memory_space<hbm>>) target(%arg7 : memref<1024x8xf32, #tpu.memory_space<vmem>>) target_semaphore(%run_scoped3A : memref<!tpu.dma_semaphore, #tpu.memory_space<semaphore_mem>>)
      tpu.wait_dma2 semaphore(%run_scoped3A : memref<!tpu.dma_semaphore, #tpu.memory_space<semaphore_mem>>) src(%arg2 : memref<1024x8xf32, #tpu.memory_space<hbm>>) dst(%arg7 : memref<1024x8xf32, #tpu.memory_space<vmem>>)
      tpu.yield
    }) : () -> ()
    %mul3A_1 = arith.constant 632 : i32
    %mul3A_2 = arith.muli %arg1, %mul3A_1 : i32
    "tpu.region"() ({
      %run_scoped3A = tpu.sem_alloc : memref<!tpu.dma_semaphore, #tpu.memory_space<semaphore_mem>>
      %dma_start3A = arith.constant 0 : i32
      %dma_start3A_15 = tpu.memref_slice %arg8[%mul3A_2, %dma_start3A] : memref<10112x8xf32, #tpu.memory_space<vmem_shared>> -> memref<632x8xf32, #tpu.memory_space<vmem_shared>>
      tpu.enqueue_dma source(%arg4 : memref<632x8xf32, #tpu.memory_space<hbm>>) target(%dma_start3A_15 : memref<632x8xf32, #tpu.memory_space<vmem_shared>>) target_semaphore(%run_scoped3A : memref<!tpu.dma_semaphore, #tpu.memory_space<semaphore_mem>>)
      %dma_wait3A = arith.constant 0 : i32
      %dma_wait3A_16 = tpu.memref_slice %arg8[%mul3A_2, %dma_wait3A] : memref<10112x8xf32, #tpu.memory_space<vmem_shared>> -> memref<632x8xf32, #tpu.memory_space<vmem_shared>>
      tpu.wait_dma2 semaphore(%run_scoped3A : memref<!tpu.dma_semaphore, #tpu.memory_space<semaphore_mem>>) src(%arg4 : memref<632x8xf32, #tpu.memory_space<hbm>>) dst(%dma_wait3A_16 : memref<632x8xf32, #tpu.memory_space<vmem_shared>>)
      tpu.yield
    }) : () -> ()
    %barrier3A = arith.constant 0 : index
    tpu.barrier barrier_id(%barrier3A)
    %scan3A = arith.constant 0 : i32
    %scan3A_3 = arith.constant 0 : i32
    %scan3A_4 = arith.constant 10 : i32
    %scan3A_5 = arith.addi %scan3A_3, %scan3A_4 : i32
    %scan3A_6 = arith.constant 1 : i32
    scf.for %scan3A_15 = %scan3A_3 to %scan3A_5 step %scan3A_6  : i32 {
      %dma_start3A = arith.constant 0 : i32
      %dma_start3A_16 = tpu.memref_slice %arg6[%scan3A_15, %dma_start3A] : memref<10x1024xi32, #tpu.memory_space<vmem>> -> memref<1x1024xi32, #tpu.memory_space<vmem>>
      %dma_start3A_17 = tpu.memref_squeeze %dma_start3A_16 : memref<1x1024xi32, #tpu.memory_space<vmem>> -> memref<1024xi32, #tpu.memory_space<vmem>>
      %dma_start3A_18 = arith.constant 0 : i32
      %dma_start3A_19 = arith.constant 0 : i32
      %dma_start3A_20 = tpu.memref_slice %arg8[%dma_start3A_18, %dma_start3A_19] : memref<10112x8xf32, #tpu.memory_space<vmem_shared>> -> memref<10112x8xf32, #tpu.memory_space<vmem_shared>>
      tpu.enqueue_indirect_dma source(%arg7 : memref<1024x8xf32, #tpu.memory_space<vmem>>) target(%dma_start3A_20 : memref<10112x8xf32, #tpu.memory_space<vmem_shared>>) offsets(%dma_start3A_17 : memref<1024xi32, #tpu.memory_space<vmem>>) semaphore(%arg9 : memref<!tpu.dma_semaphore, #tpu.memory_space<semaphore_mem>>) {add = true}
    }
    %scan3A_7 = arith.constant 10 : i32
    %scan3A_8 = arith.constant 0 : i32
    %scan3A_9 = arith.constant 0 : i32
    %scan3A_10 = arith.constant 10 : i32
    %scan3A_11 = arith.addi %scan3A_9, %scan3A_10 : i32
    %scan3A_12 = arith.constant 1 : i32
    scf.for %scan3A_15 = %scan3A_9 to %scan3A_11 step %scan3A_12  : i32 {
      %dma_wait3A = arith.constant 0 : i32
      %dma_wait3A_16 = arith.constant 0 : i32
      %dma_wait3A_17 = tpu.memref_slice %arg6[%dma_wait3A, %dma_wait3A_16] : memref<10x1024xi32, #tpu.memory_space<vmem>> -> memref<1x1024xi32, #tpu.memory_space<vmem>>
      %dma_wait3A_18 = tpu.memref_squeeze %dma_wait3A_17 : memref<1x1024xi32, #tpu.memory_space<vmem>> -> memref<1024xi32, #tpu.memory_space<vmem>>
      %dma_wait3A_19 = arith.constant 0 : i32
      %dma_wait3A_20 = arith.constant 0 : i32
      %dma_wait3A_21 = tpu.memref_slice %arg8[%dma_wait3A_19, %dma_wait3A_20] : memref<10112x8xf32, #tpu.memory_space<vmem_shared>> -> memref<10112x8xf32, #tpu.memory_space<vmem_shared>>
      tpu.wait_indirect_dma semaphore(%arg9 : memref<!tpu.dma_semaphore, #tpu.memory_space<semaphore_mem>>) src(%arg7 : memref<1024x8xf32, #tpu.memory_space<vmem>>) dst(%dma_wait3A_21 : memref<10112x8xf32, #tpu.memory_space<vmem_shared>>)
    }
    %scan3A_13 = arith.constant 10 : i32
    %barrier3A_14 = arith.constant 0 : index
    tpu.barrier barrier_id(%barrier3A_14)
    "tpu.region"() ({
      %run_scoped3A = tpu.sem_alloc : memref<!tpu.dma_semaphore, #tpu.memory_space<semaphore_mem>>
      %dma_start3A = arith.constant 0 : i32
      %dma_start3A_15 = tpu.memref_slice %arg5[%arg0, %mul3A_2, %dma_start3A] : memref<2x10112x8xf32, #tpu.memory_space<hbm>> -> memref<1x632x8xf32, #tpu.memory_space<hbm>>
      %dma_start3A_16 = tpu.memref_squeeze %dma_start3A_15 : memref<1x632x8xf32, #tpu.memory_space<hbm>> -> memref<632x8xf32, #tpu.memory_space<hbm>>
      %dma_start3A_17 = arith.constant 0 : i32
      %dma_start3A_18 = tpu.memref_slice %arg8[%mul3A_2, %dma_start3A_17] : memref<10112x8xf32, #tpu.memory_space<vmem_shared>> -> memref<632x8xf32, #tpu.memory_space<vmem_shared>>
      tpu.enqueue_dma source(%dma_start3A_18 : memref<632x8xf32, #tpu.memory_space<vmem_shared>>) target(%dma_start3A_16 : memref<632x8xf32, #tpu.memory_space<hbm>>) target_semaphore(%run_scoped3A : memref<!tpu.dma_semaphore, #tpu.memory_space<semaphore_mem>>)
      %dma_wait3A = arith.constant 0 : i32
      %dma_wait3A_19 = tpu.memref_slice %arg5[%arg0, %mul3A_2, %dma_wait3A] : memref<2x10112x8xf32, #tpu.memory_space<hbm>> -> memref<1x632x8xf32, #tpu.memory_space<hbm>>
      %dma_wait3A_20 = tpu.memref_squeeze %dma_wait3A_19 : memref<1x632x8xf32, #tpu.memory_space<hbm>> -> memref<632x8xf32, #tpu.memory_space<hbm>>
      %dma_wait3A_21 = arith.constant 0 : i32
      %dma_wait3A_22 = tpu.memref_slice %arg8[%mul3A_2, %dma_wait3A_21] : memref<10112x8xf32, #tpu.memory_space<vmem_shared>> -> memref<632x8xf32, #tpu.memory_space<vmem_shared>>
      tpu.wait_dma2 semaphore(%run_scoped3A : memref<!tpu.dma_semaphore, #tpu.memory_space<semaphore_mem>>) src(%dma_wait3A_22 : memref<632x8xf32, #tpu.memory_space<vmem_shared>>) dst(%dma_wait3A_20 : memref<632x8xf32, #tpu.memory_space<hbm>>)
      tpu.yield
    }) : () -> ()
    return
  }
}

#map = affine_map<(d0, d1) -> (0, 0)>
#map1 = affine_map<(d0, d1) -> (0, 0, 0)>
module attributes {stable_mosaic.version = 14 : i64} {
  func.func @body(%arg0: i32, %arg1: i32, %arg2: memref<10112x16xf32, #tpu.memory_space<hbm>>, %arg3: memref<32x10x1024xi32, #tpu.memory_space<hbm>>, %arg4: memref<32x10x1024xi32, #tpu.memory_space<hbm>>, %arg5: memref<632x16xf32, #tpu.memory_space<hbm>>, %arg6: memref<2x10112x16xf32, #tpu.memory_space<hbm>>, %arg7: memref<10x1024xi32, #tpu.memory_space<vmem>>, %arg8: memref<10x1024xi32, #tpu.memory_space<vmem>>, %arg9: memref<1024x16xf32, #tpu.memory_space<vmem>>, %arg10: memref<1024x16xf32, #tpu.memory_space<vmem>>, %arg11: memref<!tpu.dma_semaphore, #tpu.memory_space<semaphore_mem>>, %arg12: memref<!tpu.dma_semaphore, #tpu.memory_space<semaphore_mem>>, %arg13: memref<10112x16xf32, #tpu.memory_space<vmem_shared>>, %arg14: memref<10112x16xf32, #tpu.memory_space<vmem_shared>>) attributes {dimension_semantics = [#tpu.dimension_semantics<core_parallel>, #tpu.dimension_semantics<subcore_parallel>], iteration_bounds = array<i64: 2, 16>, scalar_prefetch = 0 : i64, scratch_operands = 8 : i64, tpu.core_type = #tpu.core_type<sc_vector_subcore>, window_params = [{transform_indices = #map}, {transform_indices = #map1}, {transform_indices = #map1}, {transform_indices = #map}, {transform_indices = #map1}]} {
    %mul3A = arith.constant 16 : i32
    %mul3A_0 = arith.muli %arg0, %mul3A : i32
    %add3A = arith.addi %mul3A_0, %arg1 : i32
    "tpu.region"() ({
      %run_scoped3A = tpu.sem_alloc : memref<!tpu.dma_semaphore, #tpu.memory_space<semaphore_mem>>
      %dma_start3A_15 = arith.constant 0 : i32
      %dma_start3A_16 = arith.constant 0 : i32
      %dma_start3A_17 = tpu.memref_slice %arg3[%add3A, %dma_start3A_15, %dma_start3A_16] : memref<32x10x1024xi32, #tpu.memory_space<hbm>> -> memref<1x10x1024xi32, #tpu.memory_space<hbm>>
      %dma_start3A_18 = tpu.memref_squeeze %dma_start3A_17 : memref<1x10x1024xi32, #tpu.memory_space<hbm>> -> memref<10x1024xi32, #tpu.memory_space<hbm>>
      %dma_start3A_19 = arith.constant 0 : i32
      %dma_start3A_20 = arith.constant 0 : i32
      %dma_start3A_21 = tpu.memref_slice %arg3[%add3A, %dma_start3A_19, %dma_start3A_20] : memref<32x10x1024xi32, #tpu.memory_space<hbm>> -> memref<1x10x1024xi32, #tpu.memory_space<hbm>>
      %dma_start3A_22 = tpu.memref_squeeze %dma_start3A_21 : memref<1x10x1024xi32, #tpu.memory_space<hbm>> -> memref<10x1024xi32, #tpu.memory_space<hbm>>
      tpu.enqueue_dma source(%dma_start3A_22 : memref<10x1024xi32, #tpu.memory_space<hbm>>) target(%arg7 : memref<10x1024xi32, #tpu.memory_space<vmem>>) target_semaphore(%run_scoped3A : memref<!tpu.dma_semaphore, #tpu.memory_space<semaphore_mem>>)
      %dma_wait3A = arith.constant 0 : i32
      %dma_wait3A_23 = arith.constant 0 : i32
      %dma_wait3A_24 = tpu.memref_slice %arg3[%add3A, %dma_wait3A, %dma_wait3A_23] : memref<32x10x1024xi32, #tpu.memory_space<hbm>> -> memref<1x10x1024xi32, #tpu.memory_space<hbm>>
      %dma_wait3A_25 = tpu.memref_squeeze %dma_wait3A_24 : memref<1x10x1024xi32, #tpu.memory_space<hbm>> -> memref<10x1024xi32, #tpu.memory_space<hbm>>
      %dma_wait3A_26 = arith.constant 0 : i32
      %dma_wait3A_27 = arith.constant 0 : i32
      %dma_wait3A_28 = tpu.memref_slice %arg3[%add3A, %dma_wait3A_26, %dma_wait3A_27] : memref<32x10x1024xi32, #tpu.memory_space<hbm>> -> memref<1x10x1024xi32, #tpu.memory_space<hbm>>
      %dma_wait3A_29 = tpu.memref_squeeze %dma_wait3A_28 : memref<1x10x1024xi32, #tpu.memory_space<hbm>> -> memref<10x1024xi32, #tpu.memory_space<hbm>>
      tpu.wait_dma2 semaphore(%run_scoped3A : memref<!tpu.dma_semaphore, #tpu.memory_space<semaphore_mem>>) src(%dma_wait3A_29 : memref<10x1024xi32, #tpu.memory_space<hbm>>) dst(%arg7 : memref<10x1024xi32, #tpu.memory_space<vmem>>)
      tpu.yield
    }) : () -> ()
    "tpu.region"() ({
      %run_scoped3A = tpu.sem_alloc : memref<!tpu.dma_semaphore, #tpu.memory_space<semaphore_mem>>
      %dma_start3A_15 = arith.constant 0 : i32
      %dma_start3A_16 = arith.constant 0 : i32
      %dma_start3A_17 = tpu.memref_slice %arg4[%add3A, %dma_start3A_15, %dma_start3A_16] : memref<32x10x1024xi32, #tpu.memory_space<hbm>> -> memref<1x10x1024xi32, #tpu.memory_space<hbm>>
      %dma_start3A_18 = tpu.memref_squeeze %dma_start3A_17 : memref<1x10x1024xi32, #tpu.memory_space<hbm>> -> memref<10x1024xi32, #tpu.memory_space<hbm>>
      %dma_start3A_19 = arith.constant 0 : i32
      %dma_start3A_20 = arith.constant 0 : i32
      %dma_start3A_21 = tpu.memref_slice %arg4[%add3A, %dma_start3A_19, %dma_start3A_20] : memref<32x10x1024xi32, #tpu.memory_space<hbm>> -> memref<1x10x1024xi32, #tpu.memory_space<hbm>>
      %dma_start3A_22 = tpu.memref_squeeze %dma_start3A_21 : memref<1x10x1024xi32, #tpu.memory_space<hbm>> -> memref<10x1024xi32, #tpu.memory_space<hbm>>
      tpu.enqueue_dma source(%dma_start3A_22 : memref<10x1024xi32, #tpu.memory_space<hbm>>) target(%arg8 : memref<10x1024xi32, #tpu.memory_space<vmem>>) target_semaphore(%run_scoped3A : memref<!tpu.dma_semaphore, #tpu.memory_space<semaphore_mem>>)
      %dma_wait3A = arith.constant 0 : i32
      %dma_wait3A_23 = arith.constant 0 : i32
      %dma_wait3A_24 = tpu.memref_slice %arg4[%add3A, %dma_wait3A, %dma_wait3A_23] : memref<32x10x1024xi32, #tpu.memory_space<hbm>> -> memref<1x10x1024xi32, #tpu.memory_space<hbm>>
      %dma_wait3A_25 = tpu.memref_squeeze %dma_wait3A_24 : memref<1x10x1024xi32, #tpu.memory_space<hbm>> -> memref<10x1024xi32, #tpu.memory_space<hbm>>
      %dma_wait3A_26 = arith.constant 0 : i32
      %dma_wait3A_27 = arith.constant 0 : i32
      %dma_wait3A_28 = tpu.memref_slice %arg4[%add3A, %dma_wait3A_26, %dma_wait3A_27] : memref<32x10x1024xi32, #tpu.memory_space<hbm>> -> memref<1x10x1024xi32, #tpu.memory_space<hbm>>
      %dma_wait3A_29 = tpu.memref_squeeze %dma_wait3A_28 : memref<1x10x1024xi32, #tpu.memory_space<hbm>> -> memref<10x1024xi32, #tpu.memory_space<hbm>>
      tpu.wait_dma2 semaphore(%run_scoped3A : memref<!tpu.dma_semaphore, #tpu.memory_space<semaphore_mem>>) src(%dma_wait3A_29 : memref<10x1024xi32, #tpu.memory_space<hbm>>) dst(%arg8 : memref<10x1024xi32, #tpu.memory_space<vmem>>)
      tpu.yield
    }) : () -> ()
    %mul3A_1 = arith.constant 632 : i32
    %mul3A_2 = arith.muli %arg1, %mul3A_1 : i32
    "tpu.region"() ({
      %run_scoped3A = tpu.sem_alloc : memref<!tpu.dma_semaphore, #tpu.memory_space<semaphore_mem>>
      %dma_start3A_15 = arith.constant 0 : i32
      %dma_start3A_16 = tpu.memref_slice %arg13[%mul3A_2, %dma_start3A_15] : memref<10112x16xf32, #tpu.memory_space<vmem_shared>> -> memref<632x16xf32, #tpu.memory_space<vmem_shared>>
      %dma_start3A_17 = arith.constant 0 : i32
      %dma_start3A_18 = tpu.memref_slice %arg2[%mul3A_2, %dma_start3A_17] : memref<10112x16xf32, #tpu.memory_space<hbm>> -> memref<632x16xf32, #tpu.memory_space<hbm>>
      tpu.enqueue_dma source(%dma_start3A_18 : memref<632x16xf32, #tpu.memory_space<hbm>>) target(%dma_start3A_16 : memref<632x16xf32, #tpu.memory_space<vmem_shared>>) target_semaphore(%run_scoped3A : memref<!tpu.dma_semaphore, #tpu.memory_space<semaphore_mem>>)
      %dma_wait3A = arith.constant 0 : i32
      %dma_wait3A_19 = tpu.memref_slice %arg13[%mul3A_2, %dma_wait3A] : memref<10112x16xf32, #tpu.memory_space<vmem_shared>> -> memref<632x16xf32, #tpu.memory_space<vmem_shared>>
      %dma_wait3A_20 = arith.constant 0 : i32
      %dma_wait3A_21 = tpu.memref_slice %arg2[%mul3A_2, %dma_wait3A_20] : memref<10112x16xf32, #tpu.memory_space<hbm>> -> memref<632x16xf32, #tpu.memory_space<hbm>>
      tpu.wait_dma2 semaphore(%run_scoped3A : memref<!tpu.dma_semaphore, #tpu.memory_space<semaphore_mem>>) src(%dma_wait3A_21 : memref<632x16xf32, #tpu.memory_space<hbm>>) dst(%dma_wait3A_19 : memref<632x16xf32, #tpu.memory_space<vmem_shared>>)
      tpu.yield
    }) : () -> ()
    "tpu.region"() ({
      %run_scoped3A = tpu.sem_alloc : memref<!tpu.dma_semaphore, #tpu.memory_space<semaphore_mem>>
      %dma_start3A_15 = arith.constant 0 : i32
      %dma_start3A_16 = tpu.memref_slice %arg14[%mul3A_2, %dma_start3A_15] : memref<10112x16xf32, #tpu.memory_space<vmem_shared>> -> memref<632x16xf32, #tpu.memory_space<vmem_shared>>
      tpu.enqueue_dma source(%arg5 : memref<632x16xf32, #tpu.memory_space<hbm>>) target(%dma_start3A_16 : memref<632x16xf32, #tpu.memory_space<vmem_shared>>) target_semaphore(%run_scoped3A : memref<!tpu.dma_semaphore, #tpu.memory_space<semaphore_mem>>)
      %dma_wait3A = arith.constant 0 : i32
      %dma_wait3A_17 = tpu.memref_slice %arg14[%mul3A_2, %dma_wait3A] : memref<10112x16xf32, #tpu.memory_space<vmem_shared>> -> memref<632x16xf32, #tpu.memory_space<vmem_shared>>
      tpu.wait_dma2 semaphore(%run_scoped3A : memref<!tpu.dma_semaphore, #tpu.memory_space<semaphore_mem>>) src(%arg5 : memref<632x16xf32, #tpu.memory_space<hbm>>) dst(%dma_wait3A_17 : memref<632x16xf32, #tpu.memory_space<vmem_shared>>)
      tpu.yield
    }) : () -> ()
    %barrier3A = arith.constant 0 : index
    tpu.barrier barrier_id(%barrier3A)
    %dma_start3A = arith.constant 0 : i32
    %dma_start3A_3 = arith.constant 0 : i32
    %dma_start3A_4 = tpu.memref_slice %arg7[%dma_start3A, %dma_start3A_3] : memref<10x1024xi32, #tpu.memory_space<vmem>> -> memref<1x1024xi32, #tpu.memory_space<vmem>>
    %dma_start3A_5 = tpu.memref_squeeze %dma_start3A_4 : memref<1x1024xi32, #tpu.memory_space<vmem>> -> memref<1024xi32, #tpu.memory_space<vmem>>
    %dma_start3A_6 = arith.constant 0 : i32
    %dma_start3A_7 = arith.constant 0 : i32
    %dma_start3A_8 = tpu.memref_slice %arg13[%dma_start3A_6, %dma_start3A_7] : memref<10112x16xf32, #tpu.memory_space<vmem_shared>> -> memref<10112x16xf32, #tpu.memory_space<vmem_shared>>
    tpu.enqueue_indirect_dma source(%dma_start3A_8 : memref<10112x16xf32, #tpu.memory_space<vmem_shared>>) target(%arg9 : memref<1024x16xf32, #tpu.memory_space<vmem>>) offsets(%dma_start3A_5 : memref<1024xi32, #tpu.memory_space<vmem>>) semaphore(%arg11 : memref<!tpu.dma_semaphore, #tpu.memory_space<semaphore_mem>>)
    %scan3A = arith.constant 0 : i32
    %scan3A_9 = arith.constant 0 : i32
    %scan3A_10 = arith.constant 5 : i32
    %scan3A_11 = arith.addi %scan3A_9, %scan3A_10 : i32
    %scan3A_12 = arith.constant 1 : i32
    scf.for %scan3A_15 = %scan3A_9 to %scan3A_11 step %scan3A_12  : i32 {
      %mul3A_16 = arith.constant 2 : i32
      %mul3A_17 = arith.muli %mul3A_16, %scan3A_15 : i32
      %add3A_18 = arith.constant 1 : i32
      %add3A_19 = arith.addi %mul3A_17, %add3A_18 : i32
      %dma_start3A_20 = arith.constant 0 : i32
      %dma_start3A_21 = tpu.memref_slice %arg7[%add3A_19, %dma_start3A_20] : memref<10x1024xi32, #tpu.memory_space<vmem>> -> memref<1x1024xi32, #tpu.memory_space<vmem>>
      %dma_start3A_22 = tpu.memref_squeeze %dma_start3A_21 : memref<1x1024xi32, #tpu.memory_space<vmem>> -> memref<1024xi32, #tpu.memory_space<vmem>>
      %dma_start3A_23 = arith.constant 0 : i32
      %dma_start3A_24 = arith.constant 0 : i32
      %dma_start3A_25 = tpu.memref_slice %arg13[%dma_start3A_23, %dma_start3A_24] : memref<10112x16xf32, #tpu.memory_space<vmem_shared>> -> memref<10112x16xf32, #tpu.memory_space<vmem_shared>>
      tpu.enqueue_indirect_dma source(%dma_start3A_25 : memref<10112x16xf32, #tpu.memory_space<vmem_shared>>) target(%arg10 : memref<1024x16xf32, #tpu.memory_space<vmem>>) offsets(%dma_start3A_22 : memref<1024xi32, #tpu.memory_space<vmem>>) semaphore(%arg12 : memref<!tpu.dma_semaphore, #tpu.memory_space<semaphore_mem>>)
      %dma_wait3A = arith.constant 0 : i32
      %dma_wait3A_26 = arith.constant 0 : i32
      %dma_wait3A_27 = tpu.memref_slice %arg7[%dma_wait3A, %dma_wait3A_26] : memref<10x1024xi32, #tpu.memory_space<vmem>> -> memref<1x1024xi32, #tpu.memory_space<vmem>>
      %dma_wait3A_28 = tpu.memref_squeeze %dma_wait3A_27 : memref<1x1024xi32, #tpu.memory_space<vmem>> -> memref<1024xi32, #tpu.memory_space<vmem>>
      %dma_wait3A_29 = arith.constant 0 : i32
      %dma_wait3A_30 = arith.constant 0 : i32
      %dma_wait3A_31 = tpu.memref_slice %arg13[%dma_wait3A_29, %dma_wait3A_30] : memref<10112x16xf32, #tpu.memory_space<vmem_shared>> -> memref<10112x16xf32, #tpu.memory_space<vmem_shared>>
      tpu.wait_indirect_dma semaphore(%arg11 : memref<!tpu.dma_semaphore, #tpu.memory_space<semaphore_mem>>) src(%dma_wait3A_31 : memref<10112x16xf32, #tpu.memory_space<vmem_shared>>) dst(%arg9 : memref<1024x16xf32, #tpu.memory_space<vmem>>)
      "tpu.region"() ({
        %run_scoped3A = tpu.sem_alloc : memref<!tpu.dma_semaphore, #tpu.memory_space<semaphore_mem>>
        %dma_start3A_43 = arith.constant 0 : i32
        %dma_start3A_44 = tpu.memref_slice %arg8[%mul3A_17, %dma_start3A_43] : memref<10x1024xi32, #tpu.memory_space<vmem>> -> memref<1x1024xi32, #tpu.memory_space<vmem>>
        %dma_start3A_45 = tpu.memref_squeeze %dma_start3A_44 : memref<1x1024xi32, #tpu.memory_space<vmem>> -> memref<1024xi32, #tpu.memory_space<vmem>>
        %dma_start3A_46 = arith.constant 0 : i32
        %dma_start3A_47 = arith.constant 0 : i32
        %dma_start3A_48 = tpu.memref_slice %arg14[%dma_start3A_46, %dma_start3A_47] : memref<10112x16xf32, #tpu.memory_space<vmem_shared>> -> memref<10112x16xf32, #tpu.memory_space<vmem_shared>>
        tpu.enqueue_indirect_dma source(%arg9 : memref<1024x16xf32, #tpu.memory_space<vmem>>) target(%dma_start3A_48 : memref<10112x16xf32, #tpu.memory_space<vmem_shared>>) offsets(%dma_start3A_45 : memref<1024xi32, #tpu.memory_space<vmem>>) semaphore(%run_scoped3A : memref<!tpu.dma_semaphore, #tpu.memory_space<semaphore_mem>>) {add = true}
        %dma_wait3A_49 = arith.constant 0 : i32
        %dma_wait3A_50 = tpu.memref_slice %arg8[%mul3A_17, %dma_wait3A_49] : memref<10x1024xi32, #tpu.memory_space<vmem>> -> memref<1x1024xi32, #tpu.memory_space<vmem>>
        %dma_wait3A_51 = tpu.memref_squeeze %dma_wait3A_50 : memref<1x1024xi32, #tpu.memory_space<vmem>> -> memref<1024xi32, #tpu.memory_space<vmem>>
        %dma_wait3A_52 = arith.constant 0 : i32
        %dma_wait3A_53 = arith.constant 0 : i32
        %dma_wait3A_54 = tpu.memref_slice %arg14[%dma_wait3A_52, %dma_wait3A_53] : memref<10112x16xf32, #tpu.memory_space<vmem_shared>> -> memref<10112x16xf32, #tpu.memory_space<vmem_shared>>
        tpu.wait_indirect_dma semaphore(%run_scoped3A : memref<!tpu.dma_semaphore, #tpu.memory_space<semaphore_mem>>) src(%arg9 : memref<1024x16xf32, #tpu.memory_space<vmem>>) dst(%dma_wait3A_54 : memref<10112x16xf32, #tpu.memory_space<vmem_shared>>)
        tpu.yield
      }) : () -> ()
      %lt3A = arith.constant 4 : i32
      %lt3A_32 = arith.cmpi slt, %scan3A_15, %lt3A : i32
      %convert_element_type3A = arith.extui %lt3A_32 : i1 to i32
      %cond3A = arith.constant 0 : i32
      %cond3A_33 = arith.cmpi ne, %convert_element_type3A, %cond3A : i32
      scf.if %cond3A_33 {
        %add3A_43 = arith.constant 2 : i32
        %add3A_44 = arith.addi %mul3A_17, %add3A_43 : i32
        %dma_start3A_45 = arith.constant 0 : i32
        %dma_start3A_46 = tpu.memref_slice %arg7[%add3A_44, %dma_start3A_45] : memref<10x1024xi32, #tpu.memory_space<vmem>> -> memref<1x1024xi32, #tpu.memory_space<vmem>>
        %dma_start3A_47 = tpu.memref_squeeze %dma_start3A_46 : memref<1x1024xi32, #tpu.memory_space<vmem>> -> memref<1024xi32, #tpu.memory_space<vmem>>
        %dma_start3A_48 = arith.constant 0 : i32
        %dma_start3A_49 = arith.constant 0 : i32
        %dma_start3A_50 = tpu.memref_slice %arg13[%dma_start3A_48, %dma_start3A_49] : memref<10112x16xf32, #tpu.memory_space<vmem_shared>> -> memref<10112x16xf32, #tpu.memory_space<vmem_shared>>
        tpu.enqueue_indirect_dma source(%dma_start3A_50 : memref<10112x16xf32, #tpu.memory_space<vmem_shared>>) target(%arg9 : memref<1024x16xf32, #tpu.memory_space<vmem>>) offsets(%dma_start3A_47 : memref<1024xi32, #tpu.memory_space<vmem>>) semaphore(%arg11 : memref<!tpu.dma_semaphore, #tpu.memory_space<semaphore_mem>>)
      } else {
      }
      %dma_wait3A_34 = arith.constant 0 : i32
      %dma_wait3A_35 = arith.constant 0 : i32
      %dma_wait3A_36 = tpu.memref_slice %arg7[%dma_wait3A_34, %dma_wait3A_35] : memref<10x1024xi32, #tpu.memory_space<vmem>> -> memref<1x1024xi32, #tpu.memory_space<vmem>>
      %dma_wait3A_37 = tpu.memref_squeeze %dma_wait3A_36 : memref<1x1024xi32, #tpu.memory_space<vmem>> -> memref<1024xi32, #tpu.memory_space<vmem>>
      %dma_wait3A_38 = arith.constant 0 : i32
      %dma_wait3A_39 = arith.constant 0 : i32
      %dma_wait3A_40 = tpu.memref_slice %arg13[%dma_wait3A_38, %dma_wait3A_39] : memref<10112x16xf32, #tpu.memory_space<vmem_shared>> -> memref<10112x16xf32, #tpu.memory_space<vmem_shared>>
      tpu.wait_indirect_dma semaphore(%arg12 : memref<!tpu.dma_semaphore, #tpu.memory_space<semaphore_mem>>) src(%dma_wait3A_40 : memref<10112x16xf32, #tpu.memory_space<vmem_shared>>) dst(%arg10 : memref<1024x16xf32, #tpu.memory_space<vmem>>)
      %add3A_41 = arith.constant 1 : i32
      %add3A_42 = arith.addi %mul3A_17, %add3A_41 : i32
      "tpu.region"() ({
        %run_scoped3A = tpu.sem_alloc : memref<!tpu.dma_semaphore, #tpu.memory_space<semaphore_mem>>
        %dma_start3A_43 = arith.constant 0 : i32
        %dma_start3A_44 = tpu.memref_slice %arg8[%add3A_42, %dma_start3A_43] : memref<10x1024xi32, #tpu.memory_space<vmem>> -> memref<1x1024xi32, #tpu.memory_space<vmem>>
        %dma_start3A_45 = tpu.memref_squeeze %dma_start3A_44 : memref<1x1024xi32, #tpu.memory_space<vmem>> -> memref<1024xi32, #tpu.memory_space<vmem>>
        %dma_start3A_46 = arith.constant 0 : i32
        %dma_start3A_47 = arith.constant 0 : i32
        %dma_start3A_48 = tpu.memref_slice %arg14[%dma_start3A_46, %dma_start3A_47] : memref<10112x16xf32, #tpu.memory_space<vmem_shared>> -> memref<10112x16xf32, #tpu.memory_space<vmem_shared>>
        tpu.enqueue_indirect_dma source(%arg10 : memref<1024x16xf32, #tpu.memory_space<vmem>>) target(%dma_start3A_48 : memref<10112x16xf32, #tpu.memory_space<vmem_shared>>) offsets(%dma_start3A_45 : memref<1024xi32, #tpu.memory_space<vmem>>) semaphore(%run_scoped3A : memref<!tpu.dma_semaphore, #tpu.memory_space<semaphore_mem>>) {add = true}
        %dma_wait3A_49 = arith.constant 0 : i32
        %dma_wait3A_50 = tpu.memref_slice %arg8[%add3A_42, %dma_wait3A_49] : memref<10x1024xi32, #tpu.memory_space<vmem>> -> memref<1x1024xi32, #tpu.memory_space<vmem>>
        %dma_wait3A_51 = tpu.memref_squeeze %dma_wait3A_50 : memref<1x1024xi32, #tpu.memory_space<vmem>> -> memref<1024xi32, #tpu.memory_space<vmem>>
        %dma_wait3A_52 = arith.constant 0 : i32
        %dma_wait3A_53 = arith.constant 0 : i32
        %dma_wait3A_54 = tpu.memref_slice %arg14[%dma_wait3A_52, %dma_wait3A_53] : memref<10112x16xf32, #tpu.memory_space<vmem_shared>> -> memref<10112x16xf32, #tpu.memory_space<vmem_shared>>
        tpu.wait_indirect_dma semaphore(%run_scoped3A : memref<!tpu.dma_semaphore, #tpu.memory_space<semaphore_mem>>) src(%arg10 : memref<1024x16xf32, #tpu.memory_space<vmem>>) dst(%dma_wait3A_54 : memref<10112x16xf32, #tpu.memory_space<vmem_shared>>)
        tpu.yield
      }) : () -> ()
    }
    %scan3A_13 = arith.constant 5 : i32
    %barrier3A_14 = arith.constant 0 : index
    tpu.barrier barrier_id(%barrier3A_14)
    "tpu.region"() ({
      %run_scoped3A = tpu.sem_alloc : memref<!tpu.dma_semaphore, #tpu.memory_space<semaphore_mem>>
      %dma_start3A_15 = arith.constant 0 : i32
      %dma_start3A_16 = tpu.memref_slice %arg6[%arg0, %mul3A_2, %dma_start3A_15] : memref<2x10112x16xf32, #tpu.memory_space<hbm>> -> memref<1x632x16xf32, #tpu.memory_space<hbm>>
      %dma_start3A_17 = tpu.memref_squeeze %dma_start3A_16 : memref<1x632x16xf32, #tpu.memory_space<hbm>> -> memref<632x16xf32, #tpu.memory_space<hbm>>
      %dma_start3A_18 = arith.constant 0 : i32
      %dma_start3A_19 = tpu.memref_slice %arg14[%mul3A_2, %dma_start3A_18] : memref<10112x16xf32, #tpu.memory_space<vmem_shared>> -> memref<632x16xf32, #tpu.memory_space<vmem_shared>>
      tpu.enqueue_dma source(%dma_start3A_19 : memref<632x16xf32, #tpu.memory_space<vmem_shared>>) target(%dma_start3A_17 : memref<632x16xf32, #tpu.memory_space<hbm>>) target_semaphore(%run_scoped3A : memref<!tpu.dma_semaphore, #tpu.memory_space<semaphore_mem>>)
      %dma_wait3A = arith.constant 0 : i32
      %dma_wait3A_20 = tpu.memref_slice %arg6[%arg0, %mul3A_2, %dma_wait3A] : memref<2x10112x16xf32, #tpu.memory_space<hbm>> -> memref<1x632x16xf32, #tpu.memory_space<hbm>>
      %dma_wait3A_21 = tpu.memref_squeeze %dma_wait3A_20 : memref<1x632x16xf32, #tpu.memory_space<hbm>> -> memref<632x16xf32, #tpu.memory_space<hbm>>
      %dma_wait3A_22 = arith.constant 0 : i32
      %dma_wait3A_23 = tpu.memref_slice %arg14[%mul3A_2, %dma_wait3A_22] : memref<10112x16xf32, #tpu.memory_space<vmem_shared>> -> memref<632x16xf32, #tpu.memory_space<vmem_shared>>
      tpu.wait_dma2 semaphore(%run_scoped3A : memref<!tpu.dma_semaphore, #tpu.memory_space<semaphore_mem>>) src(%dma_wait3A_23 : memref<632x16xf32, #tpu.memory_space<vmem_shared>>) dst(%dma_wait3A_21 : memref<632x16xf32, #tpu.memory_space<hbm>>)
      tpu.yield
    }) : () -> ()
    return
  }
}

#map = affine_map<(d0, d1) -> (0, 0)>
#map1 = affine_map<(d0, d1) -> (0, 0, 0)>
module attributes {stable_mosaic.version = 14 : i64} {
  func.func @body(%arg0: i32, %arg1: i32, %arg2: memref<10112x32xf32, #tpu.memory_space<hbm>>, %arg3: memref<32x10x1024xi32, #tpu.memory_space<hbm>>, %arg4: memref<32x10x1024xi32, #tpu.memory_space<hbm>>, %arg5: memref<632x32xf32, #tpu.memory_space<hbm>>, %arg6: memref<2x10112x32xf32, #tpu.memory_space<hbm>>, %arg7: memref<10x1024xi32, #tpu.memory_space<vmem>>, %arg8: memref<10x1024xi32, #tpu.memory_space<vmem>>, %arg9: memref<1024x32xf32, #tpu.memory_space<vmem>>, %arg10: memref<1024x32xf32, #tpu.memory_space<vmem>>, %arg11: memref<!tpu.dma_semaphore, #tpu.memory_space<semaphore_mem>>, %arg12: memref<!tpu.dma_semaphore, #tpu.memory_space<semaphore_mem>>, %arg13: memref<10112x32xf32, #tpu.memory_space<vmem_shared>>, %arg14: memref<10112x32xf32, #tpu.memory_space<vmem_shared>>) attributes {dimension_semantics = [#tpu.dimension_semantics<core_parallel>, #tpu.dimension_semantics<subcore_parallel>], iteration_bounds = array<i64: 2, 16>, scalar_prefetch = 0 : i64, scratch_operands = 8 : i64, tpu.core_type = #tpu.core_type<sc_vector_subcore>, window_params = [{transform_indices = #map}, {transform_indices = #map1}, {transform_indices = #map1}, {transform_indices = #map}, {transform_indices = #map1}]} {
    %mul3A = arith.constant 16 : i32
    %mul3A_0 = arith.muli %arg0, %mul3A : i32
    %add3A = arith.addi %mul3A_0, %arg1 : i32
    "tpu.region"() ({
      %run_scoped3A = tpu.sem_alloc : memref<!tpu.dma_semaphore, #tpu.memory_space<semaphore_mem>>
      %dma_start3A_15 = arith.constant 0 : i32
      %dma_start3A_16 = arith.constant 0 : i32
      %dma_start3A_17 = tpu.memref_slice %arg3[%add3A, %dma_start3A_15, %dma_start3A_16] : memref<32x10x1024xi32, #tpu.memory_space<hbm>> -> memref<1x10x1024xi32, #tpu.memory_space<hbm>>
      %dma_start3A_18 = tpu.memref_squeeze %dma_start3A_17 : memref<1x10x1024xi32, #tpu.memory_space<hbm>> -> memref<10x1024xi32, #tpu.memory_space<hbm>>
      %dma_start3A_19 = arith.constant 0 : i32
      %dma_start3A_20 = arith.constant 0 : i32
      %dma_start3A_21 = tpu.memref_slice %arg3[%add3A, %dma_start3A_19, %dma_start3A_20] : memref<32x10x1024xi32, #tpu.memory_space<hbm>> -> memref<1x10x1024xi32, #tpu.memory_space<hbm>>
      %dma_start3A_22 = tpu.memref_squeeze %dma_start3A_21 : memref<1x10x1024xi32, #tpu.memory_space<hbm>> -> memref<10x1024xi32, #tpu.memory_space<hbm>>
      tpu.enqueue_dma source(%dma_start3A_22 : memref<10x1024xi32, #tpu.memory_space<hbm>>) target(%arg7 : memref<10x1024xi32, #tpu.memory_space<vmem>>) target_semaphore(%run_scoped3A : memref<!tpu.dma_semaphore, #tpu.memory_space<semaphore_mem>>)
      %dma_wait3A = arith.constant 0 : i32
      %dma_wait3A_23 = arith.constant 0 : i32
      %dma_wait3A_24 = tpu.memref_slice %arg3[%add3A, %dma_wait3A, %dma_wait3A_23] : memref<32x10x1024xi32, #tpu.memory_space<hbm>> -> memref<1x10x1024xi32, #tpu.memory_space<hbm>>
      %dma_wait3A_25 = tpu.memref_squeeze %dma_wait3A_24 : memref<1x10x1024xi32, #tpu.memory_space<hbm>> -> memref<10x1024xi32, #tpu.memory_space<hbm>>
      %dma_wait3A_26 = arith.constant 0 : i32
      %dma_wait3A_27 = arith.constant 0 : i32
      %dma_wait3A_28 = tpu.memref_slice %arg3[%add3A, %dma_wait3A_26, %dma_wait3A_27] : memref<32x10x1024xi32, #tpu.memory_space<hbm>> -> memref<1x10x1024xi32, #tpu.memory_space<hbm>>
      %dma_wait3A_29 = tpu.memref_squeeze %dma_wait3A_28 : memref<1x10x1024xi32, #tpu.memory_space<hbm>> -> memref<10x1024xi32, #tpu.memory_space<hbm>>
      tpu.wait_dma2 semaphore(%run_scoped3A : memref<!tpu.dma_semaphore, #tpu.memory_space<semaphore_mem>>) src(%dma_wait3A_29 : memref<10x1024xi32, #tpu.memory_space<hbm>>) dst(%arg7 : memref<10x1024xi32, #tpu.memory_space<vmem>>)
      tpu.yield
    }) : () -> ()
    "tpu.region"() ({
      %run_scoped3A = tpu.sem_alloc : memref<!tpu.dma_semaphore, #tpu.memory_space<semaphore_mem>>
      %dma_start3A_15 = arith.constant 0 : i32
      %dma_start3A_16 = arith.constant 0 : i32
      %dma_start3A_17 = tpu.memref_slice %arg4[%add3A, %dma_start3A_15, %dma_start3A_16] : memref<32x10x1024xi32, #tpu.memory_space<hbm>> -> memref<1x10x1024xi32, #tpu.memory_space<hbm>>
      %dma_start3A_18 = tpu.memref_squeeze %dma_start3A_17 : memref<1x10x1024xi32, #tpu.memory_space<hbm>> -> memref<10x1024xi32, #tpu.memory_space<hbm>>
      %dma_start3A_19 = arith.constant 0 : i32
      %dma_start3A_20 = arith.constant 0 : i32
      %dma_start3A_21 = tpu.memref_slice %arg4[%add3A, %dma_start3A_19, %dma_start3A_20] : memref<32x10x1024xi32, #tpu.memory_space<hbm>> -> memref<1x10x1024xi32, #tpu.memory_space<hbm>>
      %dma_start3A_22 = tpu.memref_squeeze %dma_start3A_21 : memref<1x10x1024xi32, #tpu.memory_space<hbm>> -> memref<10x1024xi32, #tpu.memory_space<hbm>>
      tpu.enqueue_dma source(%dma_start3A_22 : memref<10x1024xi32, #tpu.memory_space<hbm>>) target(%arg8 : memref<10x1024xi32, #tpu.memory_space<vmem>>) target_semaphore(%run_scoped3A : memref<!tpu.dma_semaphore, #tpu.memory_space<semaphore_mem>>)
      %dma_wait3A = arith.constant 0 : i32
      %dma_wait3A_23 = arith.constant 0 : i32
      %dma_wait3A_24 = tpu.memref_slice %arg4[%add3A, %dma_wait3A, %dma_wait3A_23] : memref<32x10x1024xi32, #tpu.memory_space<hbm>> -> memref<1x10x1024xi32, #tpu.memory_space<hbm>>
      %dma_wait3A_25 = tpu.memref_squeeze %dma_wait3A_24 : memref<1x10x1024xi32, #tpu.memory_space<hbm>> -> memref<10x1024xi32, #tpu.memory_space<hbm>>
      %dma_wait3A_26 = arith.constant 0 : i32
      %dma_wait3A_27 = arith.constant 0 : i32
      %dma_wait3A_28 = tpu.memref_slice %arg4[%add3A, %dma_wait3A_26, %dma_wait3A_27] : memref<32x10x1024xi32, #tpu.memory_space<hbm>> -> memref<1x10x1024xi32, #tpu.memory_space<hbm>>
      %dma_wait3A_29 = tpu.memref_squeeze %dma_wait3A_28 : memref<1x10x1024xi32, #tpu.memory_space<hbm>> -> memref<10x1024xi32, #tpu.memory_space<hbm>>
      tpu.wait_dma2 semaphore(%run_scoped3A : memref<!tpu.dma_semaphore, #tpu.memory_space<semaphore_mem>>) src(%dma_wait3A_29 : memref<10x1024xi32, #tpu.memory_space<hbm>>) dst(%arg8 : memref<10x1024xi32, #tpu.memory_space<vmem>>)
      tpu.yield
    }) : () -> ()
    %mul3A_1 = arith.constant 632 : i32
    %mul3A_2 = arith.muli %arg1, %mul3A_1 : i32
    "tpu.region"() ({
      %run_scoped3A = tpu.sem_alloc : memref<!tpu.dma_semaphore, #tpu.memory_space<semaphore_mem>>
      %dma_start3A_15 = arith.constant 0 : i32
      %dma_start3A_16 = tpu.memref_slice %arg13[%mul3A_2, %dma_start3A_15] : memref<10112x32xf32, #tpu.memory_space<vmem_shared>> -> memref<632x32xf32, #tpu.memory_space<vmem_shared>>
      %dma_start3A_17 = arith.constant 0 : i32
      %dma_start3A_18 = tpu.memref_slice %arg2[%mul3A_2, %dma_start3A_17] : memref<10112x32xf32, #tpu.memory_space<hbm>> -> memref<632x32xf32, #tpu.memory_space<hbm>>
      tpu.enqueue_dma source(%dma_start3A_18 : memref<632x32xf32, #tpu.memory_space<hbm>>) target(%dma_start3A_16 : memref<632x32xf32, #tpu.memory_space<vmem_shared>>) target_semaphore(%run_scoped3A : memref<!tpu.dma_semaphore, #tpu.memory_space<semaphore_mem>>)
      %dma_wait3A = arith.constant 0 : i32
      %dma_wait3A_19 = tpu.memref_slice %arg13[%mul3A_2, %dma_wait3A] : memref<10112x32xf32, #tpu.memory_space<vmem_shared>> -> memref<632x32xf32, #tpu.memory_space<vmem_shared>>
      %dma_wait3A_20 = arith.constant 0 : i32
      %dma_wait3A_21 = tpu.memref_slice %arg2[%mul3A_2, %dma_wait3A_20] : memref<10112x32xf32, #tpu.memory_space<hbm>> -> memref<632x32xf32, #tpu.memory_space<hbm>>
      tpu.wait_dma2 semaphore(%run_scoped3A : memref<!tpu.dma_semaphore, #tpu.memory_space<semaphore_mem>>) src(%dma_wait3A_21 : memref<632x32xf32, #tpu.memory_space<hbm>>) dst(%dma_wait3A_19 : memref<632x32xf32, #tpu.memory_space<vmem_shared>>)
      tpu.yield
    }) : () -> ()
    "tpu.region"() ({
      %run_scoped3A = tpu.sem_alloc : memref<!tpu.dma_semaphore, #tpu.memory_space<semaphore_mem>>
      %dma_start3A_15 = arith.constant 0 : i32
      %dma_start3A_16 = tpu.memref_slice %arg14[%mul3A_2, %dma_start3A_15] : memref<10112x32xf32, #tpu.memory_space<vmem_shared>> -> memref<632x32xf32, #tpu.memory_space<vmem_shared>>
      tpu.enqueue_dma source(%arg5 : memref<632x32xf32, #tpu.memory_space<hbm>>) target(%dma_start3A_16 : memref<632x32xf32, #tpu.memory_space<vmem_shared>>) target_semaphore(%run_scoped3A : memref<!tpu.dma_semaphore, #tpu.memory_space<semaphore_mem>>)
      %dma_wait3A = arith.constant 0 : i32
      %dma_wait3A_17 = tpu.memref_slice %arg14[%mul3A_2, %dma_wait3A] : memref<10112x32xf32, #tpu.memory_space<vmem_shared>> -> memref<632x32xf32, #tpu.memory_space<vmem_shared>>
      tpu.wait_dma2 semaphore(%run_scoped3A : memref<!tpu.dma_semaphore, #tpu.memory_space<semaphore_mem>>) src(%arg5 : memref<632x32xf32, #tpu.memory_space<hbm>>) dst(%dma_wait3A_17 : memref<632x32xf32, #tpu.memory_space<vmem_shared>>)
      tpu.yield
    }) : () -> ()
    %barrier3A = arith.constant 0 : index
    tpu.barrier barrier_id(%barrier3A)
    %dma_start3A = arith.constant 0 : i32
    %dma_start3A_3 = arith.constant 0 : i32
    %dma_start3A_4 = tpu.memref_slice %arg7[%dma_start3A, %dma_start3A_3] : memref<10x1024xi32, #tpu.memory_space<vmem>> -> memref<1x1024xi32, #tpu.memory_space<vmem>>
    %dma_start3A_5 = tpu.memref_squeeze %dma_start3A_4 : memref<1x1024xi32, #tpu.memory_space<vmem>> -> memref<1024xi32, #tpu.memory_space<vmem>>
    %dma_start3A_6 = arith.constant 0 : i32
    %dma_start3A_7 = arith.constant 0 : i32
    %dma_start3A_8 = tpu.memref_slice %arg13[%dma_start3A_6, %dma_start3A_7] : memref<10112x32xf32, #tpu.memory_space<vmem_shared>> -> memref<10112x32xf32, #tpu.memory_space<vmem_shared>>
    tpu.enqueue_indirect_dma source(%dma_start3A_8 : memref<10112x32xf32, #tpu.memory_space<vmem_shared>>) target(%arg9 : memref<1024x32xf32, #tpu.memory_space<vmem>>) offsets(%dma_start3A_5 : memref<1024xi32, #tpu.memory_space<vmem>>) semaphore(%arg11 : memref<!tpu.dma_semaphore, #tpu.memory_space<semaphore_mem>>)
    %scan3A = arith.constant 0 : i32
    %scan3A_9 = arith.constant 0 : i32
    %scan3A_10 = arith.constant 5 : i32
    %scan3A_11 = arith.addi %scan3A_9, %scan3A_10 : i32
    %scan3A_12 = arith.constant 1 : i32
    scf.for %scan3A_15 = %scan3A_9 to %scan3A_11 step %scan3A_12  : i32 {
      %mul3A_16 = arith.constant 2 : i32
      %mul3A_17 = arith.muli %mul3A_16, %scan3A_15 : i32
      %add3A_18 = arith.constant 1 : i32
      %add3A_19 = arith.addi %mul3A_17, %add3A_18 : i32
      %dma_start3A_20 = arith.constant 0 : i32
      %dma_start3A_21 = tpu.memref_slice %arg7[%add3A_19, %dma_start3A_20] : memref<10x1024xi32, #tpu.memory_space<vmem>> -> memref<1x1024xi32, #tpu.memory_space<vmem>>
      %dma_start3A_22 = tpu.memref_squeeze %dma_start3A_21 : memref<1x1024xi32, #tpu.memory_space<vmem>> -> memref<1024xi32, #tpu.memory_space<vmem>>
      %dma_start3A_23 = arith.constant 0 : i32
      %dma_start3A_24 = arith.constant 0 : i32
      %dma_start3A_25 = tpu.memref_slice %arg13[%dma_start3A_23, %dma_start3A_24] : memref<10112x32xf32, #tpu.memory_space<vmem_shared>> -> memref<10112x32xf32, #tpu.memory_space<vmem_shared>>
      tpu.enqueue_indirect_dma source(%dma_start3A_25 : memref<10112x32xf32, #tpu.memory_space<vmem_shared>>) target(%arg10 : memref<1024x32xf32, #tpu.memory_space<vmem>>) offsets(%dma_start3A_22 : memref<1024xi32, #tpu.memory_space<vmem>>) semaphore(%arg12 : memref<!tpu.dma_semaphore, #tpu.memory_space<semaphore_mem>>)
      %dma_wait3A = arith.constant 0 : i32
      %dma_wait3A_26 = arith.constant 0 : i32
      %dma_wait3A_27 = tpu.memref_slice %arg7[%dma_wait3A, %dma_wait3A_26] : memref<10x1024xi32, #tpu.memory_space<vmem>> -> memref<1x1024xi32, #tpu.memory_space<vmem>>
      %dma_wait3A_28 = tpu.memref_squeeze %dma_wait3A_27 : memref<1x1024xi32, #tpu.memory_space<vmem>> -> memref<1024xi32, #tpu.memory_space<vmem>>
      %dma_wait3A_29 = arith.constant 0 : i32
      %dma_wait3A_30 = arith.constant 0 : i32
      %dma_wait3A_31 = tpu.memref_slice %arg13[%dma_wait3A_29, %dma_wait3A_30] : memref<10112x32xf32, #tpu.memory_space<vmem_shared>> -> memref<10112x32xf32, #tpu.memory_space<vmem_shared>>
      tpu.wait_indirect_dma semaphore(%arg11 : memref<!tpu.dma_semaphore, #tpu.memory_space<semaphore_mem>>) src(%dma_wait3A_31 : memref<10112x32xf32, #tpu.memory_space<vmem_shared>>) dst(%arg9 : memref<1024x32xf32, #tpu.memory_space<vmem>>)
      "tpu.region"() ({
        %run_scoped3A = tpu.sem_alloc : memref<!tpu.dma_semaphore, #tpu.memory_space<semaphore_mem>>
        %dma_start3A_43 = arith.constant 0 : i32
        %dma_start3A_44 = tpu.memref_slice %arg8[%mul3A_17, %dma_start3A_43] : memref<10x1024xi32, #tpu.memory_space<vmem>> -> memref<1x1024xi32, #tpu.memory_space<vmem>>
        %dma_start3A_45 = tpu.memref_squeeze %dma_start3A_44 : memref<1x1024xi32, #tpu.memory_space<vmem>> -> memref<1024xi32, #tpu.memory_space<vmem>>
        %dma_start3A_46 = arith.constant 0 : i32
        %dma_start3A_47 = arith.constant 0 : i32
        %dma_start3A_48 = tpu.memref_slice %arg14[%dma_start3A_46, %dma_start3A_47] : memref<10112x32xf32, #tpu.memory_space<vmem_shared>> -> memref<10112x32xf32, #tpu.memory_space<vmem_shared>>
        tpu.enqueue_indirect_dma source(%arg9 : memref<1024x32xf32, #tpu.memory_space<vmem>>) target(%dma_start3A_48 : memref<10112x32xf32, #tpu.memory_space<vmem_shared>>) offsets(%dma_start3A_45 : memref<1024xi32, #tpu.memory_space<vmem>>) semaphore(%run_scoped3A : memref<!tpu.dma_semaphore, #tpu.memory_space<semaphore_mem>>) {add = true}
        %dma_wait3A_49 = arith.constant 0 : i32
        %dma_wait3A_50 = tpu.memref_slice %arg8[%mul3A_17, %dma_wait3A_49] : memref<10x1024xi32, #tpu.memory_space<vmem>> -> memref<1x1024xi32, #tpu.memory_space<vmem>>
        %dma_wait3A_51 = tpu.memref_squeeze %dma_wait3A_50 : memref<1x1024xi32, #tpu.memory_space<vmem>> -> memref<1024xi32, #tpu.memory_space<vmem>>
        %dma_wait3A_52 = arith.constant 0 : i32
        %dma_wait3A_53 = arith.constant 0 : i32
        %dma_wait3A_54 = tpu.memref_slice %arg14[%dma_wait3A_52, %dma_wait3A_53] : memref<10112x32xf32, #tpu.memory_space<vmem_shared>> -> memref<10112x32xf32, #tpu.memory_space<vmem_shared>>
        tpu.wait_indirect_dma semaphore(%run_scoped3A : memref<!tpu.dma_semaphore, #tpu.memory_space<semaphore_mem>>) src(%arg9 : memref<1024x32xf32, #tpu.memory_space<vmem>>) dst(%dma_wait3A_54 : memref<10112x32xf32, #tpu.memory_space<vmem_shared>>)
        tpu.yield
      }) : () -> ()
      %lt3A = arith.constant 4 : i32
      %lt3A_32 = arith.cmpi slt, %scan3A_15, %lt3A : i32
      %convert_element_type3A = arith.extui %lt3A_32 : i1 to i32
      %cond3A = arith.constant 0 : i32
      %cond3A_33 = arith.cmpi ne, %convert_element_type3A, %cond3A : i32
      scf.if %cond3A_33 {
        %add3A_43 = arith.constant 2 : i32
        %add3A_44 = arith.addi %mul3A_17, %add3A_43 : i32
        %dma_start3A_45 = arith.constant 0 : i32
        %dma_start3A_46 = tpu.memref_slice %arg7[%add3A_44, %dma_start3A_45] : memref<10x1024xi32, #tpu.memory_space<vmem>> -> memref<1x1024xi32, #tpu.memory_space<vmem>>
        %dma_start3A_47 = tpu.memref_squeeze %dma_start3A_46 : memref<1x1024xi32, #tpu.memory_space<vmem>> -> memref<1024xi32, #tpu.memory_space<vmem>>
        %dma_start3A_48 = arith.constant 0 : i32
        %dma_start3A_49 = arith.constant 0 : i32
        %dma_start3A_50 = tpu.memref_slice %arg13[%dma_start3A_48, %dma_start3A_49] : memref<10112x32xf32, #tpu.memory_space<vmem_shared>> -> memref<10112x32xf32, #tpu.memory_space<vmem_shared>>
        tpu.enqueue_indirect_dma source(%dma_start3A_50 : memref<10112x32xf32, #tpu.memory_space<vmem_shared>>) target(%arg9 : memref<1024x32xf32, #tpu.memory_space<vmem>>) offsets(%dma_start3A_47 : memref<1024xi32, #tpu.memory_space<vmem>>) semaphore(%arg11 : memref<!tpu.dma_semaphore, #tpu.memory_space<semaphore_mem>>)
      } else {
      }
      %dma_wait3A_34 = arith.constant 0 : i32
      %dma_wait3A_35 = arith.constant 0 : i32
      %dma_wait3A_36 = tpu.memref_slice %arg7[%dma_wait3A_34, %dma_wait3A_35] : memref<10x1024xi32, #tpu.memory_space<vmem>> -> memref<1x1024xi32, #tpu.memory_space<vmem>>
      %dma_wait3A_37 = tpu.memref_squeeze %dma_wait3A_36 : memref<1x1024xi32, #tpu.memory_space<vmem>> -> memref<1024xi32, #tpu.memory_space<vmem>>
      %dma_wait3A_38 = arith.constant 0 : i32
      %dma_wait3A_39 = arith.constant 0 : i32
      %dma_wait3A_40 = tpu.memref_slice %arg13[%dma_wait3A_38, %dma_wait3A_39] : memref<10112x32xf32, #tpu.memory_space<vmem_shared>> -> memref<10112x32xf32, #tpu.memory_space<vmem_shared>>
      tpu.wait_indirect_dma semaphore(%arg12 : memref<!tpu.dma_semaphore, #tpu.memory_space<semaphore_mem>>) src(%dma_wait3A_40 : memref<10112x32xf32, #tpu.memory_space<vmem_shared>>) dst(%arg10 : memref<1024x32xf32, #tpu.memory_space<vmem>>)
      %add3A_41 = arith.constant 1 : i32
      %add3A_42 = arith.addi %mul3A_17, %add3A_41 : i32
      "tpu.region"() ({
        %run_scoped3A = tpu.sem_alloc : memref<!tpu.dma_semaphore, #tpu.memory_space<semaphore_mem>>
        %dma_start3A_43 = arith.constant 0 : i32
        %dma_start3A_44 = tpu.memref_slice %arg8[%add3A_42, %dma_start3A_43] : memref<10x1024xi32, #tpu.memory_space<vmem>> -> memref<1x1024xi32, #tpu.memory_space<vmem>>
        %dma_start3A_45 = tpu.memref_squeeze %dma_start3A_44 : memref<1x1024xi32, #tpu.memory_space<vmem>> -> memref<1024xi32, #tpu.memory_space<vmem>>
        %dma_start3A_46 = arith.constant 0 : i32
        %dma_start3A_47 = arith.constant 0 : i32
        %dma_start3A_48 = tpu.memref_slice %arg14[%dma_start3A_46, %dma_start3A_47] : memref<10112x32xf32, #tpu.memory_space<vmem_shared>> -> memref<10112x32xf32, #tpu.memory_space<vmem_shared>>
        tpu.enqueue_indirect_dma source(%arg10 : memref<1024x32xf32, #tpu.memory_space<vmem>>) target(%dma_start3A_48 : memref<10112x32xf32, #tpu.memory_space<vmem_shared>>) offsets(%dma_start3A_45 : memref<1024xi32, #tpu.memory_space<vmem>>) semaphore(%run_scoped3A : memref<!tpu.dma_semaphore, #tpu.memory_space<semaphore_mem>>) {add = true}
        %dma_wait3A_49 = arith.constant 0 : i32
        %dma_wait3A_50 = tpu.memref_slice %arg8[%add3A_42, %dma_wait3A_49] : memref<10x1024xi32, #tpu.memory_space<vmem>> -> memref<1x1024xi32, #tpu.memory_space<vmem>>
        %dma_wait3A_51 = tpu.memref_squeeze %dma_wait3A_50 : memref<1x1024xi32, #tpu.memory_space<vmem>> -> memref<1024xi32, #tpu.memory_space<vmem>>
        %dma_wait3A_52 = arith.constant 0 : i32
        %dma_wait3A_53 = arith.constant 0 : i32
        %dma_wait3A_54 = tpu.memref_slice %arg14[%dma_wait3A_52, %dma_wait3A_53] : memref<10112x32xf32, #tpu.memory_space<vmem_shared>> -> memref<10112x32xf32, #tpu.memory_space<vmem_shared>>
        tpu.wait_indirect_dma semaphore(%run_scoped3A : memref<!tpu.dma_semaphore, #tpu.memory_space<semaphore_mem>>) src(%arg10 : memref<1024x32xf32, #tpu.memory_space<vmem>>) dst(%dma_wait3A_54 : memref<10112x32xf32, #tpu.memory_space<vmem_shared>>)
        tpu.yield
      }) : () -> ()
    }
    %scan3A_13 = arith.constant 5 : i32
    %barrier3A_14 = arith.constant 0 : index
    tpu.barrier barrier_id(%barrier3A_14)
    "tpu.region"() ({
      %run_scoped3A = tpu.sem_alloc : memref<!tpu.dma_semaphore, #tpu.memory_space<semaphore_mem>>
      %dma_start3A_15 = arith.constant 0 : i32
      %dma_start3A_16 = tpu.memref_slice %arg6[%arg0, %mul3A_2, %dma_start3A_15] : memref<2x10112x32xf32, #tpu.memory_space<hbm>> -> memref<1x632x32xf32, #tpu.memory_space<hbm>>
      %dma_start3A_17 = tpu.memref_squeeze %dma_start3A_16 : memref<1x632x32xf32, #tpu.memory_space<hbm>> -> memref<632x32xf32, #tpu.memory_space<hbm>>
      %dma_start3A_18 = arith.constant 0 : i32
      %dma_start3A_19 = tpu.memref_slice %arg14[%mul3A_2, %dma_start3A_18] : memref<10112x32xf32, #tpu.memory_space<vmem_shared>> -> memref<632x32xf32, #tpu.memory_space<vmem_shared>>
      tpu.enqueue_dma source(%dma_start3A_19 : memref<632x32xf32, #tpu.memory_space<vmem_shared>>) target(%dma_start3A_17 : memref<632x32xf32, #tpu.memory_space<hbm>>) target_semaphore(%run_scoped3A : memref<!tpu.dma_semaphore, #tpu.memory_space<semaphore_mem>>)
      %dma_wait3A = arith.constant 0 : i32
      %dma_wait3A_20 = tpu.memref_slice %arg6[%arg0, %mul3A_2, %dma_wait3A] : memref<2x10112x32xf32, #tpu.memory_space<hbm>> -> memref<1x632x32xf32, #tpu.memory_space<hbm>>
      %dma_wait3A_21 = tpu.memref_squeeze %dma_wait3A_20 : memref<1x632x32xf32, #tpu.memory_space<hbm>> -> memref<632x32xf32, #tpu.memory_space<hbm>>
      %dma_wait3A_22 = arith.constant 0 : i32
      %dma_wait3A_23 = tpu.memref_slice %arg14[%mul3A_2, %dma_wait3A_22] : memref<10112x32xf32, #tpu.memory_space<vmem_shared>> -> memref<632x32xf32, #tpu.memory_space<vmem_shared>>
      tpu.wait_dma2 semaphore(%run_scoped3A : memref<!tpu.dma_semaphore, #tpu.memory_space<semaphore_mem>>) src(%dma_wait3A_23 : memref<632x32xf32, #tpu.memory_space<vmem_shared>>) dst(%dma_wait3A_21 : memref<632x32xf32, #tpu.memory_space<hbm>>)
      tpu.yield
    }) : () -> ()
    return
  }
}

#map = affine_map<(d0, d1) -> (0, 0)>
#map1 = affine_map<(d0, d1) -> (0, 0, 0)>
module attributes {stable_mosaic.version = 14 : i64} {
  func.func @body(%arg0: i32, %arg1: i32, %arg2: memref<10112x32xf32, #tpu.memory_space<hbm>>, %arg3: memref<32x10x1024xi32, #tpu.memory_space<hbm>>, %arg4: memref<32x10x1024xi32, #tpu.memory_space<hbm>>, %arg5: memref<632x32xf32, #tpu.memory_space<hbm>>, %arg6: memref<2x10112x32xf32, #tpu.memory_space<hbm>>, %arg7: memref<10x1024xi32, #tpu.memory_space<vmem>>, %arg8: memref<10x1024xi32, #tpu.memory_space<vmem>>, %arg9: memref<1024x32xf32, #tpu.memory_space<vmem>>, %arg10: memref<1024x32xf32, #tpu.memory_space<vmem>>, %arg11: memref<!tpu.dma_semaphore, #tpu.memory_space<semaphore_mem>>, %arg12: memref<!tpu.dma_semaphore, #tpu.memory_space<semaphore_mem>>, %arg13: memref<10112x32xf32, #tpu.memory_space<vmem_shared>>, %arg14: memref<10112x32xf32, #tpu.memory_space<vmem_shared>>) attributes {dimension_semantics = [#tpu.dimension_semantics<core_parallel>, #tpu.dimension_semantics<subcore_parallel>], iteration_bounds = array<i64: 2, 16>, scalar_prefetch = 0 : i64, scratch_operands = 8 : i64, tpu.core_type = #tpu.core_type<sc_vector_subcore>, window_params = [{transform_indices = #map}, {transform_indices = #map1}, {transform_indices = #map1}, {transform_indices = #map}, {transform_indices = #map1}]} {
    %mul3A = arith.constant 16 : i32
    %mul3A_0 = arith.muli %arg0, %mul3A : i32
    %add3A = arith.addi %mul3A_0, %arg1 : i32
    "tpu.region"() ({
      %run_scoped3A = tpu.sem_alloc : memref<!tpu.dma_semaphore, #tpu.memory_space<semaphore_mem>>
      %dma_start3A_15 = arith.constant 0 : i32
      %dma_start3A_16 = arith.constant 0 : i32
      %dma_start3A_17 = tpu.memref_slice %arg3[%add3A, %dma_start3A_15, %dma_start3A_16] : memref<32x10x1024xi32, #tpu.memory_space<hbm>> -> memref<1x10x1024xi32, #tpu.memory_space<hbm>>
      %dma_start3A_18 = tpu.memref_squeeze %dma_start3A_17 : memref<1x10x1024xi32, #tpu.memory_space<hbm>> -> memref<10x1024xi32, #tpu.memory_space<hbm>>
      %dma_start3A_19 = arith.constant 0 : i32
      %dma_start3A_20 = arith.constant 0 : i32
      %dma_start3A_21 = tpu.memref_slice %arg3[%add3A, %dma_start3A_19, %dma_start3A_20] : memref<32x10x1024xi32, #tpu.memory_space<hbm>> -> memref<1x10x1024xi32, #tpu.memory_space<hbm>>
      %dma_start3A_22 = tpu.memref_squeeze %dma_start3A_21 : memref<1x10x1024xi32, #tpu.memory_space<hbm>> -> memref<10x1024xi32, #tpu.memory_space<hbm>>
      tpu.enqueue_dma source(%dma_start3A_22 : memref<10x1024xi32, #tpu.memory_space<hbm>>) target(%arg7 : memref<10x1024xi32, #tpu.memory_space<vmem>>) target_semaphore(%run_scoped3A : memref<!tpu.dma_semaphore, #tpu.memory_space<semaphore_mem>>)
      %dma_wait3A = arith.constant 0 : i32
      %dma_wait3A_23 = arith.constant 0 : i32
      %dma_wait3A_24 = tpu.memref_slice %arg3[%add3A, %dma_wait3A, %dma_wait3A_23] : memref<32x10x1024xi32, #tpu.memory_space<hbm>> -> memref<1x10x1024xi32, #tpu.memory_space<hbm>>
      %dma_wait3A_25 = tpu.memref_squeeze %dma_wait3A_24 : memref<1x10x1024xi32, #tpu.memory_space<hbm>> -> memref<10x1024xi32, #tpu.memory_space<hbm>>
      %dma_wait3A_26 = arith.constant 0 : i32
      %dma_wait3A_27 = arith.constant 0 : i32
      %dma_wait3A_28 = tpu.memref_slice %arg3[%add3A, %dma_wait3A_26, %dma_wait3A_27] : memref<32x10x1024xi32, #tpu.memory_space<hbm>> -> memref<1x10x1024xi32, #tpu.memory_space<hbm>>
      %dma_wait3A_29 = tpu.memref_squeeze %dma_wait3A_28 : memref<1x10x1024xi32, #tpu.memory_space<hbm>> -> memref<10x1024xi32, #tpu.memory_space<hbm>>
      tpu.wait_dma2 semaphore(%run_scoped3A : memref<!tpu.dma_semaphore, #tpu.memory_space<semaphore_mem>>) src(%dma_wait3A_29 : memref<10x1024xi32, #tpu.memory_space<hbm>>) dst(%arg7 : memref<10x1024xi32, #tpu.memory_space<vmem>>)
      tpu.yield
    }) : () -> ()
    "tpu.region"() ({
      %run_scoped3A = tpu.sem_alloc : memref<!tpu.dma_semaphore, #tpu.memory_space<semaphore_mem>>
      %dma_start3A_15 = arith.constant 0 : i32
      %dma_start3A_16 = arith.constant 0 : i32
      %dma_start3A_17 = tpu.memref_slice %arg4[%add3A, %dma_start3A_15, %dma_start3A_16] : memref<32x10x1024xi32, #tpu.memory_space<hbm>> -> memref<1x10x1024xi32, #tpu.memory_space<hbm>>
      %dma_start3A_18 = tpu.memref_squeeze %dma_start3A_17 : memref<1x10x1024xi32, #tpu.memory_space<hbm>> -> memref<10x1024xi32, #tpu.memory_space<hbm>>
      %dma_start3A_19 = arith.constant 0 : i32
      %dma_start3A_20 = arith.constant 0 : i32
      %dma_start3A_21 = tpu.memref_slice %arg4[%add3A, %dma_start3A_19, %dma_start3A_20] : memref<32x10x1024xi32, #tpu.memory_space<hbm>> -> memref<1x10x1024xi32, #tpu.memory_space<hbm>>
      %dma_start3A_22 = tpu.memref_squeeze %dma_start3A_21 : memref<1x10x1024xi32, #tpu.memory_space<hbm>> -> memref<10x1024xi32, #tpu.memory_space<hbm>>
      tpu.enqueue_dma source(%dma_start3A_22 : memref<10x1024xi32, #tpu.memory_space<hbm>>) target(%arg8 : memref<10x1024xi32, #tpu.memory_space<vmem>>) target_semaphore(%run_scoped3A : memref<!tpu.dma_semaphore, #tpu.memory_space<semaphore_mem>>)
      %dma_wait3A = arith.constant 0 : i32
      %dma_wait3A_23 = arith.constant 0 : i32
      %dma_wait3A_24 = tpu.memref_slice %arg4[%add3A, %dma_wait3A, %dma_wait3A_23] : memref<32x10x1024xi32, #tpu.memory_space<hbm>> -> memref<1x10x1024xi32, #tpu.memory_space<hbm>>
      %dma_wait3A_25 = tpu.memref_squeeze %dma_wait3A_24 : memref<1x10x1024xi32, #tpu.memory_space<hbm>> -> memref<10x1024xi32, #tpu.memory_space<hbm>>
      %dma_wait3A_26 = arith.constant 0 : i32
      %dma_wait3A_27 = arith.constant 0 : i32
      %dma_wait3A_28 = tpu.memref_slice %arg4[%add3A, %dma_wait3A_26, %dma_wait3A_27] : memref<32x10x1024xi32, #tpu.memory_space<hbm>> -> memref<1x10x1024xi32, #tpu.memory_space<hbm>>
      %dma_wait3A_29 = tpu.memref_squeeze %dma_wait3A_28 : memref<1x10x1024xi32, #tpu.memory_space<hbm>> -> memref<10x1024xi32, #tpu.memory_space<hbm>>
      tpu.wait_dma2 semaphore(%run_scoped3A : memref<!tpu.dma_semaphore, #tpu.memory_space<semaphore_mem>>) src(%dma_wait3A_29 : memref<10x1024xi32, #tpu.memory_space<hbm>>) dst(%arg8 : memref<10x1024xi32, #tpu.memory_space<vmem>>)
      tpu.yield
    }) : () -> ()
    %mul3A_1 = arith.constant 632 : i32
    %mul3A_2 = arith.muli %arg1, %mul3A_1 : i32
    "tpu.region"() ({
      %run_scoped3A = tpu.sem_alloc : memref<!tpu.dma_semaphore, #tpu.memory_space<semaphore_mem>>
      %dma_start3A_15 = arith.constant 0 : i32
      %dma_start3A_16 = tpu.memref_slice %arg13[%mul3A_2, %dma_start3A_15] : memref<10112x32xf32, #tpu.memory_space<vmem_shared>> -> memref<632x32xf32, #tpu.memory_space<vmem_shared>>
      %dma_start3A_17 = arith.constant 0 : i32
      %dma_start3A_18 = tpu.memref_slice %arg2[%mul3A_2, %dma_start3A_17] : memref<10112x32xf32, #tpu.memory_space<hbm>> -> memref<632x32xf32, #tpu.memory_space<hbm>>
      tpu.enqueue_dma source(%dma_start3A_18 : memref<632x32xf32, #tpu.memory_space<hbm>>) target(%dma_start3A_16 : memref<632x32xf32, #tpu.memory_space<vmem_shared>>) target_semaphore(%run_scoped3A : memref<!tpu.dma_semaphore, #tpu.memory_space<semaphore_mem>>)
      %dma_wait3A = arith.constant 0 : i32
      %dma_wait3A_19 = tpu.memref_slice %arg13[%mul3A_2, %dma_wait3A] : memref<10112x32xf32, #tpu.memory_space<vmem_shared>> -> memref<632x32xf32, #tpu.memory_space<vmem_shared>>
      %dma_wait3A_20 = arith.constant 0 : i32
      %dma_wait3A_21 = tpu.memref_slice %arg2[%mul3A_2, %dma_wait3A_20] : memref<10112x32xf32, #tpu.memory_space<hbm>> -> memref<632x32xf32, #tpu.memory_space<hbm>>
      tpu.wait_dma2 semaphore(%run_scoped3A : memref<!tpu.dma_semaphore, #tpu.memory_space<semaphore_mem>>) src(%dma_wait3A_21 : memref<632x32xf32, #tpu.memory_space<hbm>>) dst(%dma_wait3A_19 : memref<632x32xf32, #tpu.memory_space<vmem_shared>>)
      tpu.yield
    }) : () -> ()
    "tpu.region"() ({
      %run_scoped3A = tpu.sem_alloc : memref<!tpu.dma_semaphore, #tpu.memory_space<semaphore_mem>>
      %dma_start3A_15 = arith.constant 0 : i32
      %dma_start3A_16 = tpu.memref_slice %arg14[%mul3A_2, %dma_start3A_15] : memref<10112x32xf32, #tpu.memory_space<vmem_shared>> -> memref<632x32xf32, #tpu.memory_space<vmem_shared>>
      tpu.enqueue_dma source(%arg5 : memref<632x32xf32, #tpu.memory_space<hbm>>) target(%dma_start3A_16 : memref<632x32xf32, #tpu.memory_space<vmem_shared>>) target_semaphore(%run_scoped3A : memref<!tpu.dma_semaphore, #tpu.memory_space<semaphore_mem>>)
      %dma_wait3A = arith.constant 0 : i32
      %dma_wait3A_17 = tpu.memref_slice %arg14[%mul3A_2, %dma_wait3A] : memref<10112x32xf32, #tpu.memory_space<vmem_shared>> -> memref<632x32xf32, #tpu.memory_space<vmem_shared>>
      tpu.wait_dma2 semaphore(%run_scoped3A : memref<!tpu.dma_semaphore, #tpu.memory_space<semaphore_mem>>) src(%arg5 : memref<632x32xf32, #tpu.memory_space<hbm>>) dst(%dma_wait3A_17 : memref<632x32xf32, #tpu.memory_space<vmem_shared>>)
      tpu.yield
    }) : () -> ()
    %barrier3A = arith.constant 0 : index
    tpu.barrier barrier_id(%barrier3A)
    %dma_start3A = arith.constant 0 : i32
    %dma_start3A_3 = arith.constant 0 : i32
    %dma_start3A_4 = tpu.memref_slice %arg7[%dma_start3A, %dma_start3A_3] : memref<10x1024xi32, #tpu.memory_space<vmem>> -> memref<1x1024xi32, #tpu.memory_space<vmem>>
    %dma_start3A_5 = tpu.memref_squeeze %dma_start3A_4 : memref<1x1024xi32, #tpu.memory_space<vmem>> -> memref<1024xi32, #tpu.memory_space<vmem>>
    %dma_start3A_6 = arith.constant 0 : i32
    %dma_start3A_7 = arith.constant 0 : i32
    %dma_start3A_8 = tpu.memref_slice %arg13[%dma_start3A_6, %dma_start3A_7] : memref<10112x32xf32, #tpu.memory_space<vmem_shared>> -> memref<10112x32xf32, #tpu.memory_space<vmem_shared>>
    tpu.enqueue_indirect_dma source(%dma_start3A_8 : memref<10112x32xf32, #tpu.memory_space<vmem_shared>>) target(%arg9 : memref<1024x32xf32, #tpu.memory_space<vmem>>) offsets(%dma_start3A_5 : memref<1024xi32, #tpu.memory_space<vmem>>) semaphore(%arg11 : memref<!tpu.dma_semaphore, #tpu.memory_space<semaphore_mem>>)
    %scan3A = arith.constant 0 : i32
    %scan3A_9 = arith.constant 0 : i32
    %scan3A_10 = arith.constant 5 : i32
    %scan3A_11 = arith.addi %scan3A_9, %scan3A_10 : i32
    %scan3A_12 = arith.constant 1 : i32
    scf.for %scan3A_15 = %scan3A_9 to %scan3A_11 step %scan3A_12  : i32 {
      %mul3A_16 = arith.constant 2 : i32
      %mul3A_17 = arith.muli %mul3A_16, %scan3A_15 : i32
      %add3A_18 = arith.constant 1 : i32
      %add3A_19 = arith.addi %mul3A_17, %add3A_18 : i32
      %dma_start3A_20 = arith.constant 0 : i32
      %dma_start3A_21 = tpu.memref_slice %arg7[%add3A_19, %dma_start3A_20] : memref<10x1024xi32, #tpu.memory_space<vmem>> -> memref<1x1024xi32, #tpu.memory_space<vmem>>
      %dma_start3A_22 = tpu.memref_squeeze %dma_start3A_21 : memref<1x1024xi32, #tpu.memory_space<vmem>> -> memref<1024xi32, #tpu.memory_space<vmem>>
      %dma_start3A_23 = arith.constant 0 : i32
      %dma_start3A_24 = arith.constant 0 : i32
      %dma_start3A_25 = tpu.memref_slice %arg13[%dma_start3A_23, %dma_start3A_24] : memref<10112x32xf32, #tpu.memory_space<vmem_shared>> -> memref<10112x32xf32, #tpu.memory_space<vmem_shared>>
      tpu.enqueue_indirect_dma source(%dma_start3A_25 : memref<10112x32xf32, #tpu.memory_space<vmem_shared>>) target(%arg10 : memref<1024x32xf32, #tpu.memory_space<vmem>>) offsets(%dma_start3A_22 : memref<1024xi32, #tpu.memory_space<vmem>>) semaphore(%arg12 : memref<!tpu.dma_semaphore, #tpu.memory_space<semaphore_mem>>)
      %dma_wait3A = arith.constant 0 : i32
      %dma_wait3A_26 = arith.constant 0 : i32
      %dma_wait3A_27 = tpu.memref_slice %arg7[%dma_wait3A, %dma_wait3A_26] : memref<10x1024xi32, #tpu.memory_space<vmem>> -> memref<1x1024xi32, #tpu.memory_space<vmem>>
      %dma_wait3A_28 = tpu.memref_squeeze %dma_wait3A_27 : memref<1x1024xi32, #tpu.memory_space<vmem>> -> memref<1024xi32, #tpu.memory_space<vmem>>
      %dma_wait3A_29 = arith.constant 0 : i32
      %dma_wait3A_30 = arith.constant 0 : i32
      %dma_wait3A_31 = tpu.memref_slice %arg13[%dma_wait3A_29, %dma_wait3A_30] : memref<10112x32xf32, #tpu.memory_space<vmem_shared>> -> memref<10112x32xf32, #tpu.memory_space<vmem_shared>>
      tpu.wait_indirect_dma semaphore(%arg11 : memref<!tpu.dma_semaphore, #tpu.memory_space<semaphore_mem>>) src(%dma_wait3A_31 : memref<10112x32xf32, #tpu.memory_space<vmem_shared>>) dst(%arg9 : memref<1024x32xf32, #tpu.memory_space<vmem>>)
      "tpu.region"() ({
        %run_scoped3A = tpu.sem_alloc : memref<!tpu.dma_semaphore, #tpu.memory_space<semaphore_mem>>
        %dma_start3A_43 = arith.constant 0 : i32
        %dma_start3A_44 = tpu.memref_slice %arg8[%mul3A_17, %dma_start3A_43] : memref<10x1024xi32, #tpu.memory_space<vmem>> -> memref<1x1024xi32, #tpu.memory_space<vmem>>
        %dma_start3A_45 = tpu.memref_squeeze %dma_start3A_44 : memref<1x1024xi32, #tpu.memory_space<vmem>> -> memref<1024xi32, #tpu.memory_space<vmem>>
        %dma_start3A_46 = arith.constant 0 : i32
        %dma_start3A_47 = arith.constant 0 : i32
        %dma_start3A_48 = tpu.memref_slice %arg14[%dma_start3A_46, %dma_start3A_47] : memref<10112x32xf32, #tpu.memory_space<vmem_shared>> -> memref<10112x32xf32, #tpu.memory_space<vmem_shared>>
        tpu.enqueue_indirect_dma source(%arg9 : memref<1024x32xf32, #tpu.memory_space<vmem>>) target(%dma_start3A_48 : memref<10112x32xf32, #tpu.memory_space<vmem_shared>>) offsets(%dma_start3A_45 : memref<1024xi32, #tpu.memory_space<vmem>>) semaphore(%run_scoped3A : memref<!tpu.dma_semaphore, #tpu.memory_space<semaphore_mem>>) {add = true}
        %dma_wait3A_49 = arith.constant 0 : i32
        %dma_wait3A_50 = tpu.memref_slice %arg8[%mul3A_17, %dma_wait3A_49] : memref<10x1024xi32, #tpu.memory_space<vmem>> -> memref<1x1024xi32, #tpu.memory_space<vmem>>
        %dma_wait3A_51 = tpu.memref_squeeze %dma_wait3A_50 : memref<1x1024xi32, #tpu.memory_space<vmem>> -> memref<1024xi32, #tpu.memory_space<vmem>>
        %dma_wait3A_52 = arith.constant 0 : i32
        %dma_wait3A_53 = arith.constant 0 : i32
        %dma_wait3A_54 = tpu.memref_slice %arg14[%dma_wait3A_52, %dma_wait3A_53] : memref<10112x32xf32, #tpu.memory_space<vmem_shared>> -> memref<10112x32xf32, #tpu.memory_space<vmem_shared>>
        tpu.wait_indirect_dma semaphore(%run_scoped3A : memref<!tpu.dma_semaphore, #tpu.memory_space<semaphore_mem>>) src(%arg9 : memref<1024x32xf32, #tpu.memory_space<vmem>>) dst(%dma_wait3A_54 : memref<10112x32xf32, #tpu.memory_space<vmem_shared>>)
        tpu.yield
      }) : () -> ()
      %lt3A = arith.constant 4 : i32
      %lt3A_32 = arith.cmpi slt, %scan3A_15, %lt3A : i32
      %convert_element_type3A = arith.extui %lt3A_32 : i1 to i32
      %cond3A = arith.constant 0 : i32
      %cond3A_33 = arith.cmpi ne, %convert_element_type3A, %cond3A : i32
      scf.if %cond3A_33 {
        %add3A_43 = arith.constant 2 : i32
        %add3A_44 = arith.addi %mul3A_17, %add3A_43 : i32
        %dma_start3A_45 = arith.constant 0 : i32
        %dma_start3A_46 = tpu.memref_slice %arg7[%add3A_44, %dma_start3A_45] : memref<10x1024xi32, #tpu.memory_space<vmem>> -> memref<1x1024xi32, #tpu.memory_space<vmem>>
        %dma_start3A_47 = tpu.memref_squeeze %dma_start3A_46 : memref<1x1024xi32, #tpu.memory_space<vmem>> -> memref<1024xi32, #tpu.memory_space<vmem>>
        %dma_start3A_48 = arith.constant 0 : i32
        %dma_start3A_49 = arith.constant 0 : i32
        %dma_start3A_50 = tpu.memref_slice %arg13[%dma_start3A_48, %dma_start3A_49] : memref<10112x32xf32, #tpu.memory_space<vmem_shared>> -> memref<10112x32xf32, #tpu.memory_space<vmem_shared>>
        tpu.enqueue_indirect_dma source(%dma_start3A_50 : memref<10112x32xf32, #tpu.memory_space<vmem_shared>>) target(%arg9 : memref<1024x32xf32, #tpu.memory_space<vmem>>) offsets(%dma_start3A_47 : memref<1024xi32, #tpu.memory_space<vmem>>) semaphore(%arg11 : memref<!tpu.dma_semaphore, #tpu.memory_space<semaphore_mem>>)
      } else {
      }
      %dma_wait3A_34 = arith.constant 0 : i32
      %dma_wait3A_35 = arith.constant 0 : i32
      %dma_wait3A_36 = tpu.memref_slice %arg7[%dma_wait3A_34, %dma_wait3A_35] : memref<10x1024xi32, #tpu.memory_space<vmem>> -> memref<1x1024xi32, #tpu.memory_space<vmem>>
      %dma_wait3A_37 = tpu.memref_squeeze %dma_wait3A_36 : memref<1x1024xi32, #tpu.memory_space<vmem>> -> memref<1024xi32, #tpu.memory_space<vmem>>
      %dma_wait3A_38 = arith.constant 0 : i32
      %dma_wait3A_39 = arith.constant 0 : i32
      %dma_wait3A_40 = tpu.memref_slice %arg13[%dma_wait3A_38, %dma_wait3A_39] : memref<10112x32xf32, #tpu.memory_space<vmem_shared>> -> memref<10112x32xf32, #tpu.memory_space<vmem_shared>>
      tpu.wait_indirect_dma semaphore(%arg12 : memref<!tpu.dma_semaphore, #tpu.memory_space<semaphore_mem>>) src(%dma_wait3A_40 : memref<10112x32xf32, #tpu.memory_space<vmem_shared>>) dst(%arg10 : memref<1024x32xf32, #tpu.memory_space<vmem>>)
      %add3A_41 = arith.constant 1 : i32
      %add3A_42 = arith.addi %mul3A_17, %add3A_41 : i32
      "tpu.region"() ({
        %run_scoped3A = tpu.sem_alloc : memref<!tpu.dma_semaphore, #tpu.memory_space<semaphore_mem>>
        %dma_start3A_43 = arith.constant 0 : i32
        %dma_start3A_44 = tpu.memref_slice %arg8[%add3A_42, %dma_start3A_43] : memref<10x1024xi32, #tpu.memory_space<vmem>> -> memref<1x1024xi32, #tpu.memory_space<vmem>>
        %dma_start3A_45 = tpu.memref_squeeze %dma_start3A_44 : memref<1x1024xi32, #tpu.memory_space<vmem>> -> memref<1024xi32, #tpu.memory_space<vmem>>
        %dma_start3A_46 = arith.constant 0 : i32
        %dma_start3A_47 = arith.constant 0 : i32
        %dma_start3A_48 = tpu.memref_slice %arg14[%dma_start3A_46, %dma_start3A_47] : memref<10112x32xf32, #tpu.memory_space<vmem_shared>> -> memref<10112x32xf32, #tpu.memory_space<vmem_shared>>
        tpu.enqueue_indirect_dma source(%arg10 : memref<1024x32xf32, #tpu.memory_space<vmem>>) target(%dma_start3A_48 : memref<10112x32xf32, #tpu.memory_space<vmem_shared>>) offsets(%dma_start3A_45 : memref<1024xi32, #tpu.memory_space<vmem>>) semaphore(%run_scoped3A : memref<!tpu.dma_semaphore, #tpu.memory_space<semaphore_mem>>) {add = true}
        %dma_wait3A_49 = arith.constant 0 : i32
        %dma_wait3A_50 = tpu.memref_slice %arg8[%add3A_42, %dma_wait3A_49] : memref<10x1024xi32, #tpu.memory_space<vmem>> -> memref<1x1024xi32, #tpu.memory_space<vmem>>
        %dma_wait3A_51 = tpu.memref_squeeze %dma_wait3A_50 : memref<1x1024xi32, #tpu.memory_space<vmem>> -> memref<1024xi32, #tpu.memory_space<vmem>>
        %dma_wait3A_52 = arith.constant 0 : i32
        %dma_wait3A_53 = arith.constant 0 : i32
        %dma_wait3A_54 = tpu.memref_slice %arg14[%dma_wait3A_52, %dma_wait3A_53] : memref<10112x32xf32, #tpu.memory_space<vmem_shared>> -> memref<10112x32xf32, #tpu.memory_space<vmem_shared>>
        tpu.wait_indirect_dma semaphore(%run_scoped3A : memref<!tpu.dma_semaphore, #tpu.memory_space<semaphore_mem>>) src(%arg10 : memref<1024x32xf32, #tpu.memory_space<vmem>>) dst(%dma_wait3A_54 : memref<10112x32xf32, #tpu.memory_space<vmem_shared>>)
        tpu.yield
      }) : () -> ()
    }
    %scan3A_13 = arith.constant 5 : i32
    %barrier3A_14 = arith.constant 0 : index
    tpu.barrier barrier_id(%barrier3A_14)
    "tpu.region"() ({
      %run_scoped3A = tpu.sem_alloc : memref<!tpu.dma_semaphore, #tpu.memory_space<semaphore_mem>>
      %dma_start3A_15 = arith.constant 0 : i32
      %dma_start3A_16 = tpu.memref_slice %arg6[%arg0, %mul3A_2, %dma_start3A_15] : memref<2x10112x32xf32, #tpu.memory_space<hbm>> -> memref<1x632x32xf32, #tpu.memory_space<hbm>>
      %dma_start3A_17 = tpu.memref_squeeze %dma_start3A_16 : memref<1x632x32xf32, #tpu.memory_space<hbm>> -> memref<632x32xf32, #tpu.memory_space<hbm>>
      %dma_start3A_18 = arith.constant 0 : i32
      %dma_start3A_19 = tpu.memref_slice %arg14[%mul3A_2, %dma_start3A_18] : memref<10112x32xf32, #tpu.memory_space<vmem_shared>> -> memref<632x32xf32, #tpu.memory_space<vmem_shared>>
      tpu.enqueue_dma source(%dma_start3A_19 : memref<632x32xf32, #tpu.memory_space<vmem_shared>>) target(%dma_start3A_17 : memref<632x32xf32, #tpu.memory_space<hbm>>) target_semaphore(%run_scoped3A : memref<!tpu.dma_semaphore, #tpu.memory_space<semaphore_mem>>)
      %dma_wait3A = arith.constant 0 : i32
      %dma_wait3A_20 = tpu.memref_slice %arg6[%arg0, %mul3A_2, %dma_wait3A] : memref<2x10112x32xf32, #tpu.memory_space<hbm>> -> memref<1x632x32xf32, #tpu.memory_space<hbm>>
      %dma_wait3A_21 = tpu.memref_squeeze %dma_wait3A_20 : memref<1x632x32xf32, #tpu.memory_space<hbm>> -> memref<632x32xf32, #tpu.memory_space<hbm>>
      %dma_wait3A_22 = arith.constant 0 : i32
      %dma_wait3A_23 = tpu.memref_slice %arg14[%mul3A_2, %dma_wait3A_22] : memref<10112x32xf32, #tpu.memory_space<vmem_shared>> -> memref<632x32xf32, #tpu.memory_space<vmem_shared>>
      tpu.wait_dma2 semaphore(%run_scoped3A : memref<!tpu.dma_semaphore, #tpu.memory_space<semaphore_mem>>) src(%dma_wait3A_23 : memref<632x32xf32, #tpu.memory_space<vmem_shared>>) dst(%dma_wait3A_21 : memref<632x32xf32, #tpu.memory_space<hbm>>)
      tpu.yield
    }) : () -> ()
    return
  }
}

module attributes {stable_mosaic.version = 14 : i64} {
  func.func @_tc_first_body(%arg0: memref<10000x128xf32, #tpu.memory_space<vmem>>, %arg1: memref<128x128xf32, #tpu.memory_space<vmem>>, %arg2: memref<128x32xf32, #tpu.memory_space<vmem>>, %arg3: memref<2x10112x8xf32, #tpu.memory_space<vmem>>, %arg4: memref<10112x32xf32, #tpu.memory_space<vmem>>) attributes {dimension_semantics = [], scalar_prefetch = 0 : i64, scratch_operands = 0 : i64, tpu.core_type = #tpu.core_type<tc>} {
    %get3A = arith.constant 0 : index
    %get3A_0 = arith.constant 0 : index
    %get3A_1 = arith.constant 0 : index
    %get3A_2 = vector.load %arg3[%get3A, %get3A_0, %get3A_1] : memref<2x10112x8xf32, #tpu.memory_space<vmem>>, vector<1x10000x1xf32>
    %get3A_3 = vector.shape_cast %get3A_2 : vector<1x10000x1xf32> to vector<10000x1xf32>
    %get3A_4 = arith.constant 1 : index
    %get3A_5 = arith.constant 0 : index
    %get3A_6 = arith.constant 0 : index
    %get3A_7 = vector.load %arg3[%get3A_4, %get3A_5, %get3A_6] : memref<2x10112x8xf32, #tpu.memory_space<vmem>>, vector<1x10000x1xf32>
    %get3A_8 = vector.shape_cast %get3A_7 : vector<1x10000x1xf32> to vector<10000x1xf32>
    %add3A = arith.addf %get3A_3, %get3A_8 : vector<10000x1xf32>
    %add3A_9 = arith.constant 1.000000e+00 : f32
    %add3A_10 = vector.broadcast %add3A_9 : f32 to vector<10000x1xf32>
    %add3A_11 = arith.addf %add3A, %add3A_10 : vector<10000x1xf32>
    %rsqrt3A = math.rsqrt %add3A_11 : vector<10000x1xf32>
    %get3A_12 = arith.constant 0 : index
    %get3A_13 = arith.constant 0 : index
    %get3A_14 = vector.load %arg1[%get3A_12, %get3A_13] : memref<128x128xf32, #tpu.memory_space<vmem>>, vector<128x128xf32>
    %get3A_15 = arith.constant 0 : index
    %get3A_16 = arith.constant 0 : index
    %get3A_17 = vector.load %arg2[%get3A_15, %get3A_16] : memref<128x32xf32, #tpu.memory_space<vmem>>, vector<128x32xf32>
    %dot_general3A = arith.constant dense<0.000000e+00> : vector<128x32xf32>
    %dot_general3A_18 = tpu.matmul %get3A_14, %get3A_17, %dot_general3A {dimension_numbers = #tpu.dot_dimension_numbers<[1], [0], [0], [1], [0, 0, 1, 1], [], []>, transpose_lhs_hint = false} : vector<128x128xf32>, vector<128x32xf32>, vector<128x32xf32> -> vector<128x32xf32>
    %get3A_19 = arith.constant 0 : index
    %get3A_20 = arith.constant 0 : index
    %get3A_21 = vector.load %arg0[%get3A_19, %get3A_20] : memref<10000x128xf32, #tpu.memory_space<vmem>>, vector<10000x128xf32>
    %dot_general3A_22 = arith.constant dense<0.000000e+00> : vector<10000x32xf32>
    %dot_general3A_23 = tpu.matmul %get3A_21, %dot_general3A_18, %dot_general3A_22 {dimension_numbers = #tpu.dot_dimension_numbers<[1], [0], [0], [1], [0, 0, 1, 1], [], []>, transpose_lhs_hint = false} : vector<10000x128xf32>, vector<128x32xf32>, vector<10000x32xf32> -> vector<10000x32xf32>
    %mul3A = vector.broadcast %rsqrt3A : vector<10000x1xf32> to vector<10000x32xf32>
    %mul3A_24 = arith.mulf %mul3A, %dot_general3A_23 : vector<10000x32xf32>
    %swap3A = arith.constant 0 : index
    %swap3A_25 = arith.constant 0 : index
    %swap3A_26 = vector.load %arg4[%swap3A, %swap3A_25] : memref<10112x32xf32, #tpu.memory_space<vmem>>, vector<10000x32xf32>
    tpu.vector_store %arg4[%swap3A, %swap3A_25], %mul3A_24 {strides = array<i32>} : memref<10112x32xf32, #tpu.memory_space<vmem>>, vector<10000x32xf32>,
    return
  }
}

module attributes {stable_mosaic.version = 14 : i64} {
  func.func @_tc_mid_body(%arg0: memref<2x10112x32xf32, #tpu.memory_space<vmem>>, %arg1: memref<10112x32xf32, #tpu.memory_space<vmem>>, %arg2: memref<2x10112x8xf32, #tpu.memory_space<vmem>>, %arg3: memref<1x32xf32, #tpu.memory_space<vmem>>, %arg4: memref<32x32xf32, #tpu.memory_space<vmem>>, %arg5: memref<10112x32xf32, #tpu.memory_space<vmem>>) attributes {dimension_semantics = [], scalar_prefetch = 0 : i64, scratch_operands = 0 : i64, tpu.core_type = #tpu.core_type<tc>} {
    %get3A = arith.constant 0 : index
    %get3A_0 = arith.constant 0 : index
    %get3A_1 = arith.constant 0 : index
    %get3A_2 = vector.load %arg2[%get3A, %get3A_0, %get3A_1] : memref<2x10112x8xf32, #tpu.memory_space<vmem>>, vector<1x10000x1xf32>
    %get3A_3 = vector.shape_cast %get3A_2 : vector<1x10000x1xf32> to vector<10000x1xf32>
    %get3A_4 = arith.constant 1 : index
    %get3A_5 = arith.constant 0 : index
    %get3A_6 = arith.constant 0 : index
    %get3A_7 = vector.load %arg2[%get3A_4, %get3A_5, %get3A_6] : memref<2x10112x8xf32, #tpu.memory_space<vmem>>, vector<1x10000x1xf32>
    %get3A_8 = vector.shape_cast %get3A_7 : vector<1x10000x1xf32> to vector<10000x1xf32>
    %add3A = arith.addf %get3A_3, %get3A_8 : vector<10000x1xf32>
    %add3A_9 = arith.constant 1.000000e+00 : f32
    %add3A_10 = vector.broadcast %add3A_9 : f32 to vector<10000x1xf32>
    %add3A_11 = arith.addf %add3A, %add3A_10 : vector<10000x1xf32>
    %rsqrt3A = math.rsqrt %add3A_11 : vector<10000x1xf32>
    %get3A_12 = arith.constant 0 : index
    %get3A_13 = arith.constant 0 : index
    %get3A_14 = arith.constant 0 : index
    %get3A_15 = vector.load %arg0[%get3A_12, %get3A_13, %get3A_14] : memref<2x10112x32xf32, #tpu.memory_space<vmem>>, vector<1x10000x32xf32>
    %get3A_16 = vector.shape_cast %get3A_15 : vector<1x10000x32xf32> to vector<10000x32xf32>
    %get3A_17 = arith.constant 1 : index
    %get3A_18 = arith.constant 0 : index
    %get3A_19 = arith.constant 0 : index
    %get3A_20 = vector.load %arg0[%get3A_17, %get3A_18, %get3A_19] : memref<2x10112x32xf32, #tpu.memory_space<vmem>>, vector<1x10000x32xf32>
    %get3A_21 = vector.shape_cast %get3A_20 : vector<1x10000x32xf32> to vector<10000x32xf32>
    %add3A_22 = arith.addf %get3A_16, %get3A_21 : vector<10000x32xf32>
    %get3A_23 = arith.constant 0 : index
    %get3A_24 = arith.constant 0 : index
    %get3A_25 = vector.load %arg1[%get3A_23, %get3A_24] : memref<10112x32xf32, #tpu.memory_space<vmem>>, vector<10000x32xf32>
    %add3A_26 = arith.addf %add3A_22, %get3A_25 : vector<10000x32xf32>
    %mul3A = vector.broadcast %rsqrt3A : vector<10000x1xf32> to vector<10000x32xf32>
    %mul3A_27 = arith.mulf %mul3A, %add3A_26 : vector<10000x32xf32>
    %get3A_28 = arith.constant 0 : index
    %get3A_29 = arith.constant 0 : index
    %get3A_30 = vector.load %arg3[%get3A_28, %get3A_29] : memref<1x32xf32, #tpu.memory_space<vmem>>, vector<1x32xf32>
    %add3A_31 = vector.broadcast %get3A_30 : vector<1x32xf32> to vector<10000x32xf32>
    %add3A_32 = arith.addf %mul3A_27, %add3A_31 : vector<10000x32xf32>
    %max3A = arith.constant 0.000000e+00 : f32
    %max3A_33 = vector.broadcast %max3A : f32 to vector<10000x32xf32>
    %max3A_34 = arith.maximumf %add3A_32, %max3A_33 : vector<10000x32xf32>
    %get3A_35 = arith.constant 0 : index
    %get3A_36 = arith.constant 0 : index
    %get3A_37 = vector.load %arg4[%get3A_35, %get3A_36] : memref<32x32xf32, #tpu.memory_space<vmem>>, vector<32x32xf32>
    %dot_general3A = arith.constant dense<0.000000e+00> : vector<10000x32xf32>
    %dot_general3A_38 = tpu.matmul %max3A_34, %get3A_37, %dot_general3A {dimension_numbers = #tpu.dot_dimension_numbers<[1], [0], [0], [1], [0, 0, 1, 1], [], []>, transpose_lhs_hint = false} : vector<10000x32xf32>, vector<32x32xf32>, vector<10000x32xf32> -> vector<10000x32xf32>
    %mul3A_39 = vector.broadcast %rsqrt3A : vector<10000x1xf32> to vector<10000x32xf32>
    %mul3A_40 = arith.mulf %mul3A_39, %dot_general3A_38 : vector<10000x32xf32>
    %swap3A = arith.constant 0 : index
    %swap3A_41 = arith.constant 0 : index
    %swap3A_42 = vector.load %arg5[%swap3A, %swap3A_41] : memref<10112x32xf32, #tpu.memory_space<vmem>>, vector<10000x32xf32>
    tpu.vector_store %arg5[%swap3A, %swap3A_41], %mul3A_40 {strides = array<i32>} : memref<10112x32xf32, #tpu.memory_space<vmem>>, vector<10000x32xf32>,
    return
  }
}

module attributes {stable_mosaic.version = 14 : i64} {
  func.func @_tc_mid_body(%arg0: memref<2x10112x32xf32, #tpu.memory_space<vmem>>, %arg1: memref<10112x32xf32, #tpu.memory_space<vmem>>, %arg2: memref<2x10112x8xf32, #tpu.memory_space<vmem>>, %arg3: memref<1x32xf32, #tpu.memory_space<vmem>>, %arg4: memref<32x16xf32, #tpu.memory_space<vmem>>, %arg5: memref<10112x16xf32, #tpu.memory_space<vmem>>) attributes {dimension_semantics = [], scalar_prefetch = 0 : i64, scratch_operands = 0 : i64, tpu.core_type = #tpu.core_type<tc>} {
    %get3A = arith.constant 0 : index
    %get3A_0 = arith.constant 0 : index
    %get3A_1 = arith.constant 0 : index
    %get3A_2 = vector.load %arg2[%get3A, %get3A_0, %get3A_1] : memref<2x10112x8xf32, #tpu.memory_space<vmem>>, vector<1x10000x1xf32>
    %get3A_3 = vector.shape_cast %get3A_2 : vector<1x10000x1xf32> to vector<10000x1xf32>
    %get3A_4 = arith.constant 1 : index
    %get3A_5 = arith.constant 0 : index
    %get3A_6 = arith.constant 0 : index
    %get3A_7 = vector.load %arg2[%get3A_4, %get3A_5, %get3A_6] : memref<2x10112x8xf32, #tpu.memory_space<vmem>>, vector<1x10000x1xf32>
    %get3A_8 = vector.shape_cast %get3A_7 : vector<1x10000x1xf32> to vector<10000x1xf32>
    %add3A = arith.addf %get3A_3, %get3A_8 : vector<10000x1xf32>
    %add3A_9 = arith.constant 1.000000e+00 : f32
    %add3A_10 = vector.broadcast %add3A_9 : f32 to vector<10000x1xf32>
    %add3A_11 = arith.addf %add3A, %add3A_10 : vector<10000x1xf32>
    %rsqrt3A = math.rsqrt %add3A_11 : vector<10000x1xf32>
    %get3A_12 = arith.constant 0 : index
    %get3A_13 = arith.constant 0 : index
    %get3A_14 = arith.constant 0 : index
    %get3A_15 = vector.load %arg0[%get3A_12, %get3A_13, %get3A_14] : memref<2x10112x32xf32, #tpu.memory_space<vmem>>, vector<1x10000x32xf32>
    %get3A_16 = vector.shape_cast %get3A_15 : vector<1x10000x32xf32> to vector<10000x32xf32>
    %get3A_17 = arith.constant 1 : index
    %get3A_18 = arith.constant 0 : index
    %get3A_19 = arith.constant 0 : index
    %get3A_20 = vector.load %arg0[%get3A_17, %get3A_18, %get3A_19] : memref<2x10112x32xf32, #tpu.memory_space<vmem>>, vector<1x10000x32xf32>
    %get3A_21 = vector.shape_cast %get3A_20 : vector<1x10000x32xf32> to vector<10000x32xf32>
    %add3A_22 = arith.addf %get3A_16, %get3A_21 : vector<10000x32xf32>
    %get3A_23 = arith.constant 0 : index
    %get3A_24 = arith.constant 0 : index
    %get3A_25 = vector.load %arg1[%get3A_23, %get3A_24] : memref<10112x32xf32, #tpu.memory_space<vmem>>, vector<10000x32xf32>
    %add3A_26 = arith.addf %add3A_22, %get3A_25 : vector<10000x32xf32>
    %mul3A = vector.broadcast %rsqrt3A : vector<10000x1xf32> to vector<10000x32xf32>
    %mul3A_27 = arith.mulf %mul3A, %add3A_26 : vector<10000x32xf32>
    %get3A_28 = arith.constant 0 : index
    %get3A_29 = arith.constant 0 : index
    %get3A_30 = vector.load %arg3[%get3A_28, %get3A_29] : memref<1x32xf32, #tpu.memory_space<vmem>>, vector<1x32xf32>
    %add3A_31 = vector.broadcast %get3A_30 : vector<1x32xf32> to vector<10000x32xf32>
    %add3A_32 = arith.addf %mul3A_27, %add3A_31 : vector<10000x32xf32>
    %max3A = arith.constant 0.000000e+00 : f32
    %max3A_33 = vector.broadcast %max3A : f32 to vector<10000x32xf32>
    %max3A_34 = arith.maximumf %add3A_32, %max3A_33 : vector<10000x32xf32>
    %get3A_35 = arith.constant 0 : index
    %get3A_36 = arith.constant 0 : index
    %get3A_37 = vector.load %arg4[%get3A_35, %get3A_36] : memref<32x16xf32, #tpu.memory_space<vmem>>, vector<32x16xf32>
    %dot_general3A = arith.constant dense<0.000000e+00> : vector<10000x16xf32>
    %dot_general3A_38 = tpu.matmul %max3A_34, %get3A_37, %dot_general3A {dimension_numbers = #tpu.dot_dimension_numbers<[1], [0], [0], [1], [0, 0, 1, 1], [], []>, transpose_lhs_hint = false} : vector<10000x32xf32>, vector<32x16xf32>, vector<10000x16xf32> -> vector<10000x16xf32>
    %mul3A_39 = vector.broadcast %rsqrt3A : vector<10000x1xf32> to vector<10000x16xf32>
    %mul3A_40 = arith.mulf %mul3A_39, %dot_general3A_38 : vector<10000x16xf32>
    %swap3A = arith.constant 0 : index
    %swap3A_41 = arith.constant 0 : index
    %swap3A_42 = vector.load %arg5[%swap3A, %swap3A_41] : memref<10112x16xf32, #tpu.memory_space<vmem>>, vector<10000x16xf32>
    tpu.vector_store %arg5[%swap3A, %swap3A_41], %mul3A_40 {strides = array<i32>} : memref<10112x16xf32, #tpu.memory_space<vmem>>, vector<10000x16xf32>,
    return
  }
}

module attributes {stable_mosaic.version = 14 : i64} {
  func.func @_tc_final_body(%arg0: memref<2x10112x16xf32, #tpu.memory_space<vmem>>, %arg1: memref<10112x16xf32, #tpu.memory_space<vmem>>, %arg2: memref<2x10112x8xf32, #tpu.memory_space<vmem>>, %arg3: memref<1x16xf32, #tpu.memory_space<vmem>>, %arg4: memref<10000x16xf32, #tpu.memory_space<vmem>>) attributes {dimension_semantics = [], scalar_prefetch = 0 : i64, scratch_operands = 0 : i64, tpu.core_type = #tpu.core_type<tc>} {
    %get3A = arith.constant 0 : index
    %get3A_0 = arith.constant 0 : index
    %get3A_1 = arith.constant 0 : index
    %get3A_2 = vector.load %arg2[%get3A, %get3A_0, %get3A_1] : memref<2x10112x8xf32, #tpu.memory_space<vmem>>, vector<1x10000x1xf32>
    %get3A_3 = vector.shape_cast %get3A_2 : vector<1x10000x1xf32> to vector<10000x1xf32>
    %get3A_4 = arith.constant 1 : index
    %get3A_5 = arith.constant 0 : index
    %get3A_6 = arith.constant 0 : index
    %get3A_7 = vector.load %arg2[%get3A_4, %get3A_5, %get3A_6] : memref<2x10112x8xf32, #tpu.memory_space<vmem>>, vector<1x10000x1xf32>
    %get3A_8 = vector.shape_cast %get3A_7 : vector<1x10000x1xf32> to vector<10000x1xf32>
    %add3A = arith.addf %get3A_3, %get3A_8 : vector<10000x1xf32>
    %add3A_9 = arith.constant 1.000000e+00 : f32
    %add3A_10 = vector.broadcast %add3A_9 : f32 to vector<10000x1xf32>
    %add3A_11 = arith.addf %add3A, %add3A_10 : vector<10000x1xf32>
    %rsqrt3A = math.rsqrt %add3A_11 : vector<10000x1xf32>
    %get3A_12 = arith.constant 0 : index
    %get3A_13 = arith.constant 0 : index
    %get3A_14 = arith.constant 0 : index
    %get3A_15 = vector.load %arg0[%get3A_12, %get3A_13, %get3A_14] : memref<2x10112x16xf32, #tpu.memory_space<vmem>>, vector<1x10000x16xf32>
    %get3A_16 = vector.shape_cast %get3A_15 : vector<1x10000x16xf32> to vector<10000x16xf32>
    %get3A_17 = arith.constant 1 : index
    %get3A_18 = arith.constant 0 : index
    %get3A_19 = arith.constant 0 : index
    %get3A_20 = vector.load %arg0[%get3A_17, %get3A_18, %get3A_19] : memref<2x10112x16xf32, #tpu.memory_space<vmem>>, vector<1x10000x16xf32>
    %get3A_21 = vector.shape_cast %get3A_20 : vector<1x10000x16xf32> to vector<10000x16xf32>
    %add3A_22 = arith.addf %get3A_16, %get3A_21 : vector<10000x16xf32>
    %get3A_23 = arith.constant 0 : index
    %get3A_24 = arith.constant 0 : index
    %get3A_25 = vector.load %arg1[%get3A_23, %get3A_24] : memref<10112x16xf32, #tpu.memory_space<vmem>>, vector<10000x16xf32>
    %add3A_26 = arith.addf %add3A_22, %get3A_25 : vector<10000x16xf32>
    %mul3A = vector.broadcast %rsqrt3A : vector<10000x1xf32> to vector<10000x16xf32>
    %mul3A_27 = arith.mulf %mul3A, %add3A_26 : vector<10000x16xf32>
    %get3A_28 = arith.constant 0 : index
    %get3A_29 = arith.constant 0 : index
    %get3A_30 = vector.load %arg3[%get3A_28, %get3A_29] : memref<1x16xf32, #tpu.memory_space<vmem>>, vector<1x16xf32>
    %add3A_31 = vector.broadcast %get3A_30 : vector<1x16xf32> to vector<10000x16xf32>
    %add3A_32 = arith.addf %mul3A_27, %add3A_31 : vector<10000x16xf32>
    %reduce_max3A = arith.constant dense<0xFF800000> : vector<10000xf32>
    %reduce_max3A_33 = vector.multi_reduction <maximumf>, %add3A_32, %reduce_max3A [1] : vector<10000x16xf32> to vector<10000xf32>
    %broadcast_in_dim3A = vector.shape_cast %reduce_max3A_33 : vector<10000xf32> to vector<10000x1xf32>
    %sub3A = vector.broadcast %broadcast_in_dim3A : vector<10000x1xf32> to vector<10000x16xf32>
    %sub3A_34 = arith.subf %add3A_32, %sub3A : vector<10000x16xf32>
    %exp3A = math.exp %sub3A_34 : vector<10000x16xf32>
    %reduce_sum3A = arith.constant dense<0.000000e+00> : vector<10000xf32>
    %reduce_sum3A_35 = vector.multi_reduction <add>, %exp3A, %reduce_sum3A [1] : vector<10000x16xf32> to vector<10000xf32>
    %broadcast_in_dim3A_36 = vector.shape_cast %reduce_sum3A_35 : vector<10000xf32> to vector<10000x1xf32>
    %log3A = math.log %broadcast_in_dim3A_36 : vector<10000x1xf32>
    %add3A_37 = arith.addf %broadcast_in_dim3A, %log3A : vector<10000x1xf32>
    %sub3A_38 = vector.broadcast %add3A_37 : vector<10000x1xf32> to vector<10000x16xf32>
    %sub3A_39 = arith.subf %add3A_32, %sub3A_38 : vector<10000x16xf32>
    %swap3A = arith.constant 0 : index
    %swap3A_40 = arith.constant 0 : index
    %swap3A_41 = vector.load %arg4[%swap3A, %swap3A_40] : memref<10000x16xf32, #tpu.memory_space<vmem>>, vector<10000x16xf32>
    tpu.vector_store %arg4[%swap3A, %swap3A_40], %sub3A_39 {strides = array<i32>} : memref<10000x16xf32, #tpu.memory_space<vmem>>, vector<10000x16xf32>,
    return
  }
}

</mosaic_0001>

<sc_bundles>
// kernel: kernel.10.cloned.1.call-start
scs
__scs_entry_jumppad:
0x0: {  	(pc) =	sbr.rel $0x88, $3  }
0x1: {  	(tag) =	ssettag $0x0;
	lr =	simm.s32 $0x1  }
0x2: {  	[smem:$0x3F98] =	sst lr;
	_ =	strace $0xD0000000  }
0x3: {  	_ = 	snop  }
0x4: {  	_ = 	snop  }
0x5: {  	_ = 	snop  }
0x6: {  	_ = 	snop  }
0x7: {  	_ = 	snop  }
__scs_overlays_trampoline_lowered:
0x8: {  	[smem:$0x3FA7] =	sst s0  }
0x9: {  	[smem:$0x3FA8] =	sst s1  }
0xa: {  	[smem:$0x3FA9] =	sst s2  }
0xb: {  	[smem:$0x3FAA] =	sst s3  }
0xc: {  	[smem:$0x3FAB] =	sst s4  }
0xd: {  	[smem:$0x3FAC] =	sst s5  }
0xe: {  	[smem:$0x3FAD] =	sst s6  }
0xf: {  	[smem:$0x3FAE] =	sst s7  }
0x10: {  	[smem:$0x3FAF] =	sst s8  }
0x11: {  	[smem:$0x3FB0] =	sst s9;
	s0 =	simm.s32 @!p0 $0x0  }
0x12: {  	s1 =	sld [smem:$0x3F96];
	s0 =	simm.s32 @p0 $0x1  }
0x13: {  	[smem:$0x3FB1] =	sst s0;
	s0 =	simm.s32 @!p1 $0x0  }
0x14: {  	s2 =	sld [smem:$0x3F95];
	s0 =	simm.s32 @p1 $0x1  }
0x15: {  	[smem:$0x3FB2] =	sst s0;
	s0 =	simm.s32 @!p2 $0x0  }
0x16: {  	s3 =	sld [smem:$0x3FDB];
	s0 =	simm.s32 @p2 $0x1  }
0x17: {  	s4 =	simm.s32 $0x1BF5;
	[smem:$0x3FB4] =	sst s0  }
0x18: {  	s0 =	sld [smem:$0x3F97];
	_ =	swait.ge [sflag:s4], $0x0  }
0x19: {  	s7 =	sld [smem:$0x3F98]  }
0x1a: {  	s8 =	sadd.s32 $0xFFFFE003, lr  }
0x1b: {  	s9 =	sadd.s32 $0xFFFFFEF7, lr;
	s5 =	simm.s32 $0xFFFFFFFF;
	p2 =	slt.u32 s8, $0xFFFFF086  }
0x1c: {  	p1 =	slt.u32 s9, $0xF7A;
	s5 =	simm.s32 @!p2 $0x0  }
0x1d: {  	s5 =	simm.s32 @p1 $0x1;
	p0 =	seq.s32 s7, s2  }
0x1e: {  	s7 =	smul.u32 @!p0 $0xF7A, s2;
	p2 =	seq.s32 @!p0 s5, $0x0  }
0x1f: {  	s9 =	smul.u32 $0xF7A, s1;
	s8 =	simm.s32 @!p0 $0x1BF5;
	p2 =	por !p2, p0  }
0x20: {  	[sflag:s8] =	ssyncset.s32 @!p0 $0xFFFFF086;
	s6 =	sadd.s32 @!p0 s3, s7;
	s7 =	simm.s32 @!p0 $0x108  }
0x21: {  	s3 =	sadd.s32 s3, s9;
	s6 =	sadd.s32 @!p0 $0x88, s6;
	s7 =	simm.s32 @p2 $0x1082  }
0x22: {  	[simem:s7], [sflag:s8] =	dma.local @!p0 [hbm:s6], $0xF7A  }
0x23: {  	s9 =	sor.u32 $0xD0000000, s2;
	s6 =	simm.s32 $0x108;
	_ =	swait.ge @!p0 [sflag:s8], $0x0  }
0x24: {  	s3 =	sadd.s32 $0x88, s3;
	s6 =	simm.s32 @!p1 $0x1082;
	[sflag:s4] =	ssyncset.s32 $0xFFFFF086  }
0x25: {  	[simem:s6], [sflag:s4] =	dma.local [hbm:s3], $0xF7A  }
0x26: {  	[smem:$0x3F98] =	sst s1;
	(tag) =	ssettag s2;
	_ =	strace s9  }
0x27: {  	s1 =	sld [smem:$0x3FA8]  }
0x28: {  	s2 =	sld [smem:$0x3FA9]  }
0x29: {  	s4 =	sld [smem:$0x3FAB]  }
0x2a: {  	p0 =	seq.s32 s5, $0x0;
	s5 =	sld [smem:$0x3FAC]  }
0x2b: {  	s6 =	sld [smem:$0x3FAD]  }
0x2c: {  	s7 =	sld [smem:$0x3FAE]  }
0x2d: {  	s3 =	simm.s32 $0x108;
	s8 =	sld [smem:$0x3FAF]  }
0x2e: {  	s3 =	simm.s32 @!p0 $0x1082;
	s9 =	sld [smem:$0x3FB0]  }
0x2f: {  	lr =	sadd.s32 s0, s3;
	s0 =	sld [smem:$0x3FA7]  }
0x30: {  	s3 =	sld [smem:$0x3FAA]  }
0x31: {  	[smem:$0x3FB3] =	sst s10  }
0x32: {  	s10 =	sld [smem:$0x3FB1];
	_ =	sdelay $0x3  }
0x33: {  	p0 =	seq.s32 s10, $0x1;
	s10 =	sld [smem:$0x3FB3];
	_ =	sdelay $0x3  }
0x34: {  	[smem:$0x3FB3] =	sst s10  }
0x35: {  	s10 =	sld [smem:$0x3FB2];
	_ =	sdelay $0x3  }
0x36: {  	p1 =	seq.s32 s10, $0x1;
	s10 =	sld [smem:$0x3FB3];
	_ =	sdelay $0x3  }
0x37: {  	[smem:$0x3FB3] =	sst s10  }
0x38: {  	s10 =	sld [smem:$0x3FB4]  }
0x39: {  	_ = 	snop;
	(pc) =	sbr.ind lr, $3  }
0x3a: {  	_ = 	snop  }
0x3b: {  	_ = 	snop  }
0x3c: {  	p2 =	seq.s32 s10, $0x1;
	s10 =	sld [smem:$0x3FB3]  }
0x3d: {  	_ =	shalt  }
0x3e: {  	_ =	shalt  }
0x3f: {  	_ =	shalt  }
0x40: {  	_ =	shalt  }
0x41: {  	_ =	shalt  }
0x42: {  	_ =	shalt  }
0x43: {  	_ =	shalt  }
0x44: {  	_ =	shalt  }
0x45: {  	_ =	shalt  }
0x46: {  	_ =	shalt  }
0x47: {  	_ =	shalt  }
0x48: {  	_ =	shalt  }
0x49: {  	_ =	shalt  }
0x4a: {  	_ =	shalt  }
0x4b: {  	_ =	shalt  }
0x4c: {  	_ =	shalt  }
0x4d: {  	_ =	shalt  }
0x4e: {  	_ =	shalt  }
0x4f: {  	_ =	shalt  }
0x50: {  	_ =	shalt  }
0x51: {  	_ =	shalt  }
0x52: {  	_ =	shalt  }
0x53: {  	_ =	shalt  }
0x54: {  	_ =	shalt  }
0x55: {  	_ =	shalt  }
0x56: {  	_ =	shalt  }
0x57: {  	_ =	shalt  }
0x58: {  	_ =	shalt  }
0x59: {  	_ =	shalt  }
0x5a: {  	_ =	shalt  }
0x5b: {  	_ =	shalt  }
0x5c: {  	_ =	shalt  }
0x5d: {  	_ =	shalt  }
0x5e: {  	_ =	shalt  }
0x5f: {  	_ =	shalt  }
0x60: {  	_ =	shalt  }
0x61: {  	_ =	shalt  }
0x62: {  	_ =	shalt  }
0x63: {  	_ =	shalt  }
0x64: {  	_ =	shalt  }
0x65: {  	_ =	shalt  }
0x66: {  	_ =	shalt  }
0x67: {  	_ =	shalt  }
0x68: {  	_ =	shalt  }
0x69: {  	_ =	shalt  }
0x6a: {  	_ =	shalt  }
0x6b: {  	_ =	shalt  }
0x6c: {  	_ =	shalt  }
0x6d: {  	_ =	shalt  }
0x6e: {  	_ =	shalt  }
0x6f: {  	_ =	shalt  }
0x70: {  	_ =	shalt  }
0x71: {  	_ =	shalt  }
0x72: {  	_ =	shalt  }
0x73: {  	_ =	shalt  }
0x74: {  	_ =	shalt  }
0x75: {  	_ =	shalt  }
0x76: {  	_ =	shalt  }
0x77: {  	_ =	shalt  }
0x78: {  	_ =	shalt  }
0x79: {  	_ =	shalt  }
0x7a: {  	_ =	shalt  }
0x7b: {  	_ =	shalt  }
0x7c: {  	_ =	shalt  }
0x7d: {  	_ =	shalt  }
0x7e: {  	_ =	shalt  }
0x7f: {  	_ =	shalt  }
0x80: {  	_ =	shalt  }
0x81: {  	_ =	shalt  }
0x82: {  	_ =	shalt  }
0x83: {  	_ =	shalt  }
0x84: {  	_ =	shalt  }
0x85: {  	_ =	shalt  }
0x86: {  	_ =	shalt  }
0x87: {  	_ =	shalt  }
.Lfunc_end0:
.L_simem_size_0:
called_computation_lowered:
.L_overlay_start_0:
0x88: {  	s2 =	sld [smem:$0x3FD9]  }
0x89: {  	s3 =	sld [smem:$0x3FFE];
	_ =	sdelay $0x1  }
0x8a: {  	s1 =	srdreg.scid  }
0x8b: {  	s0 =	sand.u32 $0x1, s1  }
0x8c: {  	s17 =	sshll.u32 s0, $0xA;
	s2 =	sadd.s32 s3, s2  }
0x8d: {  	s2 =	sadd.s32 s2, s17  }
0x8e: {  	[smem:$0x3FBF] =	sst s2  }
0x8f: {  	_ = 	snop  }
0x90: {  	s2 =	sld [smem:$0x3FD0];
	(tm) =	ssettm $0x1  }
0x91: {  	s18 =	sld [smem:$0x3FFB];
	_ =	sdelay $0x3  }
0x92: {  	_ =	strace s18  }
0x93: {  	s3 =	sld [smem:$0x3FFC];
	_ =	sdelay $0x3  }
0x94: {  	_ =	strace s3  }
0x95: {  	s3 =	sld [smem:$0x3FFD];
	_ =	sdelay $0x3  }
0x96: {  	_ =	strace s3  }
0x97: {  	_ =	strace $0x8FFFFFFF  }
0x98: {  	s19 =	sld [smem:$0x3FDB];
	_ =	sdelay $0x1  }
0x99: {  	s4 =	simm.s32 $_scs_section_size  }
0x9a: {  	s5 =	simm.s32 $_size__tile_overlayer_lowered;
	s6 =	simm.s32 $_tile_overlayer_lowered  }
0x9b: {  	s22 =	simm.s32 $0x1BFF;
	s21 =	sshll.u32 s6, $0x1;
	s3 =	sadd.s32 s4, s19  }
0x9c: {  	s7 =	simm.s32 $0x0;
	s20 =	sshll.u32 s5, $0x1;
	s5 =	sadd.s32 s21, s3  }
0x9d: {  	[timem:s7], [sflag:s22] =	dma.local [hbm:s5], s20  }
0x9e: {  	_ =	swait.ge [sflag:s22], s20  }
0x9f: {  	s4 =	ssub.s32 $0x0, s20;
	[sflag:s22] =	ssyncset.done $0x0  }
0xa0: {  	[sflag:s22] =	ssyncadd.s32 s4;
	_ =	sdelay $0x1  }
0xa1: {  	s23 =	simm.s32 $0x1B8B  }
0xa2: {  	_ =	swait.ge [sflag:s23], $0x1  }
0xa3: {  	[sflag:s23] =	ssyncset.done $0x0  }
0xa4: {  	s25 =	simm.s32 $0x1B8E;
	s24 =	sld [smem:$0x3FFE];
	[sflag:s23] =	ssyncadd.s32 $0xFFFFFFFF  }
0xa5: {  	s26 =	simm.s32 $execute0_lowered;
	[smem:$0x3FD2] =	sst s25  }
0xa6: {  	s5 =	sshll.u32 s26, $0x1;
	_ =	strace $0x80000046;
	[dreg:$0x1] =	wrdreg $0xFFFFFFFF  }
0xa7: {  	s28 =	simm.s32 $_size_execute0_lowered;
	s3 =	sadd.s32 s3, s5;
	[dreg:$0x0] =	wrdreg $0x0  }
0xa8: {  	s5 =	sshll.u32 s28, $0x1;
	[dreg:$0x2] =	wrdreg s3  }
0xa9: {  	[dreg:$0x3] =	wrdreg s5  }
0xaa: {  	[dreg:$0x4] =	wrdreg $0xC0  }
0xab: {  	_ =	task [dreg:s7], $0x5FFFF  }
0xac: {  	[dreg:$0x1] =	wrdreg $0xFFFFFFFF  }
0xad: {  	[dreg:$0x0] =	wrdreg $0x60  }
0xae: {  	[dreg:$0x2] =	wrdreg s24  }
0xaf: {  	[dreg:$0x3] =	wrdreg s2  }
0xb0: {  	[dreg:$0x4] =	wrdreg $0x48000  }
0xb1: {  	[dreg:$0x5] =	wrdreg $0x9  }
0xb2: {  	_ =	task.clear_ibuf [dreg:s7], $0x6FFFF;
	_ =	strace $0x90000046  }
0xb3: {  	s29 =	simm.s32 $0x9;
	_ =	strace $0x80000048  }
0xb4: {  	_ =	swait.ge [sflag:s29], $0x1  }
0xb5: {  	[sflag:s29] =	ssyncadd.s32 $0xFFFFFFFF  }
0xb6: {  	_ =	strace $0x90000048  }
0xb7: {  	_ =	sfence  }
0xb8: {  	s30 =	sld [smem:$0x0];
	_ =	sdelay $0x2  }
0xb9: {  	s31 =	sshll.u32 s1, $0xD;
	s1 =	sshrl.u32 s1, $0x2  }
0xba: {  	s3 =	sand.u32 $0x4000, s31;
	s1 =	sadd.s32 s1, s30  }
0xbb: {  	s0 =	sor.u32 s3, s0;
	s1 =	sshll.u32 s1, $0x11  }
0xbc: {  	s0 =	sor.u32 s1, s0  }
0xbd: {  	s0 =	sadd.s32 $0x8F2B, s0  }
0xbe: {  	[sflag:s0] =	ssyncadd.remote.s32 $0x1  }
0xbf: {  	_ =	sfence.sel $0xFFFF  }
0xc0: {  	[dreg:$0x0] =	wrdreg $0xFFFFFFFF;
	(pc) =	sbr.abs _section_cstart, $3  }
0xc1: {  	[dreg:$0x1] =	wrdreg $0xFFFFFFFF  }
0xc2: {  	_ =	task.clear_ibuf [dreg:s7], $0x2FFFF;
	_ =	strace $0x9FFFFFFF  }
0xc3: {  	(tm) =	ssettm $0x7FFFFFFF  }
tec
execute0_lowered:
.L_overlay_start_1:
0x0: {  	(tag) =	ssettag $0x1  }
0x1: {  	s0 =	srdreg.scid  }
0x2: {  	s22 =	sand.u32 $0x1, s0  }
0x3: {  	s8 =	rddreg [dreg:$0x0];
	s0 =	stileid.u32;
	s1 =	sshll.u32 s22, $0x4  }
0x4: {  	s21 =	rddreg [dreg:$0x1];
	s1 =	sor.u32 s0, s1  }
0x5: {  	s2 =	rddreg [dreg:$0x2];
	s3 =	simm.s32 $0x0;
	s4 =	smul.u32 $0x500, s1  }
0x6: {  	[smem:$0x7FF] =	sst s3  }
0x7: {  	s1 =	rddreg [dreg:$0x3];
	s4 =	sadd.s32 s4, s8  }
0x8: {  	_ =	strace $0x80000047;
	s5 =	sadd.s32 $0x2400, s4;
	s4 =	simm.s32 $0x2  }
0x9: {  	[tilespmem:s3], [sflag:$0x2] =	stream.linear.gather [hbm4b:s5+s3], $0x2800, $0x38;
	[tilespmem:$0x5BC0] =	vst v63  }
0xa: {  	_ =	swait.ge [sflag:s4], $0x2800  }
0xb: {  	s7 =	simm.s32 $0x2800;
	[sflag:s4] =	ssyncset.done $0x0  }
0xc: {  	s6 =	sadd.s32 $0xC400, s8;
	s23 =	smul.u32 $0x13C0, s0;
	[sflag:s4] =	ssyncadd.s32 $0xFFFFD800  }
0xd: {  	[tilespmem:s7], [sflag:$0x2] =	stream.linear.gather [hbm4b:s6+s3], $0x2000, $0x38;
	[tilespmem:$0x5BC0] =	vst v63  }
0xe: {  	s9 =	sshll.u32 s0, $0x6;
	_ =	swait.ge [sflag:s4], $0x2000  }
0xf: {  	s9 =	sor.u32 $0x1C02, s9;
	s10 =	sadd.s32 s23, s2;
	[sflag:s4] =	ssyncset.done $0x0  }
0x10: {  	s10 =	sshrl.u32 s10, $0x3;
	s8 =	sadd.s32 $0xC800, s8;
	[sflag:s4] =	ssyncadd.s32 $0xFFFFE000  }
0x11: {  	[spmem:s10], [sflag:s9] =	dma.local [hbm:s8], $0x278  }
0x12: {  	_ =	swait.ge [sflag:s4], $0x278  }
0x13: {  	[sflag:s4] =	ssyncset.done $0x0  }
0x14: {  	[sflag:s4] =	ssyncadd.s32 $0xFFFFFD88  }
0x15: {  	s11 =	simm.s32 $0x400;
	[bflag:$0x0] =	sbarrier.arrive $0xFFFF  }
0x16: {  	[spmem:s2] =	stream.indirect.scatter.add.f32 [tilespmem:s7], [sflag:$0x1], $0x8, s3, s11, $0xb8;
	[tilespmem:$0x5BC0] =	vst v63  }
0x17: {  	_ = 	snop  }
0x18: {  	[spmem:s2] =	stream.indirect.scatter.add.f32 [tilespmem:s7], [sflag:$0x1], $0x8, s11, s11, $0xb8;
	[tilespmem:$0x5BC0] =	vst v63  }
0x19: {  	s12 =	simm.s32 $0x800  }
0x1a: {  	[spmem:s2] =	stream.indirect.scatter.add.f32 [tilespmem:s7], [sflag:$0x1], $0x8, s12, s11, $0xb8;
	[tilespmem:$0x5BC0] =	vst v63  }
0x1b: {  	s13 =	simm.s32 $0xC00  }
0x1c: {  	[spmem:s2] =	stream.indirect.scatter.add.f32 [tilespmem:s7], [sflag:$0x1], $0x8, s13, s11, $0xb8;
	[tilespmem:$0x5BC0] =	vst v63  }
0x1d: {  	s14 =	simm.s32 $0x1000  }
0x1e: {  	[spmem:s2] =	stream.indirect.scatter.add.f32 [tilespmem:s7], [sflag:$0x1], $0x8, s14, s11, $0xb8;
	[tilespmem:$0x5BC0] =	vst v63  }
0x1f: {  	s15 =	simm.s32 $0x1400  }
0x20: {  	[spmem:s2] =	stream.indirect.scatter.add.f32 [tilespmem:s7], [sflag:$0x1], $0x8, s15, s11, $0xb8;
	[tilespmem:$0x5BC0] =	vst v63  }
0x21: {  	s16 =	simm.s32 $0x1800  }
0x22: {  	[spmem:s2] =	stream.indirect.scatter.add.f32 [tilespmem:s7], [sflag:$0x1], $0x8, s16, s11, $0xb8;
	[tilespmem:$0x5BC0] =	vst v63  }
0x23: {  	s17 =	simm.s32 $0x1C00  }
0x24: {  	[spmem:s2] =	stream.indirect.scatter.add.f32 [tilespmem:s7], [sflag:$0x1], $0x8, s17, s11, $0xb8;
	[tilespmem:$0x5BC0] =	vst v63  }
0x25: {  	s18 =	simm.s32 $0x2000  }
0x26: {  	[spmem:s2] =	stream.indirect.scatter.add.f32 [tilespmem:s7], [sflag:$0x1], $0x8, s18, s11, $0xb8;
	[tilespmem:$0x5BC0] =	vst v63  }
0x27: {  	s19 =	simm.s32 $0x2400;
	s20 =	simm.s32 $0x1  }
0x28: {  	[spmem:s2] =	stream.indirect.scatter.add.f32 [tilespmem:s7], [sflag:$0x1], $0x8, s19, s11, $0xb8;
	[tilespmem:$0x5BC0] =	vst v63  }
0x29: {  	_ =	swait.ge [sflag:s20], $0x2000  }
0x2a: {  	[sflag:s20] =	ssyncset.done $0x0  }
0x2b: {  	[sflag:s20] =	ssyncadd.s32 $0xFFFFE000  }
0x2c: {  	_ =	swait.ge [sflag:s20], $0x2000  }
0x2d: {  	[sflag:s20] =	ssyncset.done $0x0  }
0x2e: {  	[sflag:s20] =	ssyncadd.s32 $0xFFFFE000  }
0x2f: {  	_ =	swait.ge [sflag:s20], $0x2000  }
0x30: {  	[sflag:s20] =	ssyncset.done $0x0  }
0x31: {  	[sflag:s20] =	ssyncadd.s32 $0xFFFFE000  }
0x32: {  	_ =	swait.ge [sflag:s20], $0x2000  }
0x33: {  	[sflag:s20] =	ssyncset.done $0x0  }
0x34: {  	[sflag:s20] =	ssyncadd.s32 $0xFFFFE000  }
0x35: {  	_ =	swait.ge [sflag:s20], $0x2000  }
0x36: {  	[sflag:s20] =	ssyncset.done $0x0  }
0x37: {  	[sflag:s20] =	ssyncadd.s32 $0xFFFFE000  }
0x38: {  	_ =	swait.ge [sflag:s20], $0x2000  }
0x39: {  	[sflag:s20] =	ssyncset.done $0x0  }
0x3a: {  	[sflag:s20] =	ssyncadd.s32 $0xFFFFE000  }
0x3b: {  	_ =	swait.ge [sflag:s20], $0x2000  }
0x3c: {  	[sflag:s20] =	ssyncset.done $0x0  }
0x3d: {  	[sflag:s20] =	ssyncadd.s32 $0xFFFFE000  }
0x3e: {  	_ =	swait.ge [sflag:s20], $0x2000  }
0x3f: {  	[sflag:s20] =	ssyncset.done $0x0  }
0x40: {  	[sflag:s20] =	ssyncadd.s32 $0xFFFFE000  }
0x41: {  	s24 =	smul.u32 $0x13C00, s22;
	s22 =	ssub.s32 $0x2, s22;
	_ =	swait.ge [sflag:s20], $0x2000  }
0x42: {  	s31 =	sshrl.u32 s22, $0x1;
	[sflag:s20] =	ssyncset.done $0x0  }
0x43: {  	s22 =	ssub.s32 s22, s31;
	[sflag:s20] =	ssyncadd.s32 $0xFFFFE000  }
0x44: {  	s22 =	smax.u32 s22, $0x1;
	_ =	swait.ge [sflag:s20], $0x2000  }
0x45: {  	s23 =	sadd.s32 s23, s24;
	p0 =	sne.s32 s22, $0x1;
	[sflag:s20] =	ssyncset.done $0x0  }
.Ltmp0:
0x46: {  	s23 =	sshrl.u32 s23, $0x3;
	[sflag:s20] =	ssyncadd.s32 $0xFFFFE000;
	(pc) =	sbr.rel @!p0 .LBB2_2-.Ltmp0, $4  }
0x47: {  	s21 =	sadd.s32 s21, s23;
	[bflag:$0x0] =	sbarrier.arrive $0xFFFF  }
0x48: {  	[hbm:s21], [sflag:s9] =	dma.local [spmem:s10], $0x278  }
0x49: {  	_ =	swait.ge [sflag:s4], $0x278  }
0x4a: {  	s22 =	sadd.s32 $0xFFFFFFFF, s22;
	[sflag:s4] =	ssyncset.done $0x0  }
.LBB2_1:
0x4b: {  	p0 =	sne.s32 s22, $0x1;
	s22 =	sadd.s32 $0xFFFFFFFF, s22;
	[sflag:s4] =	ssyncadd.s32 $0xFFFFFD88  }
0x4c: {  	[tilespmem:s3], [sflag:$0x2] =	stream.linear.gather [hbm4b:s5+s3], $0x2800, $0x38;
	[tilespmem:$0x5BC0] =	vst v63  }
0x4d: {  	_ =	swait.ge [sflag:s4], $0x2800  }
0x4e: {  	[sflag:s4] =	ssyncset.done $0x0  }
0x4f: {  	[sflag:s4] =	ssyncadd.s32 $0xFFFFD800  }
0x50: {  	[tilespmem:s7], [sflag:$0x2] =	stream.linear.gather [hbm4b:s6+s3], $0x2000, $0x38;
	[tilespmem:$0x5BC0] =	vst v63  }
0x51: {  	_ =	swait.ge [sflag:s4], $0x2000  }
0x52: {  	[sflag:s4] =	ssyncset.done $0x0  }
0x53: {  	[sflag:s4] =	ssyncadd.s32 $0xFFFFE000  }
0x54: {  	[spmem:s10], [sflag:s9] =	dma.local [hbm:s8], $0x278  }
0x55: {  	_ =	swait.ge [sflag:s4], $0x278  }
0x56: {  	[sflag:s4] =	ssyncset.done $0x0  }
0x57: {  	[sflag:s4] =	ssyncadd.s32 $0xFFFFFD88  }
0x58: {  	[bflag:$0x0] =	sbarrier.arrive $0xFFFF  }
0x59: {  	[spmem:s2] =	stream.indirect.scatter.add.f32 [tilespmem:s7], [sflag:$0x1], $0x8, s3, s11, $0xb8;
	[tilespmem:$0x5BC0] =	vst v63  }
0x5a: {  	_ = 	snop  }
0x5b: {  	[spmem:s2] =	stream.indirect.scatter.add.f32 [tilespmem:s7], [sflag:$0x1], $0x8, s11, s11, $0xb8;
	[tilespmem:$0x5BC0] =	vst v63  }
0x5c: {  	_ = 	snop  }
0x5d: {  	[spmem:s2] =	stream.indirect.scatter.add.f32 [tilespmem:s7], [sflag:$0x1], $0x8, s12, s11, $0xb8;
	[tilespmem:$0x5BC0] =	vst v63  }
0x5e: {  	_ = 	snop  }
0x5f: {  	[spmem:s2] =	stream.indirect.scatter.add.f32 [tilespmem:s7], [sflag:$0x1], $0x8, s13, s11, $0xb8;
	[tilespmem:$0x5BC0] =	vst v63  }
0x60: {  	_ = 	snop  }
0x61: {  	[spmem:s2] =	stream.indirect.scatter.add.f32 [tilespmem:s7], [sflag:$0x1], $0x8, s14, s11, $0xb8;
	[tilespmem:$0x5BC0] =	vst v63  }
0x62: {  	_ = 	snop  }
0x63: {  	[spmem:s2] =	stream.indirect.scatter.add.f32 [tilespmem:s7], [sflag:$0x1], $0x8, s15, s11, $0xb8;
	[tilespmem:$0x5BC0] =	vst v63  }
0x64: {  	_ = 	snop  }
0x65: {  	[spmem:s2] =	stream.indirect.scatter.add.f32 [tilespmem:s7], [sflag:$0x1], $0x8, s16, s11, $0xb8;
	[tilespmem:$0x5BC0] =	vst v63  }
0x66: {  	_ = 	snop  }
0x67: {  	[spmem:s2] =	stream.indirect.scatter.add.f32 [tilespmem:s7], [sflag:$0x1], $0x8, s17, s11, $0xb8;
	[tilespmem:$0x5BC0] =	vst v63  }
0x68: {  	_ = 	snop  }
0x69: {  	[spmem:s2] =	stream.indirect.scatter.add.f32 [tilespmem:s7], [sflag:$0x1], $0x8, s18, s11, $0xb8;
	[tilespmem:$0x5BC0] =	vst v63  }
0x6a: {  	_ = 	snop  }
0x6b: {  	[spmem:s2] =	stream.indirect.scatter.add.f32 [tilespmem:s7], [sflag:$0x1], $0x8, s19, s11, $0xb8;
	[tilespmem:$0x5BC0] =	vst v63  }
0x6c: {  	_ =	swait.ge [sflag:s20], $0x2000  }
0x6d: {  	[sflag:s20] =	ssyncset.done $0x0  }
0x6e: {  	[sflag:s20] =	ssyncadd.s32 $0xFFFFE000  }
0x6f: {  	_ =	swait.ge [sflag:s20], $0x2000  }
0x70: {  	[sflag:s20] =	ssyncset.done $0x0  }
0x71: {  	[sflag:s20] =	ssyncadd.s32 $0xFFFFE000  }
0x72: {  	_ =	swait.ge [sflag:s20], $0x2000  }
0x73: {  	[sflag:s20] =	ssyncset.done $0x0  }
0x74: {  	[sflag:s20] =	ssyncadd.s32 $0xFFFFE000  }
0x75: {  	_ =	swait.ge [sflag:s20], $0x2000  }
0x76: {  	[sflag:s20] =	ssyncset.done $0x0  }
0x77: {  	[sflag:s20] =	ssyncadd.s32 $0xFFFFE000  }
0x78: {  	_ =	swait.ge [sflag:s20], $0x2000  }
0x79: {  	[sflag:s20] =	ssyncset.done $0x0  }
0x7a: {  	[sflag:s20] =	ssyncadd.s32 $0xFFFFE000  }
0x7b: {  	_ =	swait.ge [sflag:s20], $0x2000  }
0x7c: {  	[sflag:s20] =	ssyncset.done $0x0  }
0x7d: {  	[sflag:s20] =	ssyncadd.s32 $0xFFFFE000  }
0x7e: {  	_ =	swait.ge [sflag:s20], $0x2000  }
0x7f: {  	[sflag:s20] =	ssyncset.done $0x0  }
0x80: {  	[sflag:s20] =	ssyncadd.s32 $0xFFFFE000  }
0x81: {  	_ =	swait.ge [sflag:s20], $0x2000  }
0x82: {  	[sflag:s20] =	ssyncset.done $0x0  }
0x83: {  	[sflag:s20] =	ssyncadd.s32 $0xFFFFE000  }
0x84: {  	_ =	swait.ge [sflag:s20], $0x2000  }
0x85: {  	[sflag:s20] =	ssyncset.done $0x0  }
0x86: {  	[sflag:s20] =	ssyncadd.s32 $0xFFFFE000  }
0x87: {  	_ =	swait.ge [sflag:s20], $0x2000  }
0x88: {  	[sflag:s20] =	ssyncset.done $0x0  }
.Ltmp1:
0x89: {  	[sflag:s20] =	ssyncadd.s32 $0xFFFFE000;
	(pc) =	sbr.rel @p0 .LBB2_1-.Ltmp1, $4  }
0x8a: {  	[bflag:$0x0] =	sbarrier.arrive $0xFFFF  }
0x8b: {  	[hbm:s21], [sflag:s9] =	dma.local [spmem:s10], $0x278  }
0x8c: {  	_ =	swait.ge [sflag:s4], $0x278  }
0x8d: {  	[sflag:s4] =	ssyncset.done $0x0  }
.LBB2_2:
0x8e: {  	[sflag:s4] =	ssyncadd.s32 $0xFFFFFD88  }
0x8f: {  	_ =	sfence.sel $0x180000  }
0x90: {  	[bflag:$0x0] =	sbarrier.arrive $0xFFFF  }
0x91: {  	p0 =	sne.s32 s0, $0x0;
	_ =	strace $0x90000047  }
0x92: {  	s0 =	sadd.s32 @!p0 $0x100000, s1;
	[bflag:$0x2] =	sbarrier.arrive $0xFFFF  }
0x93: {  	[sflag:s0] =	ssyncadd.tile.s32 @!p0 $0x1;
	_ =	shalt  }
.Lfunc_end2:
_tile_overlayer_lowered:
.L_overlay_start_2:
0x94: {  	(tag) =	ssettag $0x2  }
0x95: {  	s0 =	rddreg [dreg:$0x0];
	s2 =	stileid.u32  }
0x96: {  	s1 =	rddreg [dreg:$0x1];
	p0 =	sne.s32 s2, $0x0  }
0x97: {  	s3 =	rddreg [dreg:$0x2];
	[bflag:$0x3] =	sbarrier.arrive $0xFFFF;
	s2 =	simm.s32 @!p0 $0x1C02  }
0x98: {  	[timem:s3], [sflag:s2] =	dma.local @!p0 [hbm:s0], s1  }
0x99: {  	s0 =	simm.s32 @!p0 $0x2  }
0x9a: {  	_ =	swait.ge @!p0 [sflag:s0], s1  }
0x9b: {  	s1 =	ssub.s32 @!p0 $0x0, s1;
	[sflag:s0] =	ssyncset.done @!p0 $0x0  }
0x9c: {  	[sflag:s0] =	ssyncadd.s32 @!p0 s1  }
0x9d: {  	[bflag:$0x3] =	sbarrier.arrive $0xFFFF  }
0x9e: {  	_ =	shalt  }

// kernel: kernel.13.cloned.1.call-start
scs
__scs_entry_jumppad:
0x0: {  	(pc) =	sbr.rel $0x88, $3  }
0x1: {  	(tag) =	ssettag $0x0;
	lr =	simm.s32 $0x1  }
0x2: {  	[smem:$0x3F98] =	sst lr;
	_ =	strace $0xD0000000  }
0x3: {  	_ = 	snop  }
0x4: {  	_ = 	snop  }
0x5: {  	_ = 	snop  }
0x6: {  	_ = 	snop  }
0x7: {  	_ = 	snop  }
__scs_overlays_trampoline_lowered:
0x8: {  	[smem:$0x3FA7] =	sst s0  }
0x9: {  	[smem:$0x3FA8] =	sst s1  }
0xa: {  	[smem:$0x3FA9] =	sst s2  }
0xb: {  	[smem:$0x3FAA] =	sst s3  }
0xc: {  	[smem:$0x3FAB] =	sst s4  }
0xd: {  	[smem:$0x3FAC] =	sst s5  }
0xe: {  	[smem:$0x3FAD] =	sst s6  }
0xf: {  	[smem:$0x3FAE] =	sst s7  }
0x10: {  	[smem:$0x3FAF] =	sst s8  }
0x11: {  	[smem:$0x3FB0] =	sst s9;
	s0 =	simm.s32 @!p0 $0x0  }
0x12: {  	s1 =	sld [smem:$0x3F96];
	s0 =	simm.s32 @p0 $0x1  }
0x13: {  	[smem:$0x3FB1] =	sst s0;
	s0 =	simm.s32 @!p1 $0x0  }
0x14: {  	s2 =	sld [smem:$0x3F95];
	s0 =	simm.s32 @p1 $0x1  }
0x15: {  	[smem:$0x3FB2] =	sst s0;
	s0 =	simm.s32 @!p2 $0x0  }
0x16: {  	s3 =	sld [smem:$0x3FDB];
	s0 =	simm.s32 @p2 $0x1  }
0x17: {  	s4 =	simm.s32 $0x1BF5;
	[smem:$0x3FB4] =	sst s0  }
0x18: {  	s0 =	sld [smem:$0x3F97];
	_ =	swait.ge [sflag:s4], $0x0  }
0x19: {  	s7 =	sld [smem:$0x3F98]  }
0x1a: {  	s8 =	sadd.s32 $0xFFFFE003, lr  }
0x1b: {  	s9 =	sadd.s32 $0xFFFFFEF7, lr;
	s5 =	simm.s32 $0xFFFFFFFF;
	p2 =	slt.u32 s8, $0xFFFFF086  }
0x1c: {  	p1 =	slt.u32 s9, $0xF7A;
	s5 =	simm.s32 @!p2 $0x0  }
0x1d: {  	s5 =	simm.s32 @p1 $0x1;
	p0 =	seq.s32 s7, s2  }
0x1e: {  	s7 =	smul.u32 @!p0 $0xF7A, s2;
	p2 =	seq.s32 @!p0 s5, $0x0  }
0x1f: {  	s9 =	smul.u32 $0xF7A, s1;
	s8 =	simm.s32 @!p0 $0x1BF5;
	p2 =	por !p2, p0  }
0x20: {  	[sflag:s8] =	ssyncset.s32 @!p0 $0xFFFFF086;
	s6 =	sadd.s32 @!p0 s3, s7;
	s7 =	simm.s32 @!p0 $0x108  }
0x21: {  	s3 =	sadd.s32 s3, s9;
	s6 =	sadd.s32 @!p0 $0x88, s6;
	s7 =	simm.s32 @p2 $0x1082  }
0x22: {  	[simem:s7], [sflag:s8] =	dma.local @!p0 [hbm:s6], $0xF7A  }
0x23: {  	s9 =	sor.u32 $0xD0000000, s2;
	s6 =	simm.s32 $0x108;
	_ =	swait.ge @!p0 [sflag:s8], $0x0  }
0x24: {  	s3 =	sadd.s32 $0x88, s3;
	s6 =	simm.s32 @!p1 $0x1082;
	[sflag:s4] =	ssyncset.s32 $0xFFFFF086  }
0x25: {  	[simem:s6], [sflag:s4] =	dma.local [hbm:s3], $0xF7A  }
0x26: {  	[smem:$0x3F98] =	sst s1;
	(tag) =	ssettag s2;
	_ =	strace s9  }
0x27: {  	s1 =	sld [smem:$0x3FA8]  }
0x28: {  	s2 =	sld [smem:$0x3FA9]  }
0x29: {  	s4 =	sld [smem:$0x3FAB]  }
0x2a: {  	p0 =	seq.s32 s5, $0x0;
	s5 =	sld [smem:$0x3FAC]  }
0x2b: {  	s6 =	sld [smem:$0x3FAD]  }
0x2c: {  	s7 =	sld [smem:$0x3FAE]  }
0x2d: {  	s3 =	simm.s32 $0x108;
	s8 =	sld [smem:$0x3FAF]  }
0x2e: {  	s3 =	simm.s32 @!p0 $0x1082;
	s9 =	sld [smem:$0x3FB0]  }
0x2f: {  	lr =	sadd.s32 s0, s3;
	s0 =	sld [smem:$0x3FA7]  }
0x30: {  	s3 =	sld [smem:$0x3FAA]  }
0x31: {  	[smem:$0x3FB3] =	sst s10  }
0x32: {  	s10 =	sld [smem:$0x3FB1];
	_ =	sdelay $0x3  }
0x33: {  	p0 =	seq.s32 s10, $0x1;
	s10 =	sld [smem:$0x3FB3];
	_ =	sdelay $0x3  }
0x34: {  	[smem:$0x3FB3] =	sst s10  }
0x35: {  	s10 =	sld [smem:$0x3FB2];
	_ =	sdelay $0x3  }
0x36: {  	p1 =	seq.s32 s10, $0x1;
	s10 =	sld [smem:$0x3FB3];
	_ =	sdelay $0x3  }
0x37: {  	[smem:$0x3FB3] =	sst s10  }
0x38: {  	s10 =	sld [smem:$0x3FB4]  }
0x39: {  	_ = 	snop;
	(pc) =	sbr.ind lr, $3  }
0x3a: {  	_ = 	snop  }
0x3b: {  	_ = 	snop  }
0x3c: {  	p2 =	seq.s32 s10, $0x1;
	s10 =	sld [smem:$0x3FB3]  }
0x3d: {  	_ =	shalt  }
0x3e: {  	_ =	shalt  }
0x3f: {  	_ =	shalt  }
0x40: {  	_ =	shalt  }
0x41: {  	_ =	shalt  }
0x42: {  	_ =	shalt  }
0x43: {  	_ =	shalt  }
0x44: {  	_ =	shalt  }
0x45: {  	_ =	shalt  }
0x46: {  	_ =	shalt  }
0x47: {  	_ =	shalt  }
0x48: {  	_ =	shalt  }
0x49: {  	_ =	shalt  }
0x4a: {  	_ =	shalt  }
0x4b: {  	_ =	shalt  }
0x4c: {  	_ =	shalt  }
0x4d: {  	_ =	shalt  }
0x4e: {  	_ =	shalt  }
0x4f: {  	_ =	shalt  }
0x50: {  	_ =	shalt  }
0x51: {  	_ =	shalt  }
0x52: {  	_ =	shalt  }
0x53: {  	_ =	shalt  }
0x54: {  	_ =	shalt  }
0x55: {  	_ =	shalt  }
0x56: {  	_ =	shalt  }
0x57: {  	_ =	shalt  }
0x58: {  	_ =	shalt  }
0x59: {  	_ =	shalt  }
0x5a: {  	_ =	shalt  }
0x5b: {  	_ =	shalt  }
0x5c: {  	_ =	shalt  }
0x5d: {  	_ =	shalt  }
0x5e: {  	_ =	shalt  }
0x5f: {  	_ =	shalt  }
0x60: {  	_ =	shalt  }
0x61: {  	_ =	shalt  }
0x62: {  	_ =	shalt  }
0x63: {  	_ =	shalt  }
0x64: {  	_ =	shalt  }
0x65: {  	_ =	shalt  }
0x66: {  	_ =	shalt  }
0x67: {  	_ =	shalt  }
0x68: {  	_ =	shalt  }
0x69: {  	_ =	shalt  }
0x6a: {  	_ =	shalt  }
0x6b: {  	_ =	shalt  }
0x6c: {  	_ =	shalt  }
0x6d: {  	_ =	shalt  }
0x6e: {  	_ =	shalt  }
0x6f: {  	_ =	shalt  }
0x70: {  	_ =	shalt  }
0x71: {  	_ =	shalt  }
0x72: {  	_ =	shalt  }
0x73: {  	_ =	shalt  }
0x74: {  	_ =	shalt  }
0x75: {  	_ =	shalt  }
0x76: {  	_ =	shalt  }
0x77: {  	_ =	shalt  }
0x78: {  	_ =	shalt  }
0x79: {  	_ =	shalt  }
0x7a: {  	_ =	shalt  }
0x7b: {  	_ =	shalt  }
0x7c: {  	_ =	shalt  }
0x7d: {  	_ =	shalt  }
0x7e: {  	_ =	shalt  }
0x7f: {  	_ =	shalt  }
0x80: {  	_ =	shalt  }
0x81: {  	_ =	shalt  }
0x82: {  	_ =	shalt  }
0x83: {  	_ =	shalt  }
0x84: {  	_ =	shalt  }
0x85: {  	_ =	shalt  }
0x86: {  	_ =	shalt  }
0x87: {  	_ =	shalt  }
.Lfunc_end0:
.L_simem_size_0:
called_computation.1_lowered:
.L_overlay_start_0:
0x88: {  	s2 =	sld [smem:$0x3FD9]  }
0x89: {  	s3 =	sld [smem:$0x3FFE];
	_ =	sdelay $0x1  }
0x8a: {  	s1 =	srdreg.scid  }
0x8b: {  	s0 =	sand.u32 $0x1, s1  }
0x8c: {  	s17 =	sshll.u32 s0, $0xA;
	s2 =	sadd.s32 s3, s2  }
0x8d: {  	s2 =	sadd.s32 s2, s17  }
0x8e: {  	[smem:$0x3FBF] =	sst s2  }
0x8f: {  	_ = 	snop  }
0x90: {  	s2 =	sld [smem:$0x3FD0];
	(tm) =	ssettm $0x1  }
0x91: {  	s18 =	sld [smem:$0x3FFB];
	_ =	sdelay $0x3  }
0x92: {  	_ =	strace s18  }
0x93: {  	s3 =	sld [smem:$0x3FFC];
	_ =	sdelay $0x3  }
0x94: {  	_ =	strace s3  }
0x95: {  	s3 =	sld [smem:$0x3FFD];
	_ =	sdelay $0x3  }
0x96: {  	_ =	strace s3  }
0x97: {  	_ =	strace $0x8FFFFFFF  }
0x98: {  	s19 =	sld [smem:$0x3FDB];
	_ =	sdelay $0x1  }
0x99: {  	s4 =	simm.s32 $_scs_section_size  }
0x9a: {  	s5 =	simm.s32 $_size__tile_overlayer_lowered;
	s6 =	simm.s32 $_tile_overlayer_lowered  }
0x9b: {  	s22 =	simm.s32 $0x1BFF;
	s21 =	sshll.u32 s6, $0x1;
	s3 =	sadd.s32 s4, s19  }
0x9c: {  	s7 =	simm.s32 $0x0;
	s20 =	sshll.u32 s5, $0x1;
	s5 =	sadd.s32 s21, s3  }
0x9d: {  	[timem:s7], [sflag:s22] =	dma.local [hbm:s5], s20  }
0x9e: {  	_ =	swait.ge [sflag:s22], s20  }
0x9f: {  	s4 =	ssub.s32 $0x0, s20;
	[sflag:s22] =	ssyncset.done $0x0  }
0xa0: {  	[sflag:s22] =	ssyncadd.s32 s4;
	_ =	sdelay $0x1  }
0xa1: {  	s23 =	simm.s32 $0x1B8B  }
0xa2: {  	_ =	swait.ge [sflag:s23], $0x1  }
0xa3: {  	[sflag:s23] =	ssyncset.done $0x0  }
0xa4: {  	s25 =	simm.s32 $0x1B8E;
	s24 =	sld [smem:$0x3FFE];
	[sflag:s23] =	ssyncadd.s32 $0xFFFFFFFF  }
0xa5: {  	s26 =	simm.s32 $execute0_lowered;
	[smem:$0x3FD2] =	sst s25  }
0xa6: {  	s5 =	sshll.u32 s26, $0x1;
	_ =	strace $0x80000049;
	[dreg:$0x1] =	wrdreg $0xFFFFFFFF  }
0xa7: {  	s28 =	simm.s32 $_size_execute0_lowered;
	s3 =	sadd.s32 s3, s5;
	[dreg:$0x0] =	wrdreg $0x0  }
0xa8: {  	s5 =	sshll.u32 s28, $0x1;
	[dreg:$0x2] =	wrdreg s3  }
0xa9: {  	[dreg:$0x3] =	wrdreg s5  }
0xaa: {  	[dreg:$0x4] =	wrdreg $0xC0  }
0xab: {  	_ =	task [dreg:s7], $0x5FFFF  }
0xac: {  	[dreg:$0x1] =	wrdreg $0xFFFFFFFF  }
0xad: {  	[dreg:$0x0] =	wrdreg $0x60  }
0xae: {  	[dreg:$0x2] =	wrdreg s24  }
0xaf: {  	[dreg:$0x3] =	wrdreg s2  }
0xb0: {  	[dreg:$0x4] =	wrdreg $0x150000  }
0xb1: {  	[dreg:$0x5] =	wrdreg $0x19F000  }
0xb2: {  	[dreg:$0x6] =	wrdreg $0x9  }
0xb3: {  	_ =	task.clear_ibuf [dreg:s7], $0x7FFFF;
	_ =	strace $0x90000049  }
0xb4: {  	s29 =	simm.s32 $0x9;
	_ =	strace $0x8000004B  }
0xb5: {  	_ =	swait.ge [sflag:s29], $0x1  }
0xb6: {  	[sflag:s29] =	ssyncadd.s32 $0xFFFFFFFF  }
0xb7: {  	_ =	strace $0x9000004B  }
0xb8: {  	_ =	sfence  }
0xb9: {  	s30 =	sld [smem:$0x0];
	_ =	sdelay $0x2  }
0xba: {  	s31 =	sshll.u32 s1, $0xD;
	s1 =	sshrl.u32 s1, $0x2  }
0xbb: {  	s3 =	sand.u32 $0x4000, s31;
	s1 =	sadd.s32 s1, s30  }
0xbc: {  	s0 =	sor.u32 s3, s0;
	s1 =	sshll.u32 s1, $0x11  }
0xbd: {  	s0 =	sor.u32 s1, s0  }
0xbe: {  	s0 =	sadd.s32 $0x8F2B, s0  }
0xbf: {  	[sflag:s0] =	ssyncadd.remote.s32 $0x1  }
0xc0: {  	_ =	sfence.sel $0xFFFF  }
0xc1: {  	[dreg:$0x0] =	wrdreg $0xFFFFFFFF;
	(pc) =	sbr.abs _section_cstart, $3  }
0xc2: {  	[dreg:$0x1] =	wrdreg $0xFFFFFFFF  }
0xc3: {  	_ =	task.clear_ibuf [dreg:s7], $0x2FFFF;
	_ =	strace $0x9FFFFFFF  }
0xc4: {  	(tm) =	ssettm $0x7FFFFFFF  }
0xc5: {  	_ =	shalt  }
tec
execute0_lowered:
.L_overlay_start_1:
0x0: {  	(tag) =	ssettag $0x1  }
0x1: {  	s5 =	rddreg [dreg:$0x0]  }
0x2: {  	s0 =	rddreg [dreg:$0x1];
	s1 =	srdreg.scid  }
0x3: {  	s2 =	rddreg [dreg:$0x2];
	s17 =	stileid.u32;
	s1 =	sand.u32 $0x1, s1  }
0x4: {  	s3 =	rddreg [dreg:$0x3];
	s8 =	smul.u32 $0x4F00, s17;
	s4 =	sshll.u32 s1, $0x4  }
0x5: {  	[dreg:$0x5] =	wrdreg s0;
	s9 =	smul.u32 $0x4F000, s1;
	s6 =	sor.u32 s17, s4  }
0x6: {  	s4 =	simm.s32 $0x0;
	s7 =	sshrl.u32 s8, $0x3;
	s6 =	smul.u32 $0x500, s6  }
0x7: {  	[smem:$0x7FF] =	sst s4;
	s7 =	sadd.s32 s7, s5;
	s9 =	sadd.s32 s8, s9  }
0x8: {  	_ =	strace $0x8000004A;
	s18 =	sadd.s32 $0x8D400, s7;
	s6 =	sadd.s32 s6, s5  }
0x9: {  	s9 =	sshrl.u32 s9, $0x3;
	[dreg:$0x8] =	wrdreg s18;
	s10 =	sadd.s32 $0xCC00, s6  }
0xa: {  	s5 =	sadd.s32 s9, s5;
	s6 =	sadd.s32 $0x2400, s6;
	[dreg:$0x6] =	wrdreg s10  }
0xb: {  	s5 =	sadd.s32 $0x97200, s5;
	[dreg:$0x7] =	wrdreg s6  }
0xc: {  	s19 =	sadd.s32 s8, s2;
	[dreg:$0x9] =	wrdreg s5  }
0xd: {  	s6 =	sshrl.u32 s19, $0x3;
	s20 =	rddreg [dreg:$0x6]  }
0xe: {  	s5 =	simm.s32 $0x3;
	[dreg:$0xa] =	wrdreg s6  }
0xf: {  	[tilespmem:s4], [sflag:$0x3] =	stream.linear.gather [hbm4b:s20+s4], $0x2800, $0x38;
	[tilespmem:$0x1EE00] =	vst v63  }
0x10: {  	_ =	swait.ge [sflag:s5], $0x2800  }
0x11: {  	[sflag:s5] =	ssyncset.done $0x0  }
0x12: {  	s6 =	simm.s32 $0x2800;
	s21 =	rddreg [dreg:$0x7];
	[sflag:s5] =	ssyncadd.s32 $0xFFFFD800  }
0x13: {  	[tilespmem:s6], [sflag:$0x3] =	stream.linear.gather [hbm4b:s21+s4], $0x2800, $0x38;
	[tilespmem:$0x1EE00] =	vst v63  }
0x14: {  	_ =	swait.ge [sflag:s5], $0x2800  }
0x15: {  	s24 =	sshll.u32 s17, $0x6;
	s22 =	rddreg [dreg:$0x8];
	[sflag:s5] =	ssyncset.done $0x0  }
0x16: {  	s7 =	sor.u32 $0x1C03, s24;
	s23 =	rddreg [dreg:$0xa];
	[sflag:s5] =	ssyncadd.s32 $0xFFFFD800  }
0x17: {  	[spmem:s23], [sflag:s7] =	dma.local [hbm:s22], $0x9E0  }
0x18: {  	_ =	swait.ge [sflag:s5], $0x9E0  }
0x19: {  	s8 =	sadd.s32 s8, s3;
	[sflag:s5] =	ssyncset.done $0x0  }
0x1a: {  	s8 =	sshrl.u32 s8, $0x3;
	s25 =	rddreg [dreg:$0x5];
	[sflag:s5] =	ssyncadd.s32 $0xFFFFF620  }
0x1b: {  	[spmem:s8], [sflag:s7] =	dma.local [hbm:s25], $0x9E0  }
0x1c: {  	_ =	swait.ge [sflag:s5], $0x9E0  }
0x1d: {  	[sflag:s5] =	ssyncset.done $0x0  }
0x1e: {  	[sflag:s5] =	ssyncadd.s32 $0xFFFFF620  }
0x1f: {  	s9 =	simm.s32 $0x400;
	s10 =	simm.s32 $0x5000;
	[bflag:$0x0] =	sbarrier.arrive $0xFFFF  }
0x20: {  	[tilespmem:s10], [sflag:$0x1] =	stream.indirect.gather [spmem:s2], $0x20, s4, s9, $0xb8;
	[tilespmem:$0x1EE00] =	vst v63  }
0x21: {  	s11 =	simm.s32 $0xD000;
	s12 =	simm.s32 $0x1  }
0x22: {  	[tilespmem:s11], [sflag:$0x2] =	stream.indirect.gather [spmem:s2], $0x20, s9, s9, $0xb8;
	[tilespmem:$0x1EE00] =	vst v63  }
0x23: {  	_ =	swait.ge [sflag:s12], $0x8000  }
0x24: {  	[sflag:s12] =	ssyncset.done $0x0  }
0x25: {  	[sflag:s12] =	ssyncadd.s32 $0xFFFF8000  }
0x26: {  	[spmem:s3] =	stream.indirect.scatter.add.f32 [tilespmem:s10], [sflag:$0x3], $0x20, s6, s9, $0xb8;
	[tilespmem:$0x1EE00] =	vst v63  }
0x27: {  	_ =	swait.ge [sflag:s5], $0x8000  }
0x28: {  	[sflag:s5] =	ssyncset.done $0x0  }
0x29: {  	s26 =	simm.s32 $0x800;
	s14 =	simm.s32 $0x2;
	[sflag:s5] =	ssyncadd.s32 $0xFFFF8000  }
0x2a: {  	[tilespmem:s10], [sflag:$0x1] =	stream.indirect.gather [spmem:s2], $0x20, s26, s9, $0xb8;
	[tilespmem:$0x1EE00] =	vst v63  }
0x2b: {  	_ =	swait.ge [sflag:s14], $0x8000  }
0x2c: {  	[sflag:s14] =	ssyncset.done $0x0  }
0x2d: {  	s15 =	simm.s32 $0x2C00;
	[sflag:s14] =	ssyncadd.s32 $0xFFFF8000  }
0x2e: {  	[spmem:s3] =	stream.indirect.scatter.add.f32 [tilespmem:s11], [sflag:$0x3], $0x20, s15, s9, $0xb8;
	[tilespmem:$0x1EE00] =	vst v63  }
0x2f: {  	_ =	swait.ge [sflag:s5], $0x8000  }
0x30: {  	[sflag:s5] =	ssyncset.done $0x0  }
0x31: {  	s16 =	simm.s32 $0xC00;
	[sflag:s5] =	ssyncadd.s32 $0xFFFF8000  }
0x32: {  	[tilespmem:s11], [sflag:$0x2] =	stream.indirect.gather [spmem:s2], $0x20, s16, s9, $0xb8;
	[tilespmem:$0x1EE00] =	vst v63  }
0x33: {  	_ =	swait.ge [sflag:s12], $0x8000  }
0x34: {  	[sflag:s12] =	ssyncset.done $0x0  }
0x35: {  	s17 =	simm.s32 $0x3000;
	[sflag:s12] =	ssyncadd.s32 $0xFFFF8000  }
0x36: {  	[spmem:s3] =	stream.indirect.scatter.add.f32 [tilespmem:s10], [sflag:$0x3], $0x20, s17, s9, $0xb8;
	[tilespmem:$0x1EE00] =	vst v63  }
0x37: {  	_ =	swait.ge [sflag:s5], $0x8000  }
0x38: {  	[sflag:s5] =	ssyncset.done $0x0  }
0x39: {  	s18 =	simm.s32 $0x1000;
	[sflag:s5] =	ssyncadd.s32 $0xFFFF8000  }
0x3a: {  	[tilespmem:s10], [sflag:$0x1] =	stream.indirect.gather [spmem:s2], $0x20, s18, s9, $0xb8;
	[tilespmem:$0x1EE00] =	vst v63  }
0x3b: {  	_ =	swait.ge [sflag:s14], $0x8000  }
0x3c: {  	[sflag:s14] =	ssyncset.done $0x0  }
0x3d: {  	s19 =	simm.s32 $0x3400;
	[sflag:s14] =	ssyncadd.s32 $0xFFFF8000  }
0x3e: {  	[spmem:s3] =	stream.indirect.scatter.add.f32 [tilespmem:s11], [sflag:$0x3], $0x20, s19, s9, $0xb8;
	[tilespmem:$0x1EE00] =	vst v63  }
0x3f: {  	_ =	swait.ge [sflag:s5], $0x8000  }
0x40: {  	[sflag:s5] =	ssyncset.done $0x0  }
0x41: {  	s20 =	simm.s32 $0x1400;
	[sflag:s5] =	ssyncadd.s32 $0xFFFF8000  }
0x42: {  	[tilespmem:s11], [sflag:$0x2] =	stream.indirect.gather [spmem:s2], $0x20, s20, s9, $0xb8;
	[tilespmem:$0x1EE00] =	vst v63  }
0x43: {  	_ =	swait.ge [sflag:s12], $0x8000  }
0x44: {  	[sflag:s12] =	ssyncset.done $0x0  }
0x45: {  	s21 =	simm.s32 $0x3800;
	[sflag:s12] =	ssyncadd.s32 $0xFFFF8000  }
0x46: {  	[spmem:s3] =	stream.indirect.scatter.add.f32 [tilespmem:s10], [sflag:$0x3], $0x20, s21, s9, $0xb8;
	[tilespmem:$0x1EE00] =	vst v63  }
0x47: {  	_ =	swait.ge [sflag:s5], $0x8000  }
0x48: {  	[sflag:s5] =	ssyncset.done $0x0  }
0x49: {  	s22 =	simm.s32 $0x1800;
	[sflag:s5] =	ssyncadd.s32 $0xFFFF8000  }
0x4a: {  	[tilespmem:s10], [sflag:$0x1] =	stream.indirect.gather [spmem:s2], $0x20, s22, s9, $0xb8;
	[tilespmem:$0x1EE00] =	vst v63  }
0x4b: {  	_ =	swait.ge [sflag:s14], $0x8000  }
0x4c: {  	[sflag:s14] =	ssyncset.done $0x0  }
0x4d: {  	s23 =	simm.s32 $0x3C00;
	[sflag:s14] =	ssyncadd.s32 $0xFFFF8000  }
0x4e: {  	[spmem:s3] =	stream.indirect.scatter.add.f32 [tilespmem:s11], [sflag:$0x3], $0x20, s23, s9, $0xb8;
	[tilespmem:$0x1EE00] =	vst v63  }
0x4f: {  	_ =	swait.ge [sflag:s5], $0x8000  }
0x50: {  	[sflag:s5] =	ssyncset.done $0x0  }
0x51: {  	s24 =	simm.s32 $0x1C00;
	[sflag:s5] =	ssyncadd.s32 $0xFFFF8000  }
0x52: {  	[tilespmem:s11], [sflag:$0x2] =	stream.indirect.gather [spmem:s2], $0x20, s24, s9, $0xb8;
	[tilespmem:$0x1EE00] =	vst v63  }
0x53: {  	_ =	swait.ge [sflag:s12], $0x8000  }
0x54: {  	[sflag:s12] =	ssyncset.done $0x0  }
0x55: {  	s25 =	simm.s32 $0x4000;
	[sflag:s12] =	ssyncadd.s32 $0xFFFF8000  }
0x56: {  	[spmem:s3] =	stream.indirect.scatter.add.f32 [tilespmem:s10], [sflag:$0x3], $0x20, s25, s9, $0xb8;
	[tilespmem:$0x1EE00] =	vst v63  }
0x57: {  	_ =	swait.ge [sflag:s5], $0x8000  }
0x58: {  	[sflag:s5] =	ssyncset.done $0x0  }
0x59: {  	s26 =	simm.s32 $0x2000;
	[sflag:s5] =	ssyncadd.s32 $0xFFFF8000  }
0x5a: {  	[tilespmem:s10], [sflag:$0x1] =	stream.indirect.gather [spmem:s2], $0x20, s26, s9, $0xb8;
	[tilespmem:$0x1EE00] =	vst v63  }
0x5b: {  	_ =	swait.ge [sflag:s14], $0x8000  }
0x5c: {  	[sflag:s14] =	ssyncset.done $0x0  }
0x5d: {  	s28 =	simm.s32 $0x4400;
	[sflag:s14] =	ssyncadd.s32 $0xFFFF8000  }
0x5e: {  	[spmem:s3] =	stream.indirect.scatter.add.f32 [tilespmem:s11], [sflag:$0x3], $0x20, s28, s9, $0xb8;
	[tilespmem:$0x1EE00] =	vst v63  }
0x5f: {  	_ =	swait.ge [sflag:s5], $0x8000  }
0x60: {  	[sflag:s5] =	ssyncset.done $0x0  }
0x61: {  	s29 =	simm.s32 $0x2400;
	[sflag:s5] =	ssyncadd.s32 $0xFFFF8000  }
0x62: {  	[tilespmem:s11], [sflag:$0x2] =	stream.indirect.gather [spmem:s2], $0x20, s29, s9, $0xb8;
	[tilespmem:$0x1EE00] =	vst v63  }
0x63: {  	_ =	swait.ge [sflag:s12], $0x8000  }
0x64: {  	[sflag:s12] =	ssyncset.done $0x0  }
0x65: {  	s30 =	simm.s32 $0x4800;
	[sflag:s12] =	ssyncadd.s32 $0xFFFF8000  }
0x66: {  	[spmem:s3] =	stream.indirect.scatter.add.f32 [tilespmem:s10], [sflag:$0x3], $0x20, s30, s9, $0xb8;
	[tilespmem:$0x1EE00] =	vst v63  }
0x67: {  	_ =	swait.ge [sflag:s5], $0x8000  }
0x68: {  	[sflag:s5] =	ssyncset.done $0x0  }
0x69: {  	[sflag:s5] =	ssyncadd.s32 $0xFFFF8000  }
0x6a: {  	s1 =	ssub.s32 $0x2, s1;
	_ =	swait.ge [sflag:s14], $0x8000  }
0x6b: {  	s0 =	sshrl.u32 s1, $0x1;
	[sflag:s14] =	ssyncset.done $0x0  }
0x6c: {  	s31 =	simm.s32 $0x4C00;
	s0 =	ssub.s32 s1, s0;
	[sflag:s14] =	ssyncadd.s32 $0xFFFF8000  }
0x6d: {  	[spmem:s3] =	stream.indirect.scatter.add.f32 [tilespmem:s11], [sflag:$0x3], $0x20, s31, s9, $0xb8;
	[tilespmem:$0x1EE00] =	vst v63  }
0x6e: {  	s0 =	smax.u32 s0, $0x1;
	_ =	swait.ge [sflag:s5], $0x8000  }
0x6f: {  	p0 =	sne.s32 s0, $0x1;
	[sflag:s5] =	ssyncset.done $0x0  }
.Ltmp0:
0x70: {  	[sflag:s5] =	ssyncadd.s32 $0xFFFF8000;
	(pc) =	sbr.rel @!p0 .LBB2_2-.Ltmp0, $4  }
0x71: {  	[bflag:$0x0] =	sbarrier.arrive $0xFFFF  }
0x72: {  	s13 =	rddreg [dreg:$0x9]  }
0x73: {  	[hbm:s13], [sflag:s7] =	dma.local [spmem:s8], $0x9E0  }
0x74: {  	s1 =	sadd.s32 $0xFFFFFFFF, s0;
	_ =	swait.ge [sflag:s5], $0x9E0  }
.LBB2_1:
0x75: {  	[sflag:s5] =	ssyncset.done $0x0  }
0x76: {  	s0 =	rddreg [dreg:$0x6];
	[sflag:s5] =	ssyncadd.s32 $0xFFFFF620  }
0x77: {  	[tilespmem:s4], [sflag:$0x3] =	stream.linear.gather [hbm4b:s0+s4], $0x2800, $0x38;
	[tilespmem:$0x1EE00] =	vst v63  }
0x78: {  	_ =	swait.ge [sflag:s5], $0x2800  }
0x79: {  	[sflag:s5] =	ssyncset.done $0x0  }
0x7a: {  	s13 =	rddreg [dreg:$0x7];
	[sflag:s5] =	ssyncadd.s32 $0xFFFFD800  }
0x7b: {  	[tilespmem:s6], [sflag:$0x3] =	stream.linear.gather [hbm4b:s13+s4], $0x2800, $0x38;
	[tilespmem:$0x1EE00] =	vst v63  }
0x7c: {  	_ =	swait.ge [sflag:s5], $0x2800  }
0x7d: {  	[sflag:s5] =	ssyncset.done $0x0;
	s0 =	rddreg [dreg:$0x8]  }
0x7e: {  	s13 =	rddreg [dreg:$0xa];
	[sflag:s5] =	ssyncadd.s32 $0xFFFFD800  }
0x7f: {  	[spmem:s13], [sflag:s7] =	dma.local [hbm:s0], $0x9E0  }
0x80: {  	_ =	swait.ge [sflag:s5], $0x9E0  }
0x81: {  	[sflag:s5] =	ssyncset.done $0x0  }
0x82: {  	s13 =	rddreg [dreg:$0x5];
	[sflag:s5] =	ssyncadd.s32 $0xFFFFF620  }
0x83: {  	[spmem:s8], [sflag:s7] =	dma.local [hbm:s13], $0x9E0  }
0x84: {  	_ =	swait.ge [sflag:s5], $0x9E0  }
0x85: {  	[sflag:s5] =	ssyncset.done $0x0  }
0x86: {  	[sflag:s5] =	ssyncadd.s32 $0xFFFFF620  }
0x87: {  	[bflag:$0x0] =	sbarrier.arrive $0xFFFF  }
0x88: {  	[tilespmem:s10], [sflag:$0x1] =	stream.indirect.gather [spmem:s2], $0x20, s4, s9, $0xb8;
	[tilespmem:$0x1EE00] =	vst v63  }
0x89: {  	_ = 	snop  }
0x8a: {  	[tilespmem:s11], [sflag:$0x2] =	stream.indirect.gather [spmem:s2], $0x20, s9, s9, $0xb8;
	[tilespmem:$0x1EE00] =	vst v63  }
0x8b: {  	_ =	swait.ge [sflag:s12], $0x8000  }
0x8c: {  	[sflag:s12] =	ssyncset.done $0x0  }
0x8d: {  	[sflag:s12] =	ssyncadd.s32 $0xFFFF8000  }
0x8e: {  	[spmem:s3] =	stream.indirect.scatter.add.f32 [tilespmem:s10], [sflag:$0x3], $0x20, s6, s9, $0xb8;
	[tilespmem:$0x1EE00] =	vst v63  }
0x8f: {  	_ =	swait.ge [sflag:s5], $0x8000  }
0x90: {  	[sflag:s5] =	ssyncset.done $0x0  }
0x91: {  	s13 =	simm.s32 $0x800;
	[sflag:s5] =	ssyncadd.s32 $0xFFFF8000  }
0x92: {  	[tilespmem:s10], [sflag:$0x1] =	stream.indirect.gather [spmem:s2], $0x20, s13, s9, $0xb8;
	[tilespmem:$0x1EE00] =	vst v63  }
0x93: {  	_ =	swait.ge [sflag:s14], $0x8000  }
0x94: {  	[sflag:s14] =	ssyncset.done $0x0  }
0x95: {  	[sflag:s14] =	ssyncadd.s32 $0xFFFF8000  }
0x96: {  	[spmem:s3] =	stream.indirect.scatter.add.f32 [tilespmem:s11], [sflag:$0x3], $0x20, s15, s9, $0xb8;
	[tilespmem:$0x1EE00] =	vst v63  }
0x97: {  	_ =	swait.ge [sflag:s5], $0x8000  }
0x98: {  	[sflag:s5] =	ssyncset.done $0x0  }
0x99: {  	[sflag:s5] =	ssyncadd.s32 $0xFFFF8000  }
0x9a: {  	[tilespmem:s11], [sflag:$0x2] =	stream.indirect.gather [spmem:s2], $0x20, s16, s9, $0xb8;
	[tilespmem:$0x1EE00] =	vst v63  }
0x9b: {  	_ =	swait.ge [sflag:s12], $0x8000  }
0x9c: {  	[sflag:s12] =	ssyncset.done $0x0  }
0x9d: {  	[sflag:s12] =	ssyncadd.s32 $0xFFFF8000  }
0x9e: {  	[spmem:s3] =	stream.indirect.scatter.add.f32 [tilespmem:s10], [sflag:$0x3], $0x20, s17, s9, $0xb8;
	[tilespmem:$0x1EE00] =	vst v63  }
0x9f: {  	_ =	swait.ge [sflag:s5], $0x8000  }
0xa0: {  	[sflag:s5] =	ssyncset.done $0x0  }
0xa1: {  	[sflag:s5] =	ssyncadd.s32 $0xFFFF8000  }
0xa2: {  	[tilespmem:s10], [sflag:$0x1] =	stream.indirect.gather [spmem:s2], $0x20, s18, s9, $0xb8;
	[tilespmem:$0x1EE00] =	vst v63  }
0xa3: {  	_ =	swait.ge [sflag:s14], $0x8000  }
0xa4: {  	[sflag:s14] =	ssyncset.done $0x0  }
0xa5: {  	[sflag:s14] =	ssyncadd.s32 $0xFFFF8000  }
0xa6: {  	[spmem:s3] =	stream.indirect.scatter.add.f32 [tilespmem:s11], [sflag:$0x3], $0x20, s19, s9, $0xb8;
	[tilespmem:$0x1EE00] =	vst v63  }
0xa7: {  	_ =	swait.ge [sflag:s5], $0x8000  }
0xa8: {  	[sflag:s5] =	ssyncset.done $0x0  }
0xa9: {  	[sflag:s5] =	ssyncadd.s32 $0xFFFF8000  }
0xaa: {  	[tilespmem:s11], [sflag:$0x2] =	stream.indirect.gather [spmem:s2], $0x20, s20, s9, $0xb8;
	[tilespmem:$0x1EE00] =	vst v63  }
0xab: {  	_ =	swait.ge [sflag:s12], $0x8000  }
0xac: {  	[sflag:s12] =	ssyncset.done $0x0  }
0xad: {  	[sflag:s12] =	ssyncadd.s32 $0xFFFF8000  }
0xae: {  	[spmem:s3] =	stream.indirect.scatter.add.f32 [tilespmem:s10], [sflag:$0x3], $0x20, s21, s9, $0xb8;
	[tilespmem:$0x1EE00] =	vst v63  }
0xaf: {  	_ =	swait.ge [sflag:s5], $0x8000  }
0xb0: {  	[sflag:s5] =	ssyncset.done $0x0  }
0xb1: {  	[sflag:s5] =	ssyncadd.s32 $0xFFFF8000  }
0xb2: {  	[tilespmem:s10], [sflag:$0x1] =	stream.indirect.gather [spmem:s2], $0x20, s22, s9, $0xb8;
	[tilespmem:$0x1EE00] =	vst v63  }
0xb3: {  	_ =	swait.ge [sflag:s14], $0x8000  }
0xb4: {  	[sflag:s14] =	ssyncset.done $0x0  }
0xb5: {  	[sflag:s14] =	ssyncadd.s32 $0xFFFF8000  }
0xb6: {  	[spmem:s3] =	stream.indirect.scatter.add.f32 [tilespmem:s11], [sflag:$0x3], $0x20, s23, s9, $0xb8;
	[tilespmem:$0x1EE00] =	vst v63  }
0xb7: {  	_ =	swait.ge [sflag:s5], $0x8000  }
0xb8: {  	[sflag:s5] =	ssyncset.done $0x0  }
0xb9: {  	[sflag:s5] =	ssyncadd.s32 $0xFFFF8000  }
0xba: {  	[tilespmem:s11], [sflag:$0x2] =	stream.indirect.gather [spmem:s2], $0x20, s24, s9, $0xb8;
	[tilespmem:$0x1EE00] =	vst v63  }
0xbb: {  	_ =	swait.ge [sflag:s12], $0x8000  }
0xbc: {  	[sflag:s12] =	ssyncset.done $0x0  }
0xbd: {  	[sflag:s12] =	ssyncadd.s32 $0xFFFF8000  }
0xbe: {  	[spmem:s3] =	stream.indirect.scatter.add.f32 [tilespmem:s10], [sflag:$0x3], $0x20, s25, s9, $0xb8;
	[tilespmem:$0x1EE00] =	vst v63  }
0xbf: {  	_ =	swait.ge [sflag:s5], $0x8000  }
0xc0: {  	[sflag:s5] =	ssyncset.done $0x0  }
0xc1: {  	[sflag:s5] =	ssyncadd.s32 $0xFFFF8000  }
0xc2: {  	[tilespmem:s10], [sflag:$0x1] =	stream.indirect.gather [spmem:s2], $0x20, s26, s9, $0xb8;
	[tilespmem:$0x1EE00] =	vst v63  }
0xc3: {  	_ =	swait.ge [sflag:s14], $0x8000  }
0xc4: {  	[sflag:s14] =	ssyncset.done $0x0  }
0xc5: {  	[sflag:s14] =	ssyncadd.s32 $0xFFFF8000  }
0xc6: {  	[spmem:s3] =	stream.indirect.scatter.add.f32 [tilespmem:s11], [sflag:$0x3], $0x20, s28, s9, $0xb8;
	[tilespmem:$0x1EE00] =	vst v63  }
0xc7: {  	_ =	swait.ge [sflag:s5], $0x8000  }
0xc8: {  	[sflag:s5] =	ssyncset.done $0x0  }
0xc9: {  	[sflag:s5] =	ssyncadd.s32 $0xFFFF8000  }
0xca: {  	[tilespmem:s11], [sflag:$0x2] =	stream.indirect.gather [spmem:s2], $0x20, s29, s9, $0xb8;
	[tilespmem:$0x1EE00] =	vst v63  }
0xcb: {  	_ =	swait.ge [sflag:s12], $0x8000  }
0xcc: {  	[sflag:s12] =	ssyncset.done $0x0  }
0xcd: {  	[sflag:s12] =	ssyncadd.s32 $0xFFFF8000  }
0xce: {  	[spmem:s3] =	stream.indirect.scatter.add.f32 [tilespmem:s10], [sflag:$0x3], $0x20, s30, s9, $0xb8;
	[tilespmem:$0x1EE00] =	vst v63  }
0xcf: {  	_ =	swait.ge [sflag:s5], $0x8000  }
0xd0: {  	[sflag:s5] =	ssyncset.done $0x0  }
0xd1: {  	[sflag:s5] =	ssyncadd.s32 $0xFFFF8000  }
0xd2: {  	_ =	swait.ge [sflag:s14], $0x8000  }
0xd3: {  	[sflag:s14] =	ssyncset.done $0x0  }
0xd4: {  	[sflag:s14] =	ssyncadd.s32 $0xFFFF8000  }
0xd5: {  	[spmem:s3] =	stream.indirect.scatter.add.f32 [tilespmem:s11], [sflag:$0x3], $0x20, s31, s9, $0xb8;
	[tilespmem:$0x1EE00] =	vst v63  }
0xd6: {  	_ =	swait.ge [sflag:s5], $0x8000  }
0xd7: {  	p0 =	sne.s32 s1, $0x1;
	[sflag:s5] =	ssyncset.done $0x0  }
.Ltmp1:
0xd8: {  	[sflag:s5] =	ssyncadd.s32 $0xFFFF8000;
	(pc) =	sbr.rel @p0 .LBB2_1-.Ltmp1, $4  }
0xd9: {  	[bflag:$0x0] =	sbarrier.arrive $0xFFFF  }
0xda: {  	s13 =	rddreg [dreg:$0x9]  }
0xdb: {  	[hbm:s13], [sflag:s7] =	dma.local [spmem:s8], $0x9E0  }
0xdc: {  	s1 =	sadd.s32 $0xFFFFFFFF, s1;
	_ =	swait.ge [sflag:s5], $0x9E0  }
.LBB2_2:
0xdd: {  	[sflag:s5] =	ssyncset.done $0x0  }
0xde: {  	[sflag:s5] =	ssyncadd.s32 $0xFFFFF620  }
0xdf: {  	_ =	sfence.sel $0x180000  }
0xe0: {  	[bflag:$0x0] =	sbarrier.arrive $0xFFFF  }
0xe1: {  	_ =	strace $0x9000004A  }
0xe2: {  	s0 =	stileid.u32;
	[bflag:$0x2] =	sbarrier.arrive $0xFFFF  }
0xe3: {  	p0 =	sne.s32 s0, $0x0;
	s0 =	rddreg [dreg:$0x4]  }
0xe4: {  	s0 =	sadd.s32 @!p0 $0x100000, s0  }
0xe5: {  	[sflag:s0] =	ssyncadd.tile.s32 @!p0 $0x1;
	_ =	shalt  }
.Lfunc_end2:
_tile_overlayer_lowered:
.L_overlay_start_2:
0xe6: {  	(tag) =	ssettag $0x2  }
0xe7: {  	s0 =	rddreg [dreg:$0x0];
	s2 =	stileid.u32  }
0xe8: {  	s1 =	rddreg [dreg:$0x1];
	p0 =	sne.s32 s2, $0x0  }
0xe9: {  	s3 =	rddreg [dreg:$0x2];
	[bflag:$0x3] =	sbarrier.arrive $0xFFFF;
	s2 =	simm.s32 @!p0 $0x1C03  }
0xea: {  	[timem:s3], [sflag:s2] =	dma.local @!p0 [hbm:s0], s1  }
0xeb: {  	s0 =	simm.s32 @!p0 $0x3  }
0xec: {  	_ =	swait.ge @!p0 [sflag:s0], s1  }
0xed: {  	s1 =	ssub.s32 @!p0 $0x0, s1;
	[sflag:s0] =	ssyncset.done @!p0 $0x0  }
0xee: {  	[sflag:s0] =	ssyncadd.s32 @!p0 s1  }
0xef: {  	[bflag:$0x3] =	sbarrier.arrive $0xFFFF  }
0xf0: {  	_ =	shalt  }

// kernel: kernel.16.cloned.1.call-start
scs
__scs_entry_jumppad:
0x0: {  	(pc) =	sbr.rel $0x88, $3  }
0x1: {  	(tag) =	ssettag $0x0;
	lr =	simm.s32 $0x1  }
0x2: {  	[smem:$0x3F98] =	sst lr;
	_ =	strace $0xD0000000  }
0x3: {  	_ = 	snop  }
0x4: {  	_ = 	snop  }
0x5: {  	_ = 	snop  }
0x6: {  	_ = 	snop  }
0x7: {  	_ = 	snop  }
__scs_overlays_trampoline_lowered:
0x8: {  	[smem:$0x3FA7] =	sst s0  }
0x9: {  	[smem:$0x3FA8] =	sst s1  }
0xa: {  	[smem:$0x3FA9] =	sst s2  }
0xb: {  	[smem:$0x3FAA] =	sst s3  }
0xc: {  	[smem:$0x3FAB] =	sst s4  }
0xd: {  	[smem:$0x3FAC] =	sst s5  }
0xe: {  	[smem:$0x3FAD] =	sst s6  }
0xf: {  	[smem:$0x3FAE] =	sst s7  }
0x10: {  	[smem:$0x3FAF] =	sst s8  }
0x11: {  	[smem:$0x3FB0] =	sst s9;
	s0 =	simm.s32 @!p0 $0x0  }
0x12: {  	s1 =	sld [smem:$0x3F96];
	s0 =	simm.s32 @p0 $0x1  }
0x13: {  	[smem:$0x3FB1] =	sst s0;
	s0 =	simm.s32 @!p1 $0x0  }
0x14: {  	s2 =	sld [smem:$0x3F95];
	s0 =	simm.s32 @p1 $0x1  }
0x15: {  	[smem:$0x3FB2] =	sst s0;
	s0 =	simm.s32 @!p2 $0x0  }
0x16: {  	s3 =	sld [smem:$0x3FDB];
	s0 =	simm.s32 @p2 $0x1  }
0x17: {  	s4 =	simm.s32 $0x1BF5;
	[smem:$0x3FB4] =	sst s0  }
0x18: {  	s0 =	sld [smem:$0x3F97];
	_ =	swait.ge [sflag:s4], $0x0  }
0x19: {  	s7 =	sld [smem:$0x3F98]  }
0x1a: {  	s8 =	sadd.s32 $0xFFFFE003, lr  }
0x1b: {  	s9 =	sadd.s32 $0xFFFFFEF7, lr;
	s5 =	simm.s32 $0xFFFFFFFF;
	p2 =	slt.u32 s8, $0xFFFFF086  }
0x1c: {  	p1 =	slt.u32 s9, $0xF7A;
	s5 =	simm.s32 @!p2 $0x0  }
0x1d: {  	s5 =	simm.s32 @p1 $0x1;
	p0 =	seq.s32 s7, s2  }
0x1e: {  	s7 =	smul.u32 @!p0 $0xF7A, s2;
	p2 =	seq.s32 @!p0 s5, $0x0  }
0x1f: {  	s9 =	smul.u32 $0xF7A, s1;
	s8 =	simm.s32 @!p0 $0x1BF5;
	p2 =	por !p2, p0  }
0x20: {  	[sflag:s8] =	ssyncset.s32 @!p0 $0xFFFFF086;
	s6 =	sadd.s32 @!p0 s3, s7;
	s7 =	simm.s32 @!p0 $0x108  }
0x21: {  	s3 =	sadd.s32 s3, s9;
	s6 =	sadd.s32 @!p0 $0x88, s6;
	s7 =	simm.s32 @p2 $0x1082  }
0x22: {  	[simem:s7], [sflag:s8] =	dma.local @!p0 [hbm:s6], $0xF7A  }
0x23: {  	s9 =	sor.u32 $0xD0000000, s2;
	s6 =	simm.s32 $0x108;
	_ =	swait.ge @!p0 [sflag:s8], $0x0  }
0x24: {  	s3 =	sadd.s32 $0x88, s3;
	s6 =	simm.s32 @!p1 $0x1082;
	[sflag:s4] =	ssyncset.s32 $0xFFFFF086  }
0x25: {  	[simem:s6], [sflag:s4] =	dma.local [hbm:s3], $0xF7A  }
0x26: {  	[smem:$0x3F98] =	sst s1;
	(tag) =	ssettag s2;
	_ =	strace s9  }
0x27: {  	s1 =	sld [smem:$0x3FA8]  }
0x28: {  	s2 =	sld [smem:$0x3FA9]  }
0x29: {  	s4 =	sld [smem:$0x3FAB]  }
0x2a: {  	p0 =	seq.s32 s5, $0x0;
	s5 =	sld [smem:$0x3FAC]  }
0x2b: {  	s6 =	sld [smem:$0x3FAD]  }
0x2c: {  	s7 =	sld [smem:$0x3FAE]  }
0x2d: {  	s3 =	simm.s32 $0x108;
	s8 =	sld [smem:$0x3FAF]  }
0x2e: {  	s3 =	simm.s32 @!p0 $0x1082;
	s9 =	sld [smem:$0x3FB0]  }
0x2f: {  	lr =	sadd.s32 s0, s3;
	s0 =	sld [smem:$0x3FA7]  }
0x30: {  	s3 =	sld [smem:$0x3FAA]  }
0x31: {  	[smem:$0x3FB3] =	sst s10  }
0x32: {  	s10 =	sld [smem:$0x3FB1];
	_ =	sdelay $0x3  }
0x33: {  	p0 =	seq.s32 s10, $0x1;
	s10 =	sld [smem:$0x3FB3];
	_ =	sdelay $0x3  }
0x34: {  	[smem:$0x3FB3] =	sst s10  }
0x35: {  	s10 =	sld [smem:$0x3FB2];
	_ =	sdelay $0x3  }
0x36: {  	p1 =	seq.s32 s10, $0x1;
	s10 =	sld [smem:$0x3FB3];
	_ =	sdelay $0x3  }
0x37: {  	[smem:$0x3FB3] =	sst s10  }
0x38: {  	s10 =	sld [smem:$0x3FB4]  }
0x39: {  	_ = 	snop;
	(pc) =	sbr.ind lr, $3  }
0x3a: {  	_ = 	snop  }
0x3b: {  	_ = 	snop  }
0x3c: {  	p2 =	seq.s32 s10, $0x1;
	s10 =	sld [smem:$0x3FB3]  }
0x3d: {  	_ =	shalt  }
0x3e: {  	_ =	shalt  }
0x3f: {  	_ =	shalt  }
0x40: {  	_ =	shalt  }
0x41: {  	_ =	shalt  }
0x42: {  	_ =	shalt  }
0x43: {  	_ =	shalt  }
0x44: {  	_ =	shalt  }
0x45: {  	_ =	shalt  }
0x46: {  	_ =	shalt  }
0x47: {  	_ =	shalt  }
0x48: {  	_ =	shalt  }
0x49: {  	_ =	shalt  }
0x4a: {  	_ =	shalt  }
0x4b: {  	_ =	shalt  }
0x4c: {  	_ =	shalt  }
0x4d: {  	_ =	shalt  }
0x4e: {  	_ =	shalt  }
0x4f: {  	_ =	shalt  }
0x50: {  	_ =	shalt  }
0x51: {  	_ =	shalt  }
0x52: {  	_ =	shalt  }
0x53: {  	_ =	shalt  }
0x54: {  	_ =	shalt  }
0x55: {  	_ =	shalt  }
0x56: {  	_ =	shalt  }
0x57: {  	_ =	shalt  }
0x58: {  	_ =	shalt  }
0x59: {  	_ =	shalt  }
0x5a: {  	_ =	shalt  }
0x5b: {  	_ =	shalt  }
0x5c: {  	_ =	shalt  }
0x5d: {  	_ =	shalt  }
0x5e: {  	_ =	shalt  }
0x5f: {  	_ =	shalt  }
0x60: {  	_ =	shalt  }
0x61: {  	_ =	shalt  }
0x62: {  	_ =	shalt  }
0x63: {  	_ =	shalt  }
0x64: {  	_ =	shalt  }
0x65: {  	_ =	shalt  }
0x66: {  	_ =	shalt  }
0x67: {  	_ =	shalt  }
0x68: {  	_ =	shalt  }
0x69: {  	_ =	shalt  }
0x6a: {  	_ =	shalt  }
0x6b: {  	_ =	shalt  }
0x6c: {  	_ =	shalt  }
0x6d: {  	_ =	shalt  }
0x6e: {  	_ =	shalt  }
0x6f: {  	_ =	shalt  }
0x70: {  	_ =	shalt  }
0x71: {  	_ =	shalt  }
0x72: {  	_ =	shalt  }
0x73: {  	_ =	shalt  }
0x74: {  	_ =	shalt  }
0x75: {  	_ =	shalt  }
0x76: {  	_ =	shalt  }
0x77: {  	_ =	shalt  }
0x78: {  	_ =	shalt  }
0x79: {  	_ =	shalt  }
0x7a: {  	_ =	shalt  }
0x7b: {  	_ =	shalt  }
0x7c: {  	_ =	shalt  }
0x7d: {  	_ =	shalt  }
0x7e: {  	_ =	shalt  }
0x7f: {  	_ =	shalt  }
0x80: {  	_ =	shalt  }
0x81: {  	_ =	shalt  }
0x82: {  	_ =	shalt  }
0x83: {  	_ =	shalt  }
0x84: {  	_ =	shalt  }
0x85: {  	_ =	shalt  }
0x86: {  	_ =	shalt  }
0x87: {  	_ =	shalt  }
.Lfunc_end0:
.L_simem_size_0:
called_computation.2_lowered:
.L_overlay_start_0:
0x88: {  	s2 =	sld [smem:$0x3FD9]  }
0x89: {  	s3 =	sld [smem:$0x3FFE];
	_ =	sdelay $0x1  }
0x8a: {  	s1 =	srdreg.scid  }
0x8b: {  	s0 =	sand.u32 $0x1, s1  }
0x8c: {  	s17 =	sshll.u32 s0, $0xA;
	s2 =	sadd.s32 s3, s2  }
0x8d: {  	s2 =	sadd.s32 s2, s17  }
0x8e: {  	[smem:$0x3FBF] =	sst s2  }
0x8f: {  	_ = 	snop  }
0x90: {  	s2 =	sld [smem:$0x3FD0];
	(tm) =	ssettm $0x1  }
0x91: {  	s18 =	sld [smem:$0x3FFB];
	_ =	sdelay $0x3  }
0x92: {  	_ =	strace s18  }
0x93: {  	s3 =	sld [smem:$0x3FFC];
	_ =	sdelay $0x3  }
0x94: {  	_ =	strace s3  }
0x95: {  	s3 =	sld [smem:$0x3FFD];
	_ =	sdelay $0x3  }
0x96: {  	_ =	strace s3  }
0x97: {  	_ =	strace $0x8FFFFFFF  }
0x98: {  	s19 =	sld [smem:$0x3FDB];
	_ =	sdelay $0x1  }
0x99: {  	s4 =	simm.s32 $_scs_section_size  }
0x9a: {  	s5 =	simm.s32 $_size__tile_overlayer_lowered;
	s6 =	simm.s32 $_tile_overlayer_lowered  }
0x9b: {  	s22 =	simm.s32 $0x1BFF;
	s21 =	sshll.u32 s6, $0x1;
	s3 =	sadd.s32 s4, s19  }
0x9c: {  	s7 =	simm.s32 $0x0;
	s20 =	sshll.u32 s5, $0x1;
	s5 =	sadd.s32 s21, s3  }
0x9d: {  	[timem:s7], [sflag:s22] =	dma.local [hbm:s5], s20  }
0x9e: {  	_ =	swait.ge [sflag:s22], s20  }
0x9f: {  	s4 =	ssub.s32 $0x0, s20;
	[sflag:s22] =	ssyncset.done $0x0  }
0xa0: {  	[sflag:s22] =	ssyncadd.s32 s4;
	_ =	sdelay $0x1  }
0xa1: {  	s23 =	simm.s32 $0x1B8B  }
0xa2: {  	_ =	swait.ge [sflag:s23], $0x1  }
0xa3: {  	[sflag:s23] =	ssyncset.done $0x0  }
0xa4: {  	s25 =	simm.s32 $0x1B8E;
	s24 =	sld [smem:$0x3FFE];
	[sflag:s23] =	ssyncadd.s32 $0xFFFFFFFF  }
0xa5: {  	s26 =	simm.s32 $execute0_lowered;
	[smem:$0x3FD2] =	sst s25  }
0xa6: {  	s5 =	sshll.u32 s26, $0x1;
	_ =	strace $0x8000004C;
	[dreg:$0x1] =	wrdreg $0xFFFFFFFF  }
0xa7: {  	s28 =	simm.s32 $_size_execute0_lowered;
	s3 =	sadd.s32 s3, s5;
	[dreg:$0x0] =	wrdreg $0x0  }
0xa8: {  	s5 =	sshll.u32 s28, $0x1;
	[dreg:$0x2] =	wrdreg s3  }
0xa9: {  	[dreg:$0x3] =	wrdreg s5  }
0xaa: {  	[dreg:$0x4] =	wrdreg $0xC0  }
0xab: {  	_ =	task [dreg:s7], $0x5FFFF  }
0xac: {  	[dreg:$0x1] =	wrdreg $0xFFFFFFFF  }
0xad: {  	[dreg:$0x0] =	wrdreg $0x60  }
0xae: {  	[dreg:$0x2] =	wrdreg s24  }
0xaf: {  	[dreg:$0x3] =	wrdreg s2  }
0xb0: {  	[dreg:$0x4] =	wrdreg $0x150000  }
0xb1: {  	[dreg:$0x5] =	wrdreg $0x19F000  }
0xb2: {  	[dreg:$0x6] =	wrdreg $0x9  }
0xb3: {  	_ =	task.clear_ibuf [dreg:s7], $0x7FFFF;
	_ =	strace $0x9000004C  }
0xb4: {  	s29 =	simm.s32 $0x9;
	_ =	strace $0x8000004E  }
0xb5: {  	_ =	swait.ge [sflag:s29], $0x1  }
0xb6: {  	[sflag:s29] =	ssyncadd.s32 $0xFFFFFFFF  }
0xb7: {  	_ =	strace $0x9000004E  }
0xb8: {  	_ =	sfence  }
0xb9: {  	s30 =	sld [smem:$0x0];
	_ =	sdelay $0x2  }
0xba: {  	s31 =	sshll.u32 s1, $0xD;
	s1 =	sshrl.u32 s1, $0x2  }
0xbb: {  	s3 =	sand.u32 $0x4000, s31;
	s1 =	sadd.s32 s1, s30  }
0xbc: {  	s0 =	sor.u32 s3, s0;
	s1 =	sshll.u32 s1, $0x11  }
0xbd: {  	s0 =	sor.u32 s1, s0  }
0xbe: {  	s0 =	sadd.s32 $0x8F2B, s0  }
0xbf: {  	[sflag:s0] =	ssyncadd.remote.s32 $0x1  }
0xc0: {  	_ =	sfence.sel $0xFFFF  }
0xc1: {  	[dreg:$0x0] =	wrdreg $0xFFFFFFFF;
	(pc) =	sbr.abs _section_cstart, $3  }
0xc2: {  	[dreg:$0x1] =	wrdreg $0xFFFFFFFF  }
0xc3: {  	_ =	task.clear_ibuf [dreg:s7], $0x2FFFF;
	_ =	strace $0x9FFFFFFF  }
0xc4: {  	(tm) =	ssettm $0x7FFFFFFF  }
0xc5: {  	_ =	shalt  }
tec
execute0_lowered:
.L_overlay_start_1:
0x0: {  	(tag) =	ssettag $0x1  }
0x1: {  	s5 =	rddreg [dreg:$0x0]  }
0x2: {  	s0 =	rddreg [dreg:$0x1];
	s1 =	srdreg.scid  }
0x3: {  	s2 =	rddreg [dreg:$0x2];
	s17 =	stileid.u32;
	s1 =	sand.u32 $0x1, s1  }
0x4: {  	s3 =	rddreg [dreg:$0x3];
	s8 =	smul.u32 $0x4F00, s17;
	s4 =	sshll.u32 s1, $0x4  }
0x5: {  	[dreg:$0x5] =	wrdreg s0;
	s9 =	smul.u32 $0x4F000, s1;
	s6 =	sor.u32 s17, s4  }
0x6: {  	s4 =	simm.s32 $0x0;
	s7 =	sshrl.u32 s8, $0x3;
	s6 =	smul.u32 $0x500, s6  }
0x7: {  	[smem:$0x7FF] =	sst s4;
	s7 =	sadd.s32 s7, s5;
	s9 =	sadd.s32 s8, s9  }
0x8: {  	_ =	strace $0x8000004D;
	s18 =	sadd.s32 $0x65C00, s7;
	s6 =	sadd.s32 s6, s5  }
0x9: {  	s9 =	sshrl.u32 s9, $0x3;
	[dreg:$0x8] =	wrdreg s18;
	s10 =	sadd.s32 $0xCC00, s6  }
0xa: {  	s5 =	sadd.s32 s9, s5;
	s6 =	sadd.s32 $0x2400, s6;
	[dreg:$0x6] =	wrdreg s10  }
0xb: {  	s5 =	sadd.s32 $0x6FA00, s5;
	[dreg:$0x7] =	wrdreg s6  }
0xc: {  	s19 =	sadd.s32 s8, s2;
	[dreg:$0x9] =	wrdreg s5  }
0xd: {  	s6 =	sshrl.u32 s19, $0x3;
	s20 =	rddreg [dreg:$0x6]  }
0xe: {  	s5 =	simm.s32 $0x3;
	[dreg:$0xa] =	wrdreg s6  }
0xf: {  	[tilespmem:s4], [sflag:$0x3] =	stream.linear.gather [hbm4b:s20+s4], $0x2800, $0x38;
	[tilespmem:$0x1EE00] =	vst v63  }
0x10: {  	_ =	swait.ge [sflag:s5], $0x2800  }
0x11: {  	[sflag:s5] =	ssyncset.done $0x0  }
0x12: {  	s6 =	simm.s32 $0x2800;
	s21 =	rddreg [dreg:$0x7];
	[sflag:s5] =	ssyncadd.s32 $0xFFFFD800  }
0x13: {  	[tilespmem:s6], [sflag:$0x3] =	stream.linear.gather [hbm4b:s21+s4], $0x2800, $0x38;
	[tilespmem:$0x1EE00] =	vst v63  }
0x14: {  	_ =	swait.ge [sflag:s5], $0x2800  }
0x15: {  	s24 =	sshll.u32 s17, $0x6;
	s22 =	rddreg [dreg:$0x8];
	[sflag:s5] =	ssyncset.done $0x0  }
0x16: {  	s7 =	sor.u32 $0x1C03, s24;
	s23 =	rddreg [dreg:$0xa];
	[sflag:s5] =	ssyncadd.s32 $0xFFFFD800  }
0x17: {  	[spmem:s23], [sflag:s7] =	dma.local [hbm:s22], $0x9E0  }
0x18: {  	_ =	swait.ge [sflag:s5], $0x9E0  }
0x19: {  	s8 =	sadd.s32 s8, s3;
	[sflag:s5] =	ssyncset.done $0x0  }
0x1a: {  	s8 =	sshrl.u32 s8, $0x3;
	s25 =	rddreg [dreg:$0x5];
	[sflag:s5] =	ssyncadd.s32 $0xFFFFF620  }
0x1b: {  	[spmem:s8], [sflag:s7] =	dma.local [hbm:s25], $0x9E0  }
0x1c: {  	_ =	swait.ge [sflag:s5], $0x9E0  }
0x1d: {  	[sflag:s5] =	ssyncset.done $0x0  }
0x1e: {  	[sflag:s5] =	ssyncadd.s32 $0xFFFFF620  }
0x1f: {  	s9 =	simm.s32 $0x400;
	s10 =	simm.s32 $0x5000;
	[bflag:$0x0] =	sbarrier.arrive $0xFFFF  }
0x20: {  	[tilespmem:s10], [sflag:$0x1] =	stream.indirect.gather [spmem:s2], $0x20, s4, s9, $0xb8;
	[tilespmem:$0x1EE00] =	vst v63  }
0x21: {  	s11 =	simm.s32 $0xD000;
	s12 =	simm.s32 $0x1  }
0x22: {  	[tilespmem:s11], [sflag:$0x2] =	stream.indirect.gather [spmem:s2], $0x20, s9, s9, $0xb8;
	[tilespmem:$0x1EE00] =	vst v63  }
0x23: {  	_ =	swait.ge [sflag:s12], $0x8000  }
0x24: {  	[sflag:s12] =	ssyncset.done $0x0  }
0x25: {  	[sflag:s12] =	ssyncadd.s32 $0xFFFF8000  }
0x26: {  	[spmem:s3] =	stream.indirect.scatter.add.f32 [tilespmem:s10], [sflag:$0x3], $0x20, s6, s9, $0xb8;
	[tilespmem:$0x1EE00] =	vst v63  }
0x27: {  	_ =	swait.ge [sflag:s5], $0x8000  }
0x28: {  	[sflag:s5] =	ssyncset.done $0x0  }
0x29: {  	s26 =	simm.s32 $0x800;
	s14 =	simm.s32 $0x2;
	[sflag:s5] =	ssyncadd.s32 $0xFFFF8000  }
0x2a: {  	[tilespmem:s10], [sflag:$0x1] =	stream.indirect.gather [spmem:s2], $0x20, s26, s9, $0xb8;
	[tilespmem:$0x1EE00] =	vst v63  }
0x2b: {  	_ =	swait.ge [sflag:s14], $0x8000  }
0x2c: {  	[sflag:s14] =	ssyncset.done $0x0  }
0x2d: {  	s15 =	simm.s32 $0x2C00;
	[sflag:s14] =	ssyncadd.s32 $0xFFFF8000  }
0x2e: {  	[spmem:s3] =	stream.indirect.scatter.add.f32 [tilespmem:s11], [sflag:$0x3], $0x20, s15, s9, $0xb8;
	[tilespmem:$0x1EE00] =	vst v63  }
0x2f: {  	_ =	swait.ge [sflag:s5], $0x8000  }
0x30: {  	[sflag:s5] =	ssyncset.done $0x0  }
0x31: {  	s16 =	simm.s32 $0xC00;
	[sflag:s5] =	ssyncadd.s32 $0xFFFF8000  }
0x32: {  	[tilespmem:s11], [sflag:$0x2] =	stream.indirect.gather [spmem:s2], $0x20, s16, s9, $0xb8;
	[tilespmem:$0x1EE00] =	vst v63  }
0x33: {  	_ =	swait.ge [sflag:s12], $0x8000  }
0x34: {  	[sflag:s12] =	ssyncset.done $0x0  }
0x35: {  	s17 =	simm.s32 $0x3000;
	[sflag:s12] =	ssyncadd.s32 $0xFFFF8000  }
0x36: {  	[spmem:s3] =	stream.indirect.scatter.add.f32 [tilespmem:s10], [sflag:$0x3], $0x20, s17, s9, $0xb8;
	[tilespmem:$0x1EE00] =	vst v63  }
0x37: {  	_ =	swait.ge [sflag:s5], $0x8000  }
0x38: {  	[sflag:s5] =	ssyncset.done $0x0  }
0x39: {  	s18 =	simm.s32 $0x1000;
	[sflag:s5] =	ssyncadd.s32 $0xFFFF8000  }
0x3a: {  	[tilespmem:s10], [sflag:$0x1] =	stream.indirect.gather [spmem:s2], $0x20, s18, s9, $0xb8;
	[tilespmem:$0x1EE00] =	vst v63  }
0x3b: {  	_ =	swait.ge [sflag:s14], $0x8000  }
0x3c: {  	[sflag:s14] =	ssyncset.done $0x0  }
0x3d: {  	s19 =	simm.s32 $0x3400;
	[sflag:s14] =	ssyncadd.s32 $0xFFFF8000  }
0x3e: {  	[spmem:s3] =	stream.indirect.scatter.add.f32 [tilespmem:s11], [sflag:$0x3], $0x20, s19, s9, $0xb8;
	[tilespmem:$0x1EE00] =	vst v63  }
0x3f: {  	_ =	swait.ge [sflag:s5], $0x8000  }
0x40: {  	[sflag:s5] =	ssyncset.done $0x0  }
0x41: {  	s20 =	simm.s32 $0x1400;
	[sflag:s5] =	ssyncadd.s32 $0xFFFF8000  }
0x42: {  	[tilespmem:s11], [sflag:$0x2] =	stream.indirect.gather [spmem:s2], $0x20, s20, s9, $0xb8;
	[tilespmem:$0x1EE00] =	vst v63  }
0x43: {  	_ =	swait.ge [sflag:s12], $0x8000  }
0x44: {  	[sflag:s12] =	ssyncset.done $0x0  }
0x45: {  	s21 =	simm.s32 $0x3800;
	[sflag:s12] =	ssyncadd.s32 $0xFFFF8000  }
0x46: {  	[spmem:s3] =	stream.indirect.scatter.add.f32 [tilespmem:s10], [sflag:$0x3], $0x20, s21, s9, $0xb8;
	[tilespmem:$0x1EE00] =	vst v63  }
0x47: {  	_ =	swait.ge [sflag:s5], $0x8000  }
0x48: {  	[sflag:s5] =	ssyncset.done $0x0  }
0x49: {  	s22 =	simm.s32 $0x1800;
	[sflag:s5] =	ssyncadd.s32 $0xFFFF8000  }
0x4a: {  	[tilespmem:s10], [sflag:$0x1] =	stream.indirect.gather [spmem:s2], $0x20, s22, s9, $0xb8;
	[tilespmem:$0x1EE00] =	vst v63  }
0x4b: {  	_ =	swait.ge [sflag:s14], $0x8000  }
0x4c: {  	[sflag:s14] =	ssyncset.done $0x0  }
0x4d: {  	s23 =	simm.s32 $0x3C00;
	[sflag:s14] =	ssyncadd.s32 $0xFFFF8000  }
0x4e: {  	[spmem:s3] =	stream.indirect.scatter.add.f32 [tilespmem:s11], [sflag:$0x3], $0x20, s23, s9, $0xb8;
	[tilespmem:$0x1EE00] =	vst v63  }
0x4f: {  	_ =	swait.ge [sflag:s5], $0x8000  }
0x50: {  	[sflag:s5] =	ssyncset.done $0x0  }
0x51: {  	s24 =	simm.s32 $0x1C00;
	[sflag:s5] =	ssyncadd.s32 $0xFFFF8000  }
0x52: {  	[tilespmem:s11], [sflag:$0x2] =	stream.indirect.gather [spmem:s2], $0x20, s24, s9, $0xb8;
	[tilespmem:$0x1EE00] =	vst v63  }
0x53: {  	_ =	swait.ge [sflag:s12], $0x8000  }
0x54: {  	[sflag:s12] =	ssyncset.done $0x0  }
0x55: {  	s25 =	simm.s32 $0x4000;
	[sflag:s12] =	ssyncadd.s32 $0xFFFF8000  }
0x56: {  	[spmem:s3] =	stream.indirect.scatter.add.f32 [tilespmem:s10], [sflag:$0x3], $0x20, s25, s9, $0xb8;
	[tilespmem:$0x1EE00] =	vst v63  }
0x57: {  	_ =	swait.ge [sflag:s5], $0x8000  }
0x58: {  	[sflag:s5] =	ssyncset.done $0x0  }
0x59: {  	s26 =	simm.s32 $0x2000;
	[sflag:s5] =	ssyncadd.s32 $0xFFFF8000  }
0x5a: {  	[tilespmem:s10], [sflag:$0x1] =	stream.indirect.gather [spmem:s2], $0x20, s26, s9, $0xb8;
	[tilespmem:$0x1EE00] =	vst v63  }
0x5b: {  	_ =	swait.ge [sflag:s14], $0x8000  }
0x5c: {  	[sflag:s14] =	ssyncset.done $0x0  }
0x5d: {  	s28 =	simm.s32 $0x4400;
	[sflag:s14] =	ssyncadd.s32 $0xFFFF8000  }
0x5e: {  	[spmem:s3] =	stream.indirect.scatter.add.f32 [tilespmem:s11], [sflag:$0x3], $0x20, s28, s9, $0xb8;
	[tilespmem:$0x1EE00] =	vst v63  }
0x5f: {  	_ =	swait.ge [sflag:s5], $0x8000  }
0x60: {  	[sflag:s5] =	ssyncset.done $0x0  }
0x61: {  	s29 =	simm.s32 $0x2400;
	[sflag:s5] =	ssyncadd.s32 $0xFFFF8000  }
0x62: {  	[tilespmem:s11], [sflag:$0x2] =	stream.indirect.gather [spmem:s2], $0x20, s29, s9, $0xb8;
	[tilespmem:$0x1EE00] =	vst v63  }
0x63: {  	_ =	swait.ge [sflag:s12], $0x8000  }
0x64: {  	[sflag:s12] =	ssyncset.done $0x0  }
0x65: {  	s30 =	simm.s32 $0x4800;
	[sflag:s12] =	ssyncadd.s32 $0xFFFF8000  }
0x66: {  	[spmem:s3] =	stream.indirect.scatter.add.f32 [tilespmem:s10], [sflag:$0x3], $0x20, s30, s9, $0xb8;
	[tilespmem:$0x1EE00] =	vst v63  }
0x67: {  	_ =	swait.ge [sflag:s5], $0x8000  }
0x68: {  	[sflag:s5] =	ssyncset.done $0x0  }
0x69: {  	[sflag:s5] =	ssyncadd.s32 $0xFFFF8000  }
0x6a: {  	s1 =	ssub.s32 $0x2, s1;
	_ =	swait.ge [sflag:s14], $0x8000  }
0x6b: {  	s0 =	sshrl.u32 s1, $0x1;
	[sflag:s14] =	ssyncset.done $0x0  }
0x6c: {  	s31 =	simm.s32 $0x4C00;
	s0 =	ssub.s32 s1, s0;
	[sflag:s14] =	ssyncadd.s32 $0xFFFF8000  }
0x6d: {  	[spmem:s3] =	stream.indirect.scatter.add.f32 [tilespmem:s11], [sflag:$0x3], $0x20, s31, s9, $0xb8;
	[tilespmem:$0x1EE00] =	vst v63  }
0x6e: {  	s0 =	smax.u32 s0, $0x1;
	_ =	swait.ge [sflag:s5], $0x8000  }
0x6f: {  	p0 =	sne.s32 s0, $0x1;
	[sflag:s5] =	ssyncset.done $0x0  }
.Ltmp0:
0x70: {  	[sflag:s5] =	ssyncadd.s32 $0xFFFF8000;
	(pc) =	sbr.rel @!p0 .LBB2_2-.Ltmp0, $4  }
0x71: {  	[bflag:$0x0] =	sbarrier.arrive $0xFFFF  }
0x72: {  	s13 =	rddreg [dreg:$0x9]  }
0x73: {  	[hbm:s13], [sflag:s7] =	dma.local [spmem:s8], $0x9E0  }
0x74: {  	s1 =	sadd.s32 $0xFFFFFFFF, s0;
	_ =	swait.ge [sflag:s5], $0x9E0  }
.LBB2_1:
0x75: {  	[sflag:s5] =	ssyncset.done $0x0  }
0x76: {  	s0 =	rddreg [dreg:$0x6];
	[sflag:s5] =	ssyncadd.s32 $0xFFFFF620  }
0x77: {  	[tilespmem:s4], [sflag:$0x3] =	stream.linear.gather [hbm4b:s0+s4], $0x2800, $0x38;
	[tilespmem:$0x1EE00] =	vst v63  }
0x78: {  	_ =	swait.ge [sflag:s5], $0x2800  }
0x79: {  	[sflag:s5] =	ssyncset.done $0x0  }
0x7a: {  	s13 =	rddreg [dreg:$0x7];
	[sflag:s5] =	ssyncadd.s32 $0xFFFFD800  }
0x7b: {  	[tilespmem:s6], [sflag:$0x3] =	stream.linear.gather [hbm4b:s13+s4], $0x2800, $0x38;
	[tilespmem:$0x1EE00] =	vst v63  }
0x7c: {  	_ =	swait.ge [sflag:s5], $0x2800  }
0x7d: {  	[sflag:s5] =	ssyncset.done $0x0;
	s0 =	rddreg [dreg:$0x8]  }
0x7e: {  	s13 =	rddreg [dreg:$0xa];
	[sflag:s5] =	ssyncadd.s32 $0xFFFFD800  }
0x7f: {  	[spmem:s13], [sflag:s7] =	dma.local [hbm:s0], $0x9E0  }
0x80: {  	_ =	swait.ge [sflag:s5], $0x9E0  }
0x81: {  	[sflag:s5] =	ssyncset.done $0x0  }
0x82: {  	s13 =	rddreg [dreg:$0x5];
	[sflag:s5] =	ssyncadd.s32 $0xFFFFF620  }
0x83: {  	[spmem:s8], [sflag:s7] =	dma.local [hbm:s13], $0x9E0  }
0x84: {  	_ =	swait.ge [sflag:s5], $0x9E0  }
0x85: {  	[sflag:s5] =	ssyncset.done $0x0  }
0x86: {  	[sflag:s5] =	ssyncadd.s32 $0xFFFFF620  }
0x87: {  	[bflag:$0x0] =	sbarrier.arrive $0xFFFF  }
0x88: {  	[tilespmem:s10], [sflag:$0x1] =	stream.indirect.gather [spmem:s2], $0x20, s4, s9, $0xb8;
	[tilespmem:$0x1EE00] =	vst v63  }
0x89: {  	_ = 	snop  }
0x8a: {  	[tilespmem:s11], [sflag:$0x2] =	stream.indirect.gather [spmem:s2], $0x20, s9, s9, $0xb8;
	[tilespmem:$0x1EE00] =	vst v63  }
0x8b: {  	_ =	swait.ge [sflag:s12], $0x8000  }
0x8c: {  	[sflag:s12] =	ssyncset.done $0x0  }
0x8d: {  	[sflag:s12] =	ssyncadd.s32 $0xFFFF8000  }
0x8e: {  	[spmem:s3] =	stream.indirect.scatter.add.f32 [tilespmem:s10], [sflag:$0x3], $0x20, s6, s9, $0xb8;
	[tilespmem:$0x1EE00] =	vst v63  }
0x8f: {  	_ =	swait.ge [sflag:s5], $0x8000  }
0x90: {  	[sflag:s5] =	ssyncset.done $0x0  }
0x91: {  	s13 =	simm.s32 $0x800;
	[sflag:s5] =	ssyncadd.s32 $0xFFFF8000  }
0x92: {  	[tilespmem:s10], [sflag:$0x1] =	stream.indirect.gather [spmem:s2], $0x20, s13, s9, $0xb8;
	[tilespmem:$0x1EE00] =	vst v63  }
0x93: {  	_ =	swait.ge [sflag:s14], $0x8000  }
0x94: {  	[sflag:s14] =	ssyncset.done $0x0  }
0x95: {  	[sflag:s14] =	ssyncadd.s32 $0xFFFF8000  }
0x96: {  	[spmem:s3] =	stream.indirect.scatter.add.f32 [tilespmem:s11], [sflag:$0x3], $0x20, s15, s9, $0xb8;
	[tilespmem:$0x1EE00] =	vst v63  }
0x97: {  	_ =	swait.ge [sflag:s5], $0x8000  }
0x98: {  	[sflag:s5] =	ssyncset.done $0x0  }
0x99: {  	[sflag:s5] =	ssyncadd.s32 $0xFFFF8000  }
0x9a: {  	[tilespmem:s11], [sflag:$0x2] =	stream.indirect.gather [spmem:s2], $0x20, s16, s9, $0xb8;
	[tilespmem:$0x1EE00] =	vst v63  }
0x9b: {  	_ =	swait.ge [sflag:s12], $0x8000  }
0x9c: {  	[sflag:s12] =	ssyncset.done $0x0  }
0x9d: {  	[sflag:s12] =	ssyncadd.s32 $0xFFFF8000  }
0x9e: {  	[spmem:s3] =	stream.indirect.scatter.add.f32 [tilespmem:s10], [sflag:$0x3], $0x20, s17, s9, $0xb8;
	[tilespmem:$0x1EE00] =	vst v63  }
0x9f: {  	_ =	swait.ge [sflag:s5], $0x8000  }
0xa0: {  	[sflag:s5] =	ssyncset.done $0x0  }
0xa1: {  	[sflag:s5] =	ssyncadd.s32 $0xFFFF8000  }
0xa2: {  	[tilespmem:s10], [sflag:$0x1] =	stream.indirect.gather [spmem:s2], $0x20, s18, s9, $0xb8;
	[tilespmem:$0x1EE00] =	vst v63  }
0xa3: {  	_ =	swait.ge [sflag:s14], $0x8000  }
0xa4: {  	[sflag:s14] =	ssyncset.done $0x0  }
0xa5: {  	[sflag:s14] =	ssyncadd.s32 $0xFFFF8000  }
0xa6: {  	[spmem:s3] =	stream.indirect.scatter.add.f32 [tilespmem:s11], [sflag:$0x3], $0x20, s19, s9, $0xb8;
	[tilespmem:$0x1EE00] =	vst v63  }
0xa7: {  	_ =	swait.ge [sflag:s5], $0x8000  }
0xa8: {  	[sflag:s5] =	ssyncset.done $0x0  }
0xa9: {  	[sflag:s5] =	ssyncadd.s32 $0xFFFF8000  }
0xaa: {  	[tilespmem:s11], [sflag:$0x2] =	stream.indirect.gather [spmem:s2], $0x20, s20, s9, $0xb8;
	[tilespmem:$0x1EE00] =	vst v63  }
0xab: {  	_ =	swait.ge [sflag:s12], $0x8000  }
0xac: {  	[sflag:s12] =	ssyncset.done $0x0  }
0xad: {  	[sflag:s12] =	ssyncadd.s32 $0xFFFF8000  }
0xae: {  	[spmem:s3] =	stream.indirect.scatter.add.f32 [tilespmem:s10], [sflag:$0x3], $0x20, s21, s9, $0xb8;
	[tilespmem:$0x1EE00] =	vst v63  }
0xaf: {  	_ =	swait.ge [sflag:s5], $0x8000  }
0xb0: {  	[sflag:s5] =	ssyncset.done $0x0  }
0xb1: {  	[sflag:s5] =	ssyncadd.s32 $0xFFFF8000  }
0xb2: {  	[tilespmem:s10], [sflag:$0x1] =	stream.indirect.gather [spmem:s2], $0x20, s22, s9, $0xb8;
	[tilespmem:$0x1EE00] =	vst v63  }
0xb3: {  	_ =	swait.ge [sflag:s14], $0x8000  }
0xb4: {  	[sflag:s14] =	ssyncset.done $0x0  }
0xb5: {  	[sflag:s14] =	ssyncadd.s32 $0xFFFF8000  }
0xb6: {  	[spmem:s3] =	stream.indirect.scatter.add.f32 [tilespmem:s11], [sflag:$0x3], $0x20, s23, s9, $0xb8;
	[tilespmem:$0x1EE00] =	vst v63  }
0xb7: {  	_ =	swait.ge [sflag:s5], $0x8000  }
0xb8: {  	[sflag:s5] =	ssyncset.done $0x0  }
0xb9: {  	[sflag:s5] =	ssyncadd.s32 $0xFFFF8000  }
0xba: {  	[tilespmem:s11], [sflag:$0x2] =	stream.indirect.gather [spmem:s2], $0x20, s24, s9, $0xb8;
	[tilespmem:$0x1EE00] =	vst v63  }
0xbb: {  	_ =	swait.ge [sflag:s12], $0x8000  }
0xbc: {  	[sflag:s12] =	ssyncset.done $0x0  }
0xbd: {  	[sflag:s12] =	ssyncadd.s32 $0xFFFF8000  }
0xbe: {  	[spmem:s3] =	stream.indirect.scatter.add.f32 [tilespmem:s10], [sflag:$0x3], $0x20, s25, s9, $0xb8;
	[tilespmem:$0x1EE00] =	vst v63  }
0xbf: {  	_ =	swait.ge [sflag:s5], $0x8000  }
0xc0: {  	[sflag:s5] =	ssyncset.done $0x0  }
0xc1: {  	[sflag:s5] =	ssyncadd.s32 $0xFFFF8000  }
0xc2: {  	[tilespmem:s10], [sflag:$0x1] =	stream.indirect.gather [spmem:s2], $0x20, s26, s9, $0xb8;
	[tilespmem:$0x1EE00] =	vst v63  }
0xc3: {  	_ =	swait.ge [sflag:s14], $0x8000  }
0xc4: {  	[sflag:s14] =	ssyncset.done $0x0  }
0xc5: {  	[sflag:s14] =	ssyncadd.s32 $0xFFFF8000  }
0xc6: {  	[spmem:s3] =	stream.indirect.scatter.add.f32 [tilespmem:s11], [sflag:$0x3], $0x20, s28, s9, $0xb8;
	[tilespmem:$0x1EE00] =	vst v63  }
0xc7: {  	_ =	swait.ge [sflag:s5], $0x8000  }
0xc8: {  	[sflag:s5] =	ssyncset.done $0x0  }
0xc9: {  	[sflag:s5] =	ssyncadd.s32 $0xFFFF8000  }
0xca: {  	[tilespmem:s11], [sflag:$0x2] =	stream.indirect.gather [spmem:s2], $0x20, s29, s9, $0xb8;
	[tilespmem:$0x1EE00] =	vst v63  }
0xcb: {  	_ =	swait.ge [sflag:s12], $0x8000  }
0xcc: {  	[sflag:s12] =	ssyncset.done $0x0  }
0xcd: {  	[sflag:s12] =	ssyncadd.s32 $0xFFFF8000  }
0xce: {  	[spmem:s3] =	stream.indirect.scatter.add.f32 [tilespmem:s10], [sflag:$0x3], $0x20, s30, s9, $0xb8;
	[tilespmem:$0x1EE00] =	vst v63  }
0xcf: {  	_ =	swait.ge [sflag:s5], $0x8000  }
0xd0: {  	[sflag:s5] =	ssyncset.done $0x0  }
0xd1: {  	[sflag:s5] =	ssyncadd.s32 $0xFFFF8000  }
0xd2: {  	_ =	swait.ge [sflag:s14], $0x8000  }
0xd3: {  	[sflag:s14] =	ssyncset.done $0x0  }
0xd4: {  	[sflag:s14] =	ssyncadd.s32 $0xFFFF8000  }
0xd5: {  	[spmem:s3] =	stream.indirect.scatter.add.f32 [tilespmem:s11], [sflag:$0x3], $0x20, s31, s9, $0xb8;
	[tilespmem:$0x1EE00] =	vst v63  }
0xd6: {  	_ =	swait.ge [sflag:s5], $0x8000  }
0xd7: {  	p0 =	sne.s32 s1, $0x1;
	[sflag:s5] =	ssyncset.done $0x0  }
.Ltmp1:
0xd8: {  	[sflag:s5] =	ssyncadd.s32 $0xFFFF8000;
	(pc) =	sbr.rel @p0 .LBB2_1-.Ltmp1, $4  }
0xd9: {  	[bflag:$0x0] =	sbarrier.arrive $0xFFFF  }
0xda: {  	s13 =	rddreg [dreg:$0x9]  }
0xdb: {  	[hbm:s13], [sflag:s7] =	dma.local [spmem:s8], $0x9E0  }
0xdc: {  	s1 =	sadd.s32 $0xFFFFFFFF, s1;
	_ =	swait.ge [sflag:s5], $0x9E0  }
.LBB2_2:
0xdd: {  	[sflag:s5] =	ssyncset.done $0x0  }
0xde: {  	[sflag:s5] =	ssyncadd.s32 $0xFFFFF620  }
0xdf: {  	_ =	sfence.sel $0x180000  }
0xe0: {  	[bflag:$0x0] =	sbarrier.arrive $0xFFFF  }
0xe1: {  	_ =	strace $0x9000004D  }
0xe2: {  	s0 =	stileid.u32;
	[bflag:$0x2] =	sbarrier.arrive $0xFFFF  }
0xe3: {  	p0 =	sne.s32 s0, $0x0;
	s0 =	rddreg [dreg:$0x4]  }
0xe4: {  	s0 =	sadd.s32 @!p0 $0x100000, s0  }
0xe5: {  	[sflag:s0] =	ssyncadd.tile.s32 @!p0 $0x1;
	_ =	shalt  }
.Lfunc_end2:
_tile_overlayer_lowered:
.L_overlay_start_2:
0xe6: {  	(tag) =	ssettag $0x2  }
0xe7: {  	s0 =	rddreg [dreg:$0x0];
	s2 =	stileid.u32  }
0xe8: {  	s1 =	rddreg [dreg:$0x1];
	p0 =	sne.s32 s2, $0x0  }
0xe9: {  	s3 =	rddreg [dreg:$0x2];
	[bflag:$0x3] =	sbarrier.arrive $0xFFFF;
	s2 =	simm.s32 @!p0 $0x1C03  }
0xea: {  	[timem:s3], [sflag:s2] =	dma.local @!p0 [hbm:s0], s1  }
0xeb: {  	s0 =	simm.s32 @!p0 $0x3  }
0xec: {  	_ =	swait.ge @!p0 [sflag:s0], s1  }
0xed: {  	s1 =	ssub.s32 @!p0 $0x0, s1;
	[sflag:s0] =	ssyncset.done @!p0 $0x0  }
0xee: {  	[sflag:s0] =	ssyncadd.s32 @!p0 s1  }
0xef: {  	[bflag:$0x3] =	sbarrier.arrive $0xFFFF  }
0xf0: {  	_ =	shalt  }

// kernel: kernel.19.cloned.1.call-start
scs
__scs_entry_jumppad:
0x0: {  	(pc) =	sbr.rel $0x88, $3  }
0x1: {  	(tag) =	ssettag $0x0;
	lr =	simm.s32 $0x1  }
0x2: {  	[smem:$0x3F98] =	sst lr;
	_ =	strace $0xD0000000  }
0x3: {  	_ = 	snop  }
0x4: {  	_ = 	snop  }
0x5: {  	_ = 	snop  }
0x6: {  	_ = 	snop  }
0x7: {  	_ = 	snop  }
__scs_overlays_trampoline_lowered:
0x8: {  	[smem:$0x3FA7] =	sst s0  }
0x9: {  	[smem:$0x3FA8] =	sst s1  }
0xa: {  	[smem:$0x3FA9] =	sst s2  }
0xb: {  	[smem:$0x3FAA] =	sst s3  }
0xc: {  	[smem:$0x3FAB] =	sst s4  }
0xd: {  	[smem:$0x3FAC] =	sst s5  }
0xe: {  	[smem:$0x3FAD] =	sst s6  }
0xf: {  	[smem:$0x3FAE] =	sst s7  }
0x10: {  	[smem:$0x3FAF] =	sst s8  }
0x11: {  	[smem:$0x3FB0] =	sst s9;
	s0 =	simm.s32 @!p0 $0x0  }
0x12: {  	s1 =	sld [smem:$0x3F96];
	s0 =	simm.s32 @p0 $0x1  }
0x13: {  	[smem:$0x3FB1] =	sst s0;
	s0 =	simm.s32 @!p1 $0x0  }
0x14: {  	s2 =	sld [smem:$0x3F95];
	s0 =	simm.s32 @p1 $0x1  }
0x15: {  	[smem:$0x3FB2] =	sst s0;
	s0 =	simm.s32 @!p2 $0x0  }
0x16: {  	s3 =	sld [smem:$0x3FDB];
	s0 =	simm.s32 @p2 $0x1  }
0x17: {  	s4 =	simm.s32 $0x1BF5;
	[smem:$0x3FB4] =	sst s0  }
0x18: {  	s0 =	sld [smem:$0x3F97];
	_ =	swait.ge [sflag:s4], $0x0  }
0x19: {  	s7 =	sld [smem:$0x3F98]  }
0x1a: {  	s8 =	sadd.s32 $0xFFFFE003, lr  }
0x1b: {  	s9 =	sadd.s32 $0xFFFFFEF7, lr;
	s5 =	simm.s32 $0xFFFFFFFF;
	p2 =	slt.u32 s8, $0xFFFFF086  }
0x1c: {  	p1 =	slt.u32 s9, $0xF7A;
	s5 =	simm.s32 @!p2 $0x0  }
0x1d: {  	s5 =	simm.s32 @p1 $0x1;
	p0 =	seq.s32 s7, s2  }
0x1e: {  	s7 =	smul.u32 @!p0 $0xF7A, s2;
	p2 =	seq.s32 @!p0 s5, $0x0  }
0x1f: {  	s9 =	smul.u32 $0xF7A, s1;
	s8 =	simm.s32 @!p0 $0x1BF5;
	p2 =	por !p2, p0  }
0x20: {  	[sflag:s8] =	ssyncset.s32 @!p0 $0xFFFFF086;
	s6 =	sadd.s32 @!p0 s3, s7;
	s7 =	simm.s32 @!p0 $0x108  }
0x21: {  	s3 =	sadd.s32 s3, s9;
	s6 =	sadd.s32 @!p0 $0x88, s6;
	s7 =	simm.s32 @p2 $0x1082  }
0x22: {  	[simem:s7], [sflag:s8] =	dma.local @!p0 [hbm:s6], $0xF7A  }
0x23: {  	s9 =	sor.u32 $0xD0000000, s2;
	s6 =	simm.s32 $0x108;
	_ =	swait.ge @!p0 [sflag:s8], $0x0  }
0x24: {  	s3 =	sadd.s32 $0x88, s3;
	s6 =	simm.s32 @!p1 $0x1082;
	[sflag:s4] =	ssyncset.s32 $0xFFFFF086  }
0x25: {  	[simem:s6], [sflag:s4] =	dma.local [hbm:s3], $0xF7A  }
0x26: {  	[smem:$0x3F98] =	sst s1;
	(tag) =	ssettag s2;
	_ =	strace s9  }
0x27: {  	s1 =	sld [smem:$0x3FA8]  }
0x28: {  	s2 =	sld [smem:$0x3FA9]  }
0x29: {  	s4 =	sld [smem:$0x3FAB]  }
0x2a: {  	p0 =	seq.s32 s5, $0x0;
	s5 =	sld [smem:$0x3FAC]  }
0x2b: {  	s6 =	sld [smem:$0x3FAD]  }
0x2c: {  	s7 =	sld [smem:$0x3FAE]  }
0x2d: {  	s3 =	simm.s32 $0x108;
	s8 =	sld [smem:$0x3FAF]  }
0x2e: {  	s3 =	simm.s32 @!p0 $0x1082;
	s9 =	sld [smem:$0x3FB0]  }
0x2f: {  	lr =	sadd.s32 s0, s3;
	s0 =	sld [smem:$0x3FA7]  }
0x30: {  	s3 =	sld [smem:$0x3FAA]  }
0x31: {  	[smem:$0x3FB3] =	sst s10  }
0x32: {  	s10 =	sld [smem:$0x3FB1];
	_ =	sdelay $0x3  }
0x33: {  	p0 =	seq.s32 s10, $0x1;
	s10 =	sld [smem:$0x3FB3];
	_ =	sdelay $0x3  }
0x34: {  	[smem:$0x3FB3] =	sst s10  }
0x35: {  	s10 =	sld [smem:$0x3FB2];
	_ =	sdelay $0x3  }
0x36: {  	p1 =	seq.s32 s10, $0x1;
	s10 =	sld [smem:$0x3FB3];
	_ =	sdelay $0x3  }
0x37: {  	[smem:$0x3FB3] =	sst s10  }
0x38: {  	s10 =	sld [smem:$0x3FB4]  }
0x39: {  	_ = 	snop;
	(pc) =	sbr.ind lr, $3  }
0x3a: {  	_ = 	snop  }
0x3b: {  	_ = 	snop  }
0x3c: {  	p2 =	seq.s32 s10, $0x1;
	s10 =	sld [smem:$0x3FB3]  }
0x3d: {  	_ =	shalt  }
0x3e: {  	_ =	shalt  }
0x3f: {  	_ =	shalt  }
0x40: {  	_ =	shalt  }
0x41: {  	_ =	shalt  }
0x42: {  	_ =	shalt  }
0x43: {  	_ =	shalt  }
0x44: {  	_ =	shalt  }
0x45: {  	_ =	shalt  }
0x46: {  	_ =	shalt  }
0x47: {  	_ =	shalt  }
0x48: {  	_ =	shalt  }
0x49: {  	_ =	shalt  }
0x4a: {  	_ =	shalt  }
0x4b: {  	_ =	shalt  }
0x4c: {  	_ =	shalt  }
0x4d: {  	_ =	shalt  }
0x4e: {  	_ =	shalt  }
0x4f: {  	_ =	shalt  }
0x50: {  	_ =	shalt  }
0x51: {  	_ =	shalt  }
0x52: {  	_ =	shalt  }
0x53: {  	_ =	shalt  }
0x54: {  	_ =	shalt  }
0x55: {  	_ =	shalt  }
0x56: {  	_ =	shalt  }
0x57: {  	_ =	shalt  }
0x58: {  	_ =	shalt  }
0x59: {  	_ =	shalt  }
0x5a: {  	_ =	shalt  }
0x5b: {  	_ =	shalt  }
0x5c: {  	_ =	shalt  }
0x5d: {  	_ =	shalt  }
0x5e: {  	_ =	shalt  }
0x5f: {  	_ =	shalt  }
0x60: {  	_ =	shalt  }
0x61: {  	_ =	shalt  }
0x62: {  	_ =	shalt  }
0x63: {  	_ =	shalt  }
0x64: {  	_ =	shalt  }
0x65: {  	_ =	shalt  }
0x66: {  	_ =	shalt  }
0x67: {  	_ =	shalt  }
0x68: {  	_ =	shalt  }
0x69: {  	_ =	shalt  }
0x6a: {  	_ =	shalt  }
0x6b: {  	_ =	shalt  }
0x6c: {  	_ =	shalt  }
0x6d: {  	_ =	shalt  }
0x6e: {  	_ =	shalt  }
0x6f: {  	_ =	shalt  }
0x70: {  	_ =	shalt  }
0x71: {  	_ =	shalt  }
0x72: {  	_ =	shalt  }
0x73: {  	_ =	shalt  }
0x74: {  	_ =	shalt  }
0x75: {  	_ =	shalt  }
0x76: {  	_ =	shalt  }
0x77: {  	_ =	shalt  }
0x78: {  	_ =	shalt  }
0x79: {  	_ =	shalt  }
0x7a: {  	_ =	shalt  }
0x7b: {  	_ =	shalt  }
0x7c: {  	_ =	shalt  }
0x7d: {  	_ =	shalt  }
0x7e: {  	_ =	shalt  }
0x7f: {  	_ =	shalt  }
0x80: {  	_ =	shalt  }
0x81: {  	_ =	shalt  }
0x82: {  	_ =	shalt  }
0x83: {  	_ =	shalt  }
0x84: {  	_ =	shalt  }
0x85: {  	_ =	shalt  }
0x86: {  	_ =	shalt  }
0x87: {  	_ =	shalt  }
.Lfunc_end0:
.L_simem_size_0:
called_computation.3_lowered:
.L_overlay_start_0:
0x88: {  	s2 =	sld [smem:$0x3FD9]  }
0x89: {  	s3 =	sld [smem:$0x3FFE];
	_ =	sdelay $0x1  }
0x8a: {  	s1 =	srdreg.scid  }
0x8b: {  	s0 =	sand.u32 $0x1, s1  }
0x8c: {  	s17 =	sshll.u32 s0, $0xA;
	s2 =	sadd.s32 s3, s2  }
0x8d: {  	s2 =	sadd.s32 s2, s17  }
0x8e: {  	[smem:$0x3FBF] =	sst s2  }
0x8f: {  	_ = 	snop  }
0x90: {  	s2 =	sld [smem:$0x3FD0];
	(tm) =	ssettm $0x1  }
0x91: {  	s18 =	sld [smem:$0x3FFB];
	_ =	sdelay $0x3  }
0x92: {  	_ =	strace s18  }
0x93: {  	s3 =	sld [smem:$0x3FFC];
	_ =	sdelay $0x3  }
0x94: {  	_ =	strace s3  }
0x95: {  	s3 =	sld [smem:$0x3FFD];
	_ =	sdelay $0x3  }
0x96: {  	_ =	strace s3  }
0x97: {  	_ =	strace $0x8FFFFFFF  }
0x98: {  	s19 =	sld [smem:$0x3FDB];
	_ =	sdelay $0x1  }
0x99: {  	s4 =	simm.s32 $_scs_section_size  }
0x9a: {  	s5 =	simm.s32 $_size__tile_overlayer_lowered;
	s6 =	simm.s32 $_tile_overlayer_lowered  }
0x9b: {  	s22 =	simm.s32 $0x1BFF;
	s21 =	sshll.u32 s6, $0x1;
	s3 =	sadd.s32 s4, s19  }
0x9c: {  	s7 =	simm.s32 $0x0;
	s20 =	sshll.u32 s5, $0x1;
	s5 =	sadd.s32 s21, s3  }
0x9d: {  	[timem:s7], [sflag:s22] =	dma.local [hbm:s5], s20  }
0x9e: {  	_ =	swait.ge [sflag:s22], s20  }
0x9f: {  	s4 =	ssub.s32 $0x0, s20;
	[sflag:s22] =	ssyncset.done $0x0  }
0xa0: {  	[sflag:s22] =	ssyncadd.s32 s4;
	_ =	sdelay $0x1  }
0xa1: {  	s23 =	simm.s32 $0x1B8B  }
0xa2: {  	_ =	swait.ge [sflag:s23], $0x1  }
0xa3: {  	[sflag:s23] =	ssyncset.done $0x0  }
0xa4: {  	s25 =	simm.s32 $0x1B8E;
	s24 =	sld [smem:$0x3FFE];
	[sflag:s23] =	ssyncadd.s32 $0xFFFFFFFF  }
0xa5: {  	s26 =	simm.s32 $execute0_lowered;
	[smem:$0x3FD2] =	sst s25  }
0xa6: {  	s5 =	sshll.u32 s26, $0x1;
	_ =	strace $0x8000004F;
	[dreg:$0x1] =	wrdreg $0xFFFFFFFF  }
0xa7: {  	s28 =	simm.s32 $_size_execute0_lowered;
	s3 =	sadd.s32 s3, s5;
	[dreg:$0x0] =	wrdreg $0x0  }
0xa8: {  	s5 =	sshll.u32 s28, $0x1;
	[dreg:$0x2] =	wrdreg s3  }
0xa9: {  	[dreg:$0x3] =	wrdreg s5  }
0xaa: {  	[dreg:$0x4] =	wrdreg $0xC0  }
0xab: {  	_ =	task [dreg:s7], $0x5FFFF  }
0xac: {  	[dreg:$0x1] =	wrdreg $0xFFFFFFFF  }
0xad: {  	[dreg:$0x0] =	wrdreg $0x60  }
0xae: {  	[dreg:$0x2] =	wrdreg s2  }
0xaf: {  	[dreg:$0x3] =	wrdreg s24  }
0xb0: {  	[dreg:$0x4] =	wrdreg $0xD0000  }
0xb1: {  	[dreg:$0x5] =	wrdreg $0xF7800  }
0xb2: {  	[dreg:$0x6] =	wrdreg $0x9  }
0xb3: {  	_ =	task.clear_ibuf [dreg:s7], $0x7FFFF;
	_ =	strace $0x9000004F  }
0xb4: {  	s29 =	simm.s32 $0x9;
	_ =	strace $0x80000051  }
0xb5: {  	_ =	swait.ge [sflag:s29], $0x1  }
0xb6: {  	[sflag:s29] =	ssyncadd.s32 $0xFFFFFFFF  }
0xb7: {  	_ =	strace $0x90000051  }
0xb8: {  	_ =	sfence  }
0xb9: {  	s30 =	sld [smem:$0x0];
	_ =	sdelay $0x2  }
0xba: {  	s31 =	sshll.u32 s1, $0xD;
	s1 =	sshrl.u32 s1, $0x2  }
0xbb: {  	s3 =	sand.u32 $0x4000, s31;
	s1 =	sadd.s32 s1, s30  }
0xbc: {  	s0 =	sor.u32 s3, s0;
	s1 =	sshll.u32 s1, $0x11  }
0xbd: {  	s0 =	sor.u32 s1, s0  }
0xbe: {  	s0 =	sadd.s32 $0x8F2B, s0  }
0xbf: {  	[sflag:s0] =	ssyncadd.remote.s32 $0x1  }
0xc0: {  	_ =	sfence.sel $0xFFFF  }
0xc1: {  	[dreg:$0x0] =	wrdreg $0xFFFFFFFF;
	(pc) =	sbr.abs _section_cstart, $3  }
0xc2: {  	[dreg:$0x1] =	wrdreg $0xFFFFFFFF  }
0xc3: {  	_ =	task.clear_ibuf [dreg:s7], $0x2FFFF;
	_ =	strace $0x9FFFFFFF  }
0xc4: {  	(tm) =	ssettm $0x7FFFFFFF  }
0xc5: {  	_ =	shalt  }
tec
execute0_lowered:
.L_overlay_start_1:
0x0: {  	(tag) =	ssettag $0x1  }
0x1: {  	s5 =	rddreg [dreg:$0x0]  }
0x2: {  	s0 =	srdreg.scid;
	s6 =	rddreg [dreg:$0x1]  }
0x3: {  	s15 =	stileid.u32;
	s2 =	rddreg [dreg:$0x2];
	s1 =	sand.u32 $0x1, s0  }
0x4: {  	s8 =	smul.u32 $0x2780, s15;
	s10 =	sadd.s32 $0xC400, s6;
	s3 =	sshll.u32 s1, $0x4  }
0x5: {  	s9 =	smul.u32 $0x27800, s1;
	s4 =	sor.u32 s15, s3;
	s3 =	rddreg [dreg:$0x3]  }
0x6: {  	s17 =	sshrl.u32 s8, $0x3;
	s7 =	smul.u32 $0x500, s4;
	s4 =	simm.s32 $0x0  }
0x7: {  	s18 =	sadd.s32 s8, s2;
	s9 =	sadd.s32 s8, s9;
	[smem:$0x7FF] =	sst s4  }
0x8: {  	s5 =	sadd.s32 s5, s17;
	_ =	strace $0x80000050;
	[dreg:$0x5] =	wrdreg s10  }
0x9: {  	s20 =	sshrl.u32 s18, $0x3;
	s7 =	sadd.s32 s7, s6;
	[dreg:$0x8] =	wrdreg s5  }
0xa: {  	s9 =	sshrl.u32 s9, $0x3;
	[dreg:$0xa] =	wrdreg s20;
	s16 =	sadd.s32 $0xCC00, s7  }
0xb: {  	s6 =	sadd.s32 s9, s6;
	s7 =	sadd.s32 $0x2400, s7;
	[dreg:$0x6] =	wrdreg s16  }
0xc: {  	s6 =	sadd.s32 $0x65C00, s6;
	[dreg:$0x7] =	wrdreg s7  }
0xd: {  	[dreg:$0x9] =	wrdreg s6  }
0xe: {  	s5 =	simm.s32 $0x3;
	s19 =	rddreg [dreg:$0x6]  }
0xf: {  	[tilespmem:s4], [sflag:$0x3] =	stream.linear.gather [hbm4b:s19+s4], $0x2800, $0x38;
	[tilespmem:$0x11F00] =	vst v63  }
0x10: {  	_ =	swait.ge [sflag:s5], $0x2800  }
0x11: {  	[sflag:s5] =	ssyncset.done $0x0  }
0x12: {  	s6 =	simm.s32 $0x2800;
	s21 =	rddreg [dreg:$0x7];
	[sflag:s5] =	ssyncadd.s32 $0xFFFFD800  }
0x13: {  	[tilespmem:s6], [sflag:$0x3] =	stream.linear.gather [hbm4b:s21+s4], $0x2800, $0x38;
	[tilespmem:$0x11F00] =	vst v63  }
0x14: {  	_ =	swait.ge [sflag:s5], $0x2800  }
0x15: {  	s24 =	sshll.u32 s15, $0x6;
	s22 =	rddreg [dreg:$0x8];
	[sflag:s5] =	ssyncset.done $0x0  }
0x16: {  	s7 =	sor.u32 $0x1C03, s24;
	s23 =	rddreg [dreg:$0xa];
	[sflag:s5] =	ssyncadd.s32 $0xFFFFD800  }
0x17: {  	[spmem:s23], [sflag:s7] =	dma.local [hbm:s22], $0x4F0  }
0x18: {  	_ =	swait.ge [sflag:s5], $0x4F0  }
0x19: {  	s8 =	sadd.s32 s8, s3;
	[sflag:s5] =	ssyncset.done $0x0  }
0x1a: {  	s8 =	sshrl.u32 s8, $0x3;
	s25 =	rddreg [dreg:$0x5];
	[sflag:s5] =	ssyncadd.s32 $0xFFFFFB10  }
0x1b: {  	[spmem:s8], [sflag:s7] =	dma.local [hbm:s25], $0x4F0  }
0x1c: {  	_ =	swait.ge [sflag:s5], $0x4F0  }
0x1d: {  	[sflag:s5] =	ssyncset.done $0x0  }
0x1e: {  	[sflag:s5] =	ssyncadd.s32 $0xFFFFFB10  }
0x1f: {  	s9 =	simm.s32 $0x400;
	s10 =	simm.s32 $0x5000;
	[bflag:$0x0] =	sbarrier.arrive $0xFFFF  }
0x20: {  	[tilespmem:s10], [sflag:$0x1] =	stream.indirect.gather [spmem:s2], $0x10, s4, s9, $0xb8;
	[tilespmem:$0x11F00] =	vst v63  }
0x21: {  	s11 =	simm.s32 $0x9000;
	s12 =	simm.s32 $0x1  }
0x22: {  	[tilespmem:s11], [sflag:$0x2] =	stream.indirect.gather [spmem:s2], $0x10, s9, s9, $0xb8;
	[tilespmem:$0x11F00] =	vst v63  }
0x23: {  	_ =	swait.ge [sflag:s12], $0x4000  }
0x24: {  	[sflag:s12] =	ssyncset.done $0x0  }
0x25: {  	[sflag:s12] =	ssyncadd.s32 $0xFFFFC000  }
0x26: {  	[spmem:s3] =	stream.indirect.scatter.add.f32 [tilespmem:s10], [sflag:$0x3], $0x10, s6, s9, $0xb8;
	[tilespmem:$0x11F00] =	vst v63  }
0x27: {  	_ =	swait.ge [sflag:s5], $0x4000  }
0x28: {  	[sflag:s5] =	ssyncset.done $0x0  }
0x29: {  	s26 =	simm.s32 $0x800;
	s14 =	simm.s32 $0x2;
	[sflag:s5] =	ssyncadd.s32 $0xFFFFC000  }
0x2a: {  	[tilespmem:s10], [sflag:$0x1] =	stream.indirect.gather [spmem:s2], $0x10, s26, s9, $0xb8;
	[tilespmem:$0x11F00] =	vst v63  }
0x2b: {  	_ =	swait.ge [sflag:s14], $0x4000  }
0x2c: {  	[sflag:s14] =	ssyncset.done $0x0  }
0x2d: {  	s15 =	simm.s32 $0x2C00;
	[sflag:s14] =	ssyncadd.s32 $0xFFFFC000  }
0x2e: {  	[spmem:s3] =	stream.indirect.scatter.add.f32 [tilespmem:s11], [sflag:$0x3], $0x10, s15, s9, $0xb8;
	[tilespmem:$0x11F00] =	vst v63  }
0x2f: {  	_ =	swait.ge [sflag:s5], $0x4000  }
0x30: {  	[sflag:s5] =	ssyncset.done $0x0  }
0x31: {  	s16 =	simm.s32 $0xC00;
	[sflag:s5] =	ssyncadd.s32 $0xFFFFC000  }
0x32: {  	[tilespmem:s11], [sflag:$0x2] =	stream.indirect.gather [spmem:s2], $0x10, s16, s9, $0xb8;
	[tilespmem:$0x11F00] =	vst v63  }
0x33: {  	_ =	swait.ge [sflag:s12], $0x4000  }
0x34: {  	[sflag:s12] =	ssyncset.done $0x0  }
0x35: {  	s17 =	simm.s32 $0x3000;
	[sflag:s12] =	ssyncadd.s32 $0xFFFFC000  }
0x36: {  	[spmem:s3] =	stream.indirect.scatter.add.f32 [tilespmem:s10], [sflag:$0x3], $0x10, s17, s9, $0xb8;
	[tilespmem:$0x11F00] =	vst v63  }
0x37: {  	_ =	swait.ge [sflag:s5], $0x4000  }
0x38: {  	[sflag:s5] =	ssyncset.done $0x0  }
0x39: {  	s18 =	simm.s32 $0x1000;
	[sflag:s5] =	ssyncadd.s32 $0xFFFFC000  }
0x3a: {  	[tilespmem:s10], [sflag:$0x1] =	stream.indirect.gather [spmem:s2], $0x10, s18, s9, $0xb8;
	[tilespmem:$0x11F00] =	vst v63  }
0x3b: {  	_ =	swait.ge [sflag:s14], $0x4000  }
0x3c: {  	[sflag:s14] =	ssyncset.done $0x0  }
0x3d: {  	s19 =	simm.s32 $0x3400;
	[sflag:s14] =	ssyncadd.s32 $0xFFFFC000  }
0x3e: {  	[spmem:s3] =	stream.indirect.scatter.add.f32 [tilespmem:s11], [sflag:$0x3], $0x10, s19, s9, $0xb8;
	[tilespmem:$0x11F00] =	vst v63  }
0x3f: {  	_ =	swait.ge [sflag:s5], $0x4000  }
0x40: {  	[sflag:s5] =	ssyncset.done $0x0  }
0x41: {  	s20 =	simm.s32 $0x1400;
	[sflag:s5] =	ssyncadd.s32 $0xFFFFC000  }
0x42: {  	[tilespmem:s11], [sflag:$0x2] =	stream.indirect.gather [spmem:s2], $0x10, s20, s9, $0xb8;
	[tilespmem:$0x11F00] =	vst v63  }
0x43: {  	_ =	swait.ge [sflag:s12], $0x4000  }
0x44: {  	[sflag:s12] =	ssyncset.done $0x0  }
0x45: {  	s21 =	simm.s32 $0x3800;
	[sflag:s12] =	ssyncadd.s32 $0xFFFFC000  }
0x46: {  	[spmem:s3] =	stream.indirect.scatter.add.f32 [tilespmem:s10], [sflag:$0x3], $0x10, s21, s9, $0xb8;
	[tilespmem:$0x11F00] =	vst v63  }
0x47: {  	_ =	swait.ge [sflag:s5], $0x4000  }
0x48: {  	[sflag:s5] =	ssyncset.done $0x0  }
0x49: {  	s22 =	simm.s32 $0x1800;
	[sflag:s5] =	ssyncadd.s32 $0xFFFFC000  }
0x4a: {  	[tilespmem:s10], [sflag:$0x1] =	stream.indirect.gather [spmem:s2], $0x10, s22, s9, $0xb8;
	[tilespmem:$0x11F00] =	vst v63  }
0x4b: {  	_ =	swait.ge [sflag:s14], $0x4000  }
0x4c: {  	[sflag:s14] =	ssyncset.done $0x0  }
0x4d: {  	s23 =	simm.s32 $0x3C00;
	[sflag:s14] =	ssyncadd.s32 $0xFFFFC000  }
0x4e: {  	[spmem:s3] =	stream.indirect.scatter.add.f32 [tilespmem:s11], [sflag:$0x3], $0x10, s23, s9, $0xb8;
	[tilespmem:$0x11F00] =	vst v63  }
0x4f: {  	_ =	swait.ge [sflag:s5], $0x4000  }
0x50: {  	[sflag:s5] =	ssyncset.done $0x0  }
0x51: {  	s24 =	simm.s32 $0x1C00;
	[sflag:s5] =	ssyncadd.s32 $0xFFFFC000  }
0x52: {  	[tilespmem:s11], [sflag:$0x2] =	stream.indirect.gather [spmem:s2], $0x10, s24, s9, $0xb8;
	[tilespmem:$0x11F00] =	vst v63  }
0x53: {  	_ =	swait.ge [sflag:s12], $0x4000  }
0x54: {  	[sflag:s12] =	ssyncset.done $0x0  }
0x55: {  	s25 =	simm.s32 $0x4000;
	[sflag:s12] =	ssyncadd.s32 $0xFFFFC000  }
0x56: {  	[spmem:s3] =	stream.indirect.scatter.add.f32 [tilespmem:s10], [sflag:$0x3], $0x10, s25, s9, $0xb8;
	[tilespmem:$0x11F00] =	vst v63  }
0x57: {  	_ =	swait.ge [sflag:s5], $0x4000  }
0x58: {  	[sflag:s5] =	ssyncset.done $0x0  }
0x59: {  	s26 =	simm.s32 $0x2000;
	[sflag:s5] =	ssyncadd.s32 $0xFFFFC000  }
0x5a: {  	[tilespmem:s10], [sflag:$0x1] =	stream.indirect.gather [spmem:s2], $0x10, s26, s9, $0xb8;
	[tilespmem:$0x11F00] =	vst v63  }
0x5b: {  	_ =	swait.ge [sflag:s14], $0x4000  }
0x5c: {  	[sflag:s14] =	ssyncset.done $0x0  }
0x5d: {  	s28 =	simm.s32 $0x4400;
	[sflag:s14] =	ssyncadd.s32 $0xFFFFC000  }
0x5e: {  	[spmem:s3] =	stream.indirect.scatter.add.f32 [tilespmem:s11], [sflag:$0x3], $0x10, s28, s9, $0xb8;
	[tilespmem:$0x11F00] =	vst v63  }
0x5f: {  	_ =	swait.ge [sflag:s5], $0x4000  }
0x60: {  	[sflag:s5] =	ssyncset.done $0x0  }
0x61: {  	s29 =	simm.s32 $0x2400;
	[sflag:s5] =	ssyncadd.s32 $0xFFFFC000  }
0x62: {  	[tilespmem:s11], [sflag:$0x2] =	stream.indirect.gather [spmem:s2], $0x10, s29, s9, $0xb8;
	[tilespmem:$0x11F00] =	vst v63  }
0x63: {  	_ =	swait.ge [sflag:s12], $0x4000  }
0x64: {  	[sflag:s12] =	ssyncset.done $0x0  }
0x65: {  	s30 =	simm.s32 $0x4800;
	[sflag:s12] =	ssyncadd.s32 $0xFFFFC000  }
0x66: {  	[spmem:s3] =	stream.indirect.scatter.add.f32 [tilespmem:s10], [sflag:$0x3], $0x10, s30, s9, $0xb8;
	[tilespmem:$0x11F00] =	vst v63  }
0x67: {  	_ =	swait.ge [sflag:s5], $0x4000  }
0x68: {  	[sflag:s5] =	ssyncset.done $0x0  }
0x69: {  	[sflag:s5] =	ssyncadd.s32 $0xFFFFC000  }
0x6a: {  	s1 =	ssub.s32 $0x2, s1;
	_ =	swait.ge [sflag:s14], $0x4000  }
0x6b: {  	s0 =	sshrl.u32 s1, $0x1;
	[sflag:s14] =	ssyncset.done $0x0  }
0x6c: {  	s31 =	simm.s32 $0x4C00;
	s0 =	ssub.s32 s1, s0;
	[sflag:s14] =	ssyncadd.s32 $0xFFFFC000  }
0x6d: {  	[spmem:s3] =	stream.indirect.scatter.add.f32 [tilespmem:s11], [sflag:$0x3], $0x10, s31, s9, $0xb8;
	[tilespmem:$0x11F00] =	vst v63  }
0x6e: {  	s0 =	smax.u32 s0, $0x1;
	_ =	swait.ge [sflag:s5], $0x4000  }
0x6f: {  	p0 =	sne.s32 s0, $0x1;
	[sflag:s5] =	ssyncset.done $0x0  }
.Ltmp0:
0x70: {  	[sflag:s5] =	ssyncadd.s32 $0xFFFFC000;
	(pc) =	sbr.rel @!p0 .LBB2_2-.Ltmp0, $4  }
0x71: {  	[bflag:$0x0] =	sbarrier.arrive $0xFFFF  }
0x72: {  	s13 =	rddreg [dreg:$0x9]  }
0x73: {  	[hbm:s13], [sflag:s7] =	dma.local [spmem:s8], $0x4F0  }
0x74: {  	s1 =	sadd.s32 $0xFFFFFFFF, s0;
	_ =	swait.ge [sflag:s5], $0x4F0  }
.LBB2_1:
0x75: {  	[sflag:s5] =	ssyncset.done $0x0  }
0x76: {  	s0 =	rddreg [dreg:$0x6];
	[sflag:s5] =	ssyncadd.s32 $0xFFFFFB10  }
0x77: {  	[tilespmem:s4], [sflag:$0x3] =	stream.linear.gather [hbm4b:s0+s4], $0x2800, $0x38;
	[tilespmem:$0x11F00] =	vst v63  }
0x78: {  	_ =	swait.ge [sflag:s5], $0x2800  }
0x79: {  	[sflag:s5] =	ssyncset.done $0x0  }
0x7a: {  	s13 =	rddreg [dreg:$0x7];
	[sflag:s5] =	ssyncadd.s32 $0xFFFFD800  }
0x7b: {  	[tilespmem:s6], [sflag:$0x3] =	stream.linear.gather [hbm4b:s13+s4], $0x2800, $0x38;
	[tilespmem:$0x11F00] =	vst v63  }
0x7c: {  	_ =	swait.ge [sflag:s5], $0x2800  }
0x7d: {  	[sflag:s5] =	ssyncset.done $0x0;
	s0 =	rddreg [dreg:$0x8]  }
0x7e: {  	s13 =	rddreg [dreg:$0xa];
	[sflag:s5] =	ssyncadd.s32 $0xFFFFD800  }
0x7f: {  	[spmem:s13], [sflag:s7] =	dma.local [hbm:s0], $0x4F0  }
0x80: {  	_ =	swait.ge [sflag:s5], $0x4F0  }
0x81: {  	[sflag:s5] =	ssyncset.done $0x0  }
0x82: {  	s13 =	rddreg [dreg:$0x5];
	[sflag:s5] =	ssyncadd.s32 $0xFFFFFB10  }
0x83: {  	[spmem:s8], [sflag:s7] =	dma.local [hbm:s13], $0x4F0  }
0x84: {  	_ =	swait.ge [sflag:s5], $0x4F0  }
0x85: {  	[sflag:s5] =	ssyncset.done $0x0  }
0x86: {  	[sflag:s5] =	ssyncadd.s32 $0xFFFFFB10  }
0x87: {  	[bflag:$0x0] =	sbarrier.arrive $0xFFFF  }
0x88: {  	[tilespmem:s10], [sflag:$0x1] =	stream.indirect.gather [spmem:s2], $0x10, s4, s9, $0xb8;
	[tilespmem:$0x11F00] =	vst v63  }
0x89: {  	_ = 	snop  }
0x8a: {  	[tilespmem:s11], [sflag:$0x2] =	stream.indirect.gather [spmem:s2], $0x10, s9, s9, $0xb8;
	[tilespmem:$0x11F00] =	vst v63  }
0x8b: {  	_ =	swait.ge [sflag:s12], $0x4000  }
0x8c: {  	[sflag:s12] =	ssyncset.done $0x0  }
0x8d: {  	[sflag:s12] =	ssyncadd.s32 $0xFFFFC000  }
0x8e: {  	[spmem:s3] =	stream.indirect.scatter.add.f32 [tilespmem:s10], [sflag:$0x3], $0x10, s6, s9, $0xb8;
	[tilespmem:$0x11F00] =	vst v63  }
0x8f: {  	_ =	swait.ge [sflag:s5], $0x4000  }
0x90: {  	[sflag:s5] =	ssyncset.done $0x0  }
0x91: {  	s13 =	simm.s32 $0x800;
	[sflag:s5] =	ssyncadd.s32 $0xFFFFC000  }
0x92: {  	[tilespmem:s10], [sflag:$0x1] =	stream.indirect.gather [spmem:s2], $0x10, s13, s9, $0xb8;
	[tilespmem:$0x11F00] =	vst v63  }
0x93: {  	_ =	swait.ge [sflag:s14], $0x4000  }
0x94: {  	[sflag:s14] =	ssyncset.done $0x0  }
0x95: {  	[sflag:s14] =	ssyncadd.s32 $0xFFFFC000  }
0x96: {  	[spmem:s3] =	stream.indirect.scatter.add.f32 [tilespmem:s11], [sflag:$0x3], $0x10, s15, s9, $0xb8;
	[tilespmem:$0x11F00] =	vst v63  }
0x97: {  	_ =	swait.ge [sflag:s5], $0x4000  }
0x98: {  	[sflag:s5] =	ssyncset.done $0x0  }
0x99: {  	[sflag:s5] =	ssyncadd.s32 $0xFFFFC000  }
0x9a: {  	[tilespmem:s11], [sflag:$0x2] =	stream.indirect.gather [spmem:s2], $0x10, s16, s9, $0xb8;
	[tilespmem:$0x11F00] =	vst v63  }
0x9b: {  	_ =	swait.ge [sflag:s12], $0x4000  }
0x9c: {  	[sflag:s12] =	ssyncset.done $0x0  }
0x9d: {  	[sflag:s12] =	ssyncadd.s32 $0xFFFFC000  }
0x9e: {  	[spmem:s3] =	stream.indirect.scatter.add.f32 [tilespmem:s10], [sflag:$0x3], $0x10, s17, s9, $0xb8;
	[tilespmem:$0x11F00] =	vst v63  }
0x9f: {  	_ =	swait.ge [sflag:s5], $0x4000  }
0xa0: {  	[sflag:s5] =	ssyncset.done $0x0  }
0xa1: {  	[sflag:s5] =	ssyncadd.s32 $0xFFFFC000  }
0xa2: {  	[tilespmem:s10], [sflag:$0x1] =	stream.indirect.gather [spmem:s2], $0x10, s18, s9, $0xb8;
	[tilespmem:$0x11F00] =	vst v63  }
0xa3: {  	_ =	swait.ge [sflag:s14], $0x4000  }
0xa4: {  	[sflag:s14] =	ssyncset.done $0x0  }
0xa5: {  	[sflag:s14] =	ssyncadd.s32 $0xFFFFC000  }
0xa6: {  	[spmem:s3] =	stream.indirect.scatter.add.f32 [tilespmem:s11], [sflag:$0x3], $0x10, s19, s9, $0xb8;
	[tilespmem:$0x11F00] =	vst v63  }
0xa7: {  	_ =	swait.ge [sflag:s5], $0x4000  }
0xa8: {  	[sflag:s5] =	ssyncset.done $0x0  }
0xa9: {  	[sflag:s5] =	ssyncadd.s32 $0xFFFFC000  }
0xaa: {  	[tilespmem:s11], [sflag:$0x2] =	stream.indirect.gather [spmem:s2], $0x10, s20, s9, $0xb8;
	[tilespmem:$0x11F00] =	vst v63  }
0xab: {  	_ =	swait.ge [sflag:s12], $0x4000  }
0xac: {  	[sflag:s12] =	ssyncset.done $0x0  }
0xad: {  	[sflag:s12] =	ssyncadd.s32 $0xFFFFC000  }
0xae: {  	[spmem:s3] =	stream.indirect.scatter.add.f32 [tilespmem:s10], [sflag:$0x3], $0x10, s21, s9, $0xb8;
	[tilespmem:$0x11F00] =	vst v63  }
0xaf: {  	_ =	swait.ge [sflag:s5], $0x4000  }
0xb0: {  	[sflag:s5] =	ssyncset.done $0x0  }
0xb1: {  	[sflag:s5] =	ssyncadd.s32 $0xFFFFC000  }
0xb2: {  	[tilespmem:s10], [sflag:$0x1] =	stream.indirect.gather [spmem:s2], $0x10, s22, s9, $0xb8;
	[tilespmem:$0x11F00] =	vst v63  }
0xb3: {  	_ =	swait.ge [sflag:s14], $0x4000  }
0xb4: {  	[sflag:s14] =	ssyncset.done $0x0  }
0xb5: {  	[sflag:s14] =	ssyncadd.s32 $0xFFFFC000  }
0xb6: {  	[spmem:s3] =	stream.indirect.scatter.add.f32 [tilespmem:s11], [sflag:$0x3], $0x10, s23, s9, $0xb8;
	[tilespmem:$0x11F00] =	vst v63  }
0xb7: {  	_ =	swait.ge [sflag:s5], $0x4000  }
0xb8: {  	[sflag:s5] =	ssyncset.done $0x0  }
0xb9: {  	[sflag:s5] =	ssyncadd.s32 $0xFFFFC000  }
0xba: {  	[tilespmem:s11], [sflag:$0x2] =	stream.indirect.gather [spmem:s2], $0x10, s24, s9, $0xb8;
	[tilespmem:$0x11F00] =	vst v63  }
0xbb: {  	_ =	swait.ge [sflag:s12], $0x4000  }
0xbc: {  	[sflag:s12] =	ssyncset.done $0x0  }
0xbd: {  	[sflag:s12] =	ssyncadd.s32 $0xFFFFC000  }
0xbe: {  	[spmem:s3] =	stream.indirect.scatter.add.f32 [tilespmem:s10], [sflag:$0x3], $0x10, s25, s9, $0xb8;
	[tilespmem:$0x11F00] =	vst v63  }
0xbf: {  	_ =	swait.ge [sflag:s5], $0x4000  }
0xc0: {  	[sflag:s5] =	ssyncset.done $0x0  }
0xc1: {  	[sflag:s5] =	ssyncadd.s32 $0xFFFFC000  }
0xc2: {  	[tilespmem:s10], [sflag:$0x1] =	stream.indirect.gather [spmem:s2], $0x10, s26, s9, $0xb8;
	[tilespmem:$0x11F00] =	vst v63  }
0xc3: {  	_ =	swait.ge [sflag:s14], $0x4000  }
0xc4: {  	[sflag:s14] =	ssyncset.done $0x0  }
0xc5: {  	[sflag:s14] =	ssyncadd.s32 $0xFFFFC000  }
0xc6: {  	[spmem:s3] =	stream.indirect.scatter.add.f32 [tilespmem:s11], [sflag:$0x3], $0x10, s28, s9, $0xb8;
	[tilespmem:$0x11F00] =	vst v63  }
0xc7: {  	_ =	swait.ge [sflag:s5], $0x4000  }
0xc8: {  	[sflag:s5] =	ssyncset.done $0x0  }
0xc9: {  	[sflag:s5] =	ssyncadd.s32 $0xFFFFC000  }
0xca: {  	[tilespmem:s11], [sflag:$0x2] =	stream.indirect.gather [spmem:s2], $0x10, s29, s9, $0xb8;
	[tilespmem:$0x11F00] =	vst v63  }
0xcb: {  	_ =	swait.ge [sflag:s12], $0x4000  }
0xcc: {  	[sflag:s12] =	ssyncset.done $0x0  }
0xcd: {  	[sflag:s12] =	ssyncadd.s32 $0xFFFFC000  }
0xce: {  	[spmem:s3] =	stream.indirect.scatter.add.f32 [tilespmem:s10], [sflag:$0x3], $0x10, s30, s9, $0xb8;
	[tilespmem:$0x11F00] =	vst v63  }
0xcf: {  	_ =	swait.ge [sflag:s5], $0x4000  }
0xd0: {  	[sflag:s5] =	ssyncset.done $0x0  }
0xd1: {  	[sflag:s5] =	ssyncadd.s32 $0xFFFFC000  }
0xd2: {  	_ =	swait.ge [sflag:s14], $0x4000  }
0xd3: {  	[sflag:s14] =	ssyncset.done $0x0  }
0xd4: {  	[sflag:s14] =	ssyncadd.s32 $0xFFFFC000  }
0xd5: {  	[spmem:s3] =	stream.indirect.scatter.add.f32 [tilespmem:s11], [sflag:$0x3], $0x10, s31, s9, $0xb8;
	[tilespmem:$0x11F00] =	vst v63  }
0xd6: {  	_ =	swait.ge [sflag:s5], $0x4000  }
0xd7: {  	p0 =	sne.s32 s1, $0x1;
	[sflag:s5] =	ssyncset.done $0x0  }
.Ltmp1:
0xd8: {  	[sflag:s5] =	ssyncadd.s32 $0xFFFFC000;
	(pc) =	sbr.rel @p0 .LBB2_1-.Ltmp1, $4  }
0xd9: {  	[bflag:$0x0] =	sbarrier.arrive $0xFFFF  }
0xda: {  	s13 =	rddreg [dreg:$0x9]  }
0xdb: {  	[hbm:s13], [sflag:s7] =	dma.local [spmem:s8], $0x4F0  }
0xdc: {  	s1 =	sadd.s32 $0xFFFFFFFF, s1;
	_ =	swait.ge [sflag:s5], $0x4F0  }
.LBB2_2:
0xdd: {  	[sflag:s5] =	ssyncset.done $0x0  }
0xde: {  	[sflag:s5] =	ssyncadd.s32 $0xFFFFFB10  }
0xdf: {  	_ =	sfence.sel $0x180000  }
0xe0: {  	[bflag:$0x0] =	sbarrier.arrive $0xFFFF  }
0xe1: {  	_ =	strace $0x90000050  }
0xe2: {  	s0 =	stileid.u32;
	[bflag:$0x2] =	sbarrier.arrive $0xFFFF  }
0xe3: {  	p0 =	sne.s32 s0, $0x0;
	s0 =	rddreg [dreg:$0x4]  }
0xe4: {  	s0 =	sadd.s32 @!p0 $0x100000, s0  }
0xe5: {  	[sflag:s0] =	ssyncadd.tile.s32 @!p0 $0x1;
	_ =	shalt  }
.Lfunc_end2:
_tile_overlayer_lowered:
.L_overlay_start_2:
0xe6: {  	(tag) =	ssettag $0x2  }
0xe7: {  	s0 =	rddreg [dreg:$0x0];
	s2 =	stileid.u32  }
0xe8: {  	s1 =	rddreg [dreg:$0x1];
	p0 =	sne.s32 s2, $0x0  }
0xe9: {  	s3 =	rddreg [dreg:$0x2];
	[bflag:$0x3] =	sbarrier.arrive $0xFFFF;
	s2 =	simm.s32 @!p0 $0x1C03  }
0xea: {  	[timem:s3], [sflag:s2] =	dma.local @!p0 [hbm:s0], s1  }
0xeb: {  	s0 =	simm.s32 @!p0 $0x3  }
0xec: {  	_ =	swait.ge @!p0 [sflag:s0], s1  }
0xed: {  	s1 =	ssub.s32 @!p0 $0x0, s1;
	[sflag:s0] =	ssyncset.done @!p0 $0x0  }
0xee: {  	[sflag:s0] =	ssyncadd.s32 @!p0 s1  }
0xef: {  	[bflag:$0x3] =	sbarrier.arrive $0xFFFF  }
0xf0: {  	_ =	shalt  }

</sc_bundles>
